<compile_context>
chip_gen: v7x
topology: tpu7x:2x2x1
jax: 0.10.2.dev20260603
libtpu: 0.0.44.dev20260713+nightly
codegen_flags: <defaults>
</compile_context>

<pallas_src>
import jax
import jax.numpy as jnp
from jax import lax
from jax.experimental import pallas as pl
from jax.experimental.pallas import tpu as pltpu
from jax.experimental.pallas import tpu_sc as plsc

_VOCAB = 1000000
_D = 32
_B = 16384
_L = 50
_T = _B * _L
_H1 = 256
_H2 = 128
_OUT = 4

_NC = 2
_NS = 16
_NW = _NC * _NS
_BAGS_W = _B // _NW
_CB = 32
_NCHUNK = _BAGS_W // _CB
_CT = _CB * _L
_GW = 80
_G = _CT // _GW


def _embag_body(text_hbm, table_hbm, out_hbm,
                idx_v0, idx_v1, rows_v0, rows_v1, out_v,
                isem0, isem1, gsem0, gsem1):
    wid = lax.axis_index("s") * _NC + lax.axis_index("c")
    bag0 = wid * _BAGS_W
    tok0 = bag0 * _L
    idx_bufs = (idx_v0, idx_v1)
    rows_bufs = (rows_v0, rows_v1)
    isems = (isem0, isem1)
    gsems = (gsem0, gsem1)

    def fetch(t, s):
        idx_v, rows_v = idx_bufs[s], rows_bufs[s]
        pltpu.async_copy(
            text_hbm.at[pl.ds(tok0 + t * _CT, _CT)], idx_v, isems[s]
        ).wait()
        for j in range(_G):
            pltpu.async_copy(
                table_hbm.at[idx_v.at[pl.ds(j * _GW, _GW)]],
                rows_v.at[pl.ds(j * _GW, _GW)],
                gsems[s],
            )

    def drain(s):
        rows_v = rows_bufs[s]
        for j in range(_G):
            pltpu.make_async_copy(
                table_hbm.at[idx_bufs[s].at[pl.ds(j * _GW, _GW)]],
                rows_v.at[pl.ds(j * _GW, _GW)],
                gsems[s],
            ).wait()

    def reduce_chunk(t, s):
        rows_v = rows_bufs[s]

        def bag_body(i, c):
            r0 = i * _L
            acc0 = rows_v[r0, pl.ds(0, 16)]
            acc1 = rows_v[r0, pl.ds(16, 16)]
            for r in range(1, _L):
                acc0 = acc0 + rows_v[r0 + r, pl.ds(0, 16)]
                acc1 = acc1 + rows_v[r0 + r, pl.ds(16, 16)]
            out_v[i, pl.ds(0, 16)] = acc0 * (1.0 / _L)
            out_v[i, pl.ds(16, 16)] = acc1 * (1.0 / _L)
            return c

        lax.fori_loop(0, _CB, bag_body, 0)
        pltpu.sync_copy(out_v, out_hbm.at[pl.ds(bag0 + t * _CB, _CB)])

    fetch(0, 0)

    @pl.loop(0, _NCHUNK, step=2)
    def _chunk_pair(t0):
        for b in range(2):
            t = t0 + b

            @pl.when(t + 1 < _NCHUNK)
            def _prefetch():
                fetch(t + 1, 1 - b)

            drain(b)
            reduce_chunk(t, b)


_embag = pl.kernel(
    _embag_body,
    out_type=jax.ShapeDtypeStruct((_B, _D), jnp.float32),
    mesh=plsc.VectorSubcoreMesh(
        core_axis_name="c", subcore_axis_name="s",
        num_cores=_NC, num_subcores=_NS,
    ),
    scratch_types=[
        pltpu.VMEM((_CT,), jnp.int32),
        pltpu.VMEM((_CT,), jnp.int32),
        pltpu.VMEM((_CT, _D), jnp.float32),
        pltpu.VMEM((_CT, _D), jnp.float32),
        pltpu.VMEM((_CB, _D), jnp.float32),
        pltpu.SemaphoreType.DMA,
        pltpu.SemaphoreType.DMA,
        pltpu.SemaphoreType.DMA,
        pltpu.SemaphoreType.DMA,
    ],
    compiler_params=pltpu.CompilerParams(use_tc_tiling_on_sc=False),
)


_BLK = 4096


def _mlp_body(x_ref, w1_ref, b1_ref, w2_ref, b2_ref, w3_ref, b3_ref, o_ref):
    h = lax.dot_general(
        x_ref[...], w1_ref[...], (((1,), (1,)), ((), ())),
        preferred_element_type=jnp.float32,
    )
    h = jnp.maximum(h + b1_ref[...], 0.0)
    h = lax.dot_general(
        h, w2_ref[...], (((1,), (1,)), ((), ())),
        preferred_element_type=jnp.float32,
    )
    h = jnp.maximum(h + b2_ref[...], 0.0)
    o_ref[...] = lax.dot_general(
        h, w3_ref[...], (((1,), (1,)), ((), ())),
        preferred_element_type=jnp.float32,
    ) + b3_ref[...]


_mlp = pl.pallas_call(
    _mlp_body,
    grid=(_B // _BLK,),
    in_specs=[
        pl.BlockSpec((_BLK, _D), lambda i: (i, 0)),
        pl.BlockSpec((_H1, _D), lambda i: (0, 0)),
        pl.BlockSpec((1, _H1), lambda i: (0, 0)),
        pl.BlockSpec((_H2, _H1), lambda i: (0, 0)),
        pl.BlockSpec((1, _H2), lambda i: (0, 0)),
        pl.BlockSpec((_OUT, _H2), lambda i: (0, 0)),
        pl.BlockSpec((1, _OUT), lambda i: (0, 0)),
    ],
    out_specs=pl.BlockSpec((_BLK, _OUT), lambda i: (i, 0)),
    out_shape=jax.ShapeDtypeStruct((_B, _OUT), jnp.float32),
)


@jax.jit
def _run(text, table, W1, b1, W2, b2, W3, b3):
    emb = _embag(text, table)
    return _mlp(emb, W1, b1[None, :], W2, b2[None, :], W3, b3[None, :])


def kernel(text, offsets, table, W1, b1, W2, b2, W3, b3):
    return _run(text, table, W1, b1, W2, b2, W3, b3)

# --- scband reference (transcript-rebuilt; emitter-appended) ---
"""Pipeline reference for scband-text-net-64896955842666 (READ-ONLY COPY).

The authoritative reference and input builder live on the scoring server;
editing this copy changes nothing except your own understanding.
"""

import jax, jax.numpy as jnp
import numpy as np

VOCAB = 1000000
D = 32
B = 16384
L = 50
T = B * L
H1 = 256
H2 = 128
OUT = 4


def setup_inputs(seed: int = 0) -> dict:
    key = jax.random.key(seed)
    k1, k2, k3, k4, k5 = jax.random.split(key, 5)
    text = jax.random.randint(k1, (T,), 0, VOCAB, dtype=jnp.int32)
    offsets = jnp.arange(B, dtype=jnp.int32) * L
    table = jax.random.uniform(k2, (VOCAB, D), minval=-0.5, maxval=0.5, dtype=jnp.float32)
    W1 = jax.random.uniform(k3, (H1, D), minval=-0.5, maxval=0.5, dtype=jnp.float32)
    b1 = jnp.zeros((H1,), dtype=jnp.float32)
    W2 = jax.random.uniform(k4, (H2, H1), minval=-0.5, maxval=0.5, dtype=jnp.float32)
    b2 = jnp.zeros((H2,), dtype=jnp.float32)
    W3 = jax.random.uniform(k5, (OUT, H2), minval=-0.5, maxval=0.5, dtype=jnp.float32)
    b3 = jnp.zeros((OUT,), dtype=jnp.float32)
    return {"text": text, "offsets": offsets, "table": table,
            "W1": W1, "b1": b1, "W2": W2, "b2": b2, "W3": W3, "b3": b3}


def reference(text, offsets, table, W1, b1, W2, b2, W3, b3):
    # EmbeddingBag (mode='mean', sparse=True): gather then per-bag mean via segment reduce
    gathered = jnp.take(table, text, axis=0)  # [T, D]
    positions = jnp.arange(T, dtype=jnp.int32)
    seg = jnp.searchsorted(offsets, positions, side='right').astype(jnp.int32) - 1  # [T]
    sums = jax.ops.segment_sum(gathered, seg, num_segments=B)  # [B, D]
    counts = jax.ops.segment_sum(jnp.ones((T,), dtype=jnp.float32), seg, num_segments=B)  # [B]
    embedded = sums / jnp.maximum(counts, 1.0)[:, None]
    # MLP head (dropout is identity in eval mode)
    h = jax.nn.relu(embedded @ W1.T + b1)
    h = jax.nn.relu(h @ W2.T + b2)
    out = h @ W3.T + b3
    return out

if __name__ == "__main__":
    import jax
    _d = setup_inputs()
    print(jax.jit(kernel)(*tuple(_d.values())))

</pallas_src>

<mosaic_0001>
#map = affine_map<(d0, d1) -> (0)>
#map1 = affine_map<(d0, d1) -> (0, 0)>
module attributes {stable_mosaic.version = 14 : i64} {
  func.func @_embag_body(%arg0: i32, %arg1: i32, %arg2: memref<819200xi32, #tpu.memory_space<hbm>>, %arg3: memref<1000000x32xf32, #tpu.memory_space<hbm>>, %arg4: memref<16384x32xf32, #tpu.memory_space<hbm>>, %arg5: memref<1600xi32, #tpu.memory_space<vmem>>, %arg6: memref<1600xi32, #tpu.memory_space<vmem>>, %arg7: memref<1600x32xf32, #tpu.memory_space<vmem>>, %arg8: memref<1600x32xf32, #tpu.memory_space<vmem>>, %arg9: memref<32x32xf32, #tpu.memory_space<vmem>>, %arg10: memref<!tpu.dma_semaphore, #tpu.memory_space<semaphore_mem>>, %arg11: memref<!tpu.dma_semaphore, #tpu.memory_space<semaphore_mem>>, %arg12: memref<!tpu.dma_semaphore, #tpu.memory_space<semaphore_mem>>, %arg13: memref<!tpu.dma_semaphore, #tpu.memory_space<semaphore_mem>>) attributes {dimension_semantics = [#tpu.dimension_semantics<core_parallel>, #tpu.dimension_semantics<subcore_parallel>], iteration_bounds = array<i64: 2, 16>, scalar_prefetch = 0 : i64, scratch_operands = 9 : i64, tpu.core_type = #tpu.core_type<sc_vector_subcore>, window_params = [{transform_indices = #map}, {transform_indices = #map1}, {transform_indices = #map1}]} {
    %mul3A = arith.constant 2 : i32
    %mul3A_0 = arith.muli %arg1, %mul3A : i32
    %add3A = arith.addi %mul3A_0, %arg0 : i32
    %mul3A_1 = arith.constant 512 : i32
    %mul3A_2 = arith.muli %add3A, %mul3A_1 : i32
    %mul3A_3 = arith.constant 50 : i32
    %mul3A_4 = arith.muli %mul3A_2, %mul3A_3 : i32
    %add3A_5 = arith.constant 0 : i32
    %add3A_6 = arith.addi %mul3A_4, %add3A_5 : i32
    %dma_start3A = tpu.memref_slice %arg2[%add3A_6] : memref<819200xi32, #tpu.memory_space<hbm>> -> memref<1600xi32, #tpu.memory_space<hbm>>
    %dma_start3A_7 = tpu.memref_slice %arg2[%add3A_6] : memref<819200xi32, #tpu.memory_space<hbm>> -> memref<1600xi32, #tpu.memory_space<hbm>>
    tpu.enqueue_dma source(%dma_start3A_7 : memref<1600xi32, #tpu.memory_space<hbm>>) target(%arg5 : memref<1600xi32, #tpu.memory_space<vmem>>) target_semaphore(%arg10 : memref<!tpu.dma_semaphore, #tpu.memory_space<semaphore_mem>>)
    %dma_wait3A = tpu.memref_slice %arg2[%add3A_6] : memref<819200xi32, #tpu.memory_space<hbm>> -> memref<1600xi32, #tpu.memory_space<hbm>>
    %dma_wait3A_8 = tpu.memref_slice %arg2[%add3A_6] : memref<819200xi32, #tpu.memory_space<hbm>> -> memref<1600xi32, #tpu.memory_space<hbm>>
    tpu.wait_dma2 semaphore(%arg10 : memref<!tpu.dma_semaphore, #tpu.memory_space<semaphore_mem>>) src(%dma_wait3A_8 : memref<1600xi32, #tpu.memory_space<hbm>>) dst(%arg5 : memref<1600xi32, #tpu.memory_space<vmem>>)
    %dma_start3A_9 = arith.constant 0 : i32
    %dma_start3A_10 = arith.constant 0 : i32
    %dma_start3A_11 = tpu.memref_slice %arg7[%dma_start3A_9, %dma_start3A_10] : memref<1600x32xf32, #tpu.memory_space<vmem>> -> memref<80x32xf32, #tpu.memory_space<vmem>>
    %dma_start3A_12 = arith.constant 0 : i32
    %dma_start3A_13 = tpu.memref_slice %arg5[%dma_start3A_12] : memref<1600xi32, #tpu.memory_space<vmem>> -> memref<80xi32, #tpu.memory_space<vmem>>
    %dma_start3A_14 = arith.constant 0 : i32
    %dma_start3A_15 = arith.constant 0 : i32
    %dma_start3A_16 = tpu.memref_slice %arg3[%dma_start3A_14, %dma_start3A_15] : memref<1000000x32xf32, #tpu.memory_space<hbm>> -> memref<1000000x32xf32, #tpu.memory_space<hbm>>
    tpu.enqueue_indirect_dma source(%dma_start3A_16 : memref<1000000x32xf32, #tpu.memory_space<hbm>>) target(%dma_start3A_11 : memref<80x32xf32, #tpu.memory_space<vmem>>) offsets(%dma_start3A_13 : memref<80xi32, #tpu.memory_space<vmem>>) semaphore(%arg12 : memref<!tpu.dma_semaphore, #tpu.memory_space<semaphore_mem>>)
    %dma_start3A_17 = arith.constant 80 : i32
    %dma_start3A_18 = arith.constant 0 : i32
    %dma_start3A_19 = tpu.memref_slice %arg7[%dma_start3A_17, %dma_start3A_18] : memref<1600x32xf32, #tpu.memory_space<vmem>> -> memref<80x32xf32, #tpu.memory_space<vmem>>
    %dma_start3A_20 = arith.constant 80 : i32
    %dma_start3A_21 = tpu.memref_slice %arg5[%dma_start3A_20] : memref<1600xi32, #tpu.memory_space<vmem>> -> memref<80xi32, #tpu.memory_space<vmem>>
    %dma_start3A_22 = arith.constant 0 : i32
    %dma_start3A_23 = arith.constant 0 : i32
    %dma_start3A_24 = tpu.memref_slice %arg3[%dma_start3A_22, %dma_start3A_23] : memref<1000000x32xf32, #tpu.memory_space<hbm>> -> memref<1000000x32xf32, #tpu.memory_space<hbm>>
    tpu.enqueue_indirect_dma source(%dma_start3A_24 : memref<1000000x32xf32, #tpu.memory_space<hbm>>) target(%dma_start3A_19 : memref<80x32xf32, #tpu.memory_space<vmem>>) offsets(%dma_start3A_21 : memref<80xi32, #tpu.memory_space<vmem>>) semaphore(%arg12 : memref<!tpu.dma_semaphore, #tpu.memory_space<semaphore_mem>>)
    %dma_start3A_25 = arith.constant 160 : i32
    %dma_start3A_26 = arith.constant 0 : i32
    %dma_start3A_27 = tpu.memref_slice %arg7[%dma_start3A_25, %dma_start3A_26] : memref<1600x32xf32, #tpu.memory_space<vmem>> -> memref<80x32xf32, #tpu.memory_space<vmem>>
    %dma_start3A_28 = arith.constant 160 : i32
    %dma_start3A_29 = tpu.memref_slice %arg5[%dma_start3A_28] : memref<1600xi32, #tpu.memory_space<vmem>> -> memref<80xi32, #tpu.memory_space<vmem>>
    %dma_start3A_30 = arith.constant 0 : i32
    %dma_start3A_31 = arith.constant 0 : i32
    %dma_start3A_32 = tpu.memref_slice %arg3[%dma_start3A_30, %dma_start3A_31] : memref<1000000x32xf32, #tpu.memory_space<hbm>> -> memref<1000000x32xf32, #tpu.memory_space<hbm>>
    tpu.enqueue_indirect_dma source(%dma_start3A_32 : memref<1000000x32xf32, #tpu.memory_space<hbm>>) target(%dma_start3A_27 : memref<80x32xf32, #tpu.memory_space<vmem>>) offsets(%dma_start3A_29 : memref<80xi32, #tpu.memory_space<vmem>>) semaphore(%arg12 : memref<!tpu.dma_semaphore, #tpu.memory_space<semaphore_mem>>)
    %dma_start3A_33 = arith.constant 240 : i32
    %dma_start3A_34 = arith.constant 0 : i32
    %dma_start3A_35 = tpu.memref_slice %arg7[%dma_start3A_33, %dma_start3A_34] : memref<1600x32xf32, #tpu.memory_space<vmem>> -> memref<80x32xf32, #tpu.memory_space<vmem>>
    %dma_start3A_36 = arith.constant 240 : i32
    %dma_start3A_37 = tpu.memref_slice %arg5[%dma_start3A_36] : memref<1600xi32, #tpu.memory_space<vmem>> -> memref<80xi32, #tpu.memory_space<vmem>>
    %dma_start3A_38 = arith.constant 0 : i32
    %dma_start3A_39 = arith.constant 0 : i32
    %dma_start3A_40 = tpu.memref_slice %arg3[%dma_start3A_38, %dma_start3A_39] : memref<1000000x32xf32, #tpu.memory_space<hbm>> -> memref<1000000x32xf32, #tpu.memory_space<hbm>>
    tpu.enqueue_indirect_dma source(%dma_start3A_40 : memref<1000000x32xf32, #tpu.memory_space<hbm>>) target(%dma_start3A_35 : memref<80x32xf32, #tpu.memory_space<vmem>>) offsets(%dma_start3A_37 : memref<80xi32, #tpu.memory_space<vmem>>) semaphore(%arg12 : memref<!tpu.dma_semaphore, #tpu.memory_space<semaphore_mem>>)
    %dma_start3A_41 = arith.constant 320 : i32
    %dma_start3A_42 = arith.constant 0 : i32
    %dma_start3A_43 = tpu.memref_slice %arg7[%dma_start3A_41, %dma_start3A_42] : memref<1600x32xf32, #tpu.memory_space<vmem>> -> memref<80x32xf32, #tpu.memory_space<vmem>>
    %dma_start3A_44 = arith.constant 320 : i32
    %dma_start3A_45 = tpu.memref_slice %arg5[%dma_start3A_44] : memref<1600xi32, #tpu.memory_space<vmem>> -> memref<80xi32, #tpu.memory_space<vmem>>
    %dma_start3A_46 = arith.constant 0 : i32
    %dma_start3A_47 = arith.constant 0 : i32
    %dma_start3A_48 = tpu.memref_slice %arg3[%dma_start3A_46, %dma_start3A_47] : memref<1000000x32xf32, #tpu.memory_space<hbm>> -> memref<1000000x32xf32, #tpu.memory_space<hbm>>
    tpu.enqueue_indirect_dma source(%dma_start3A_48 : memref<1000000x32xf32, #tpu.memory_space<hbm>>) target(%dma_start3A_43 : memref<80x32xf32, #tpu.memory_space<vmem>>) offsets(%dma_start3A_45 : memref<80xi32, #tpu.memory_space<vmem>>) semaphore(%arg12 : memref<!tpu.dma_semaphore, #tpu.memory_space<semaphore_mem>>)
    %dma_start3A_49 = arith.constant 400 : i32
    %dma_start3A_50 = arith.constant 0 : i32
    %dma_start3A_51 = tpu.memref_slice %arg7[%dma_start3A_49, %dma_start3A_50] : memref<1600x32xf32, #tpu.memory_space<vmem>> -> memref<80x32xf32, #tpu.memory_space<vmem>>
    %dma_start3A_52 = arith.constant 400 : i32
    %dma_start3A_53 = tpu.memref_slice %arg5[%dma_start3A_52] : memref<1600xi32, #tpu.memory_space<vmem>> -> memref<80xi32, #tpu.memory_space<vmem>>
    %dma_start3A_54 = arith.constant 0 : i32
    %dma_start3A_55 = arith.constant 0 : i32
    %dma_start3A_56 = tpu.memref_slice %arg3[%dma_start3A_54, %dma_start3A_55] : memref<1000000x32xf32, #tpu.memory_space<hbm>> -> memref<1000000x32xf32, #tpu.memory_space<hbm>>
    tpu.enqueue_indirect_dma source(%dma_start3A_56 : memref<1000000x32xf32, #tpu.memory_space<hbm>>) target(%dma_start3A_51 : memref<80x32xf32, #tpu.memory_space<vmem>>) offsets(%dma_start3A_53 : memref<80xi32, #tpu.memory_space<vmem>>) semaphore(%arg12 : memref<!tpu.dma_semaphore, #tpu.memory_space<semaphore_mem>>)
    %dma_start3A_57 = arith.constant 480 : i32
    %dma_start3A_58 = arith.constant 0 : i32
    %dma_start3A_59 = tpu.memref_slice %arg7[%dma_start3A_57, %dma_start3A_58] : memref<1600x32xf32, #tpu.memory_space<vmem>> -> memref<80x32xf32, #tpu.memory_space<vmem>>
    %dma_start3A_60 = arith.constant 480 : i32
    %dma_start3A_61 = tpu.memref_slice %arg5[%dma_start3A_60] : memref<1600xi32, #tpu.memory_space<vmem>> -> memref<80xi32, #tpu.memory_space<vmem>>
    %dma_start3A_62 = arith.constant 0 : i32
    %dma_start3A_63 = arith.constant 0 : i32
    %dma_start3A_64 = tpu.memref_slice %arg3[%dma_start3A_62, %dma_start3A_63] : memref<1000000x32xf32, #tpu.memory_space<hbm>> -> memref<1000000x32xf32, #tpu.memory_space<hbm>>
    tpu.enqueue_indirect_dma source(%dma_start3A_64 : memref<1000000x32xf32, #tpu.memory_space<hbm>>) target(%dma_start3A_59 : memref<80x32xf32, #tpu.memory_space<vmem>>) offsets(%dma_start3A_61 : memref<80xi32, #tpu.memory_space<vmem>>) semaphore(%arg12 : memref<!tpu.dma_semaphore, #tpu.memory_space<semaphore_mem>>)
    %dma_start3A_65 = arith.constant 560 : i32
    %dma_start3A_66 = arith.constant 0 : i32
    %dma_start3A_67 = tpu.memref_slice %arg7[%dma_start3A_65, %dma_start3A_66] : memref<1600x32xf32, #tpu.memory_space<vmem>> -> memref<80x32xf32, #tpu.memory_space<vmem>>
    %dma_start3A_68 = arith.constant 560 : i32
    %dma_start3A_69 = tpu.memref_slice %arg5[%dma_start3A_68] : memref<1600xi32, #tpu.memory_space<vmem>> -> memref<80xi32, #tpu.memory_space<vmem>>
    %dma_start3A_70 = arith.constant 0 : i32
    %dma_start3A_71 = arith.constant 0 : i32
    %dma_start3A_72 = tpu.memref_slice %arg3[%dma_start3A_70, %dma_start3A_71] : memref<1000000x32xf32, #tpu.memory_space<hbm>> -> memref<1000000x32xf32, #tpu.memory_space<hbm>>
    tpu.enqueue_indirect_dma source(%dma_start3A_72 : memref<1000000x32xf32, #tpu.memory_space<hbm>>) target(%dma_start3A_67 : memref<80x32xf32, #tpu.memory_space<vmem>>) offsets(%dma_start3A_69 : memref<80xi32, #tpu.memory_space<vmem>>) semaphore(%arg12 : memref<!tpu.dma_semaphore, #tpu.memory_space<semaphore_mem>>)
    %dma_start3A_73 = arith.constant 640 : i32
    %dma_start3A_74 = arith.constant 0 : i32
    %dma_start3A_75 = tpu.memref_slice %arg7[%dma_start3A_73, %dma_start3A_74] : memref<1600x32xf32, #tpu.memory_space<vmem>> -> memref<80x32xf32, #tpu.memory_space<vmem>>
    %dma_start3A_76 = arith.constant 640 : i32
    %dma_start3A_77 = tpu.memref_slice %arg5[%dma_start3A_76] : memref<1600xi32, #tpu.memory_space<vmem>> -> memref<80xi32, #tpu.memory_space<vmem>>
    %dma_start3A_78 = arith.constant 0 : i32
    %dma_start3A_79 = arith.constant 0 : i32
    %dma_start3A_80 = tpu.memref_slice %arg3[%dma_start3A_78, %dma_start3A_79] : memref<1000000x32xf32, #tpu.memory_space<hbm>> -> memref<1000000x32xf32, #tpu.memory_space<hbm>>
    tpu.enqueue_indirect_dma source(%dma_start3A_80 : memref<1000000x32xf32, #tpu.memory_space<hbm>>) target(%dma_start3A_75 : memref<80x32xf32, #tpu.memory_space<vmem>>) offsets(%dma_start3A_77 : memref<80xi32, #tpu.memory_space<vmem>>) semaphore(%arg12 : memref<!tpu.dma_semaphore, #tpu.memory_space<semaphore_mem>>)
    %dma_start3A_81 = arith.constant 720 : i32
    %dma_start3A_82 = arith.constant 0 : i32
    %dma_start3A_83 = tpu.memref_slice %arg7[%dma_start3A_81, %dma_start3A_82] : memref<1600x32xf32, #tpu.memory_space<vmem>> -> memref<80x32xf32, #tpu.memory_space<vmem>>
    %dma_start3A_84 = arith.constant 720 : i32
    %dma_start3A_85 = tpu.memref_slice %arg5[%dma_start3A_84] : memref<1600xi32, #tpu.memory_space<vmem>> -> memref<80xi32, #tpu.memory_space<vmem>>
    %dma_start3A_86 = arith.constant 0 : i32
    %dma_start3A_87 = arith.constant 0 : i32
    %dma_start3A_88 = tpu.memref_slice %arg3[%dma_start3A_86, %dma_start3A_87] : memref<1000000x32xf32, #tpu.memory_space<hbm>> -> memref<1000000x32xf32, #tpu.memory_space<hbm>>
    tpu.enqueue_indirect_dma source(%dma_start3A_88 : memref<1000000x32xf32, #tpu.memory_space<hbm>>) target(%dma_start3A_83 : memref<80x32xf32, #tpu.memory_space<vmem>>) offsets(%dma_start3A_85 : memref<80xi32, #tpu.memory_space<vmem>>) semaphore(%arg12 : memref<!tpu.dma_semaphore, #tpu.memory_space<semaphore_mem>>)
    %dma_start3A_89 = arith.constant 800 : i32
    %dma_start3A_90 = arith.constant 0 : i32
    %dma_start3A_91 = tpu.memref_slice %arg7[%dma_start3A_89, %dma_start3A_90] : memref<1600x32xf32, #tpu.memory_space<vmem>> -> memref<80x32xf32, #tpu.memory_space<vmem>>
    %dma_start3A_92 = arith.constant 800 : i32
    %dma_start3A_93 = tpu.memref_slice %arg5[%dma_start3A_92] : memref<1600xi32, #tpu.memory_space<vmem>> -> memref<80xi32, #tpu.memory_space<vmem>>
    %dma_start3A_94 = arith.constant 0 : i32
    %dma_start3A_95 = arith.constant 0 : i32
    %dma_start3A_96 = tpu.memref_slice %arg3[%dma_start3A_94, %dma_start3A_95] : memref<1000000x32xf32, #tpu.memory_space<hbm>> -> memref<1000000x32xf32, #tpu.memory_space<hbm>>
    tpu.enqueue_indirect_dma source(%dma_start3A_96 : memref<1000000x32xf32, #tpu.memory_space<hbm>>) target(%dma_start3A_91 : memref<80x32xf32, #tpu.memory_space<vmem>>) offsets(%dma_start3A_93 : memref<80xi32, #tpu.memory_space<vmem>>) semaphore(%arg12 : memref<!tpu.dma_semaphore, #tpu.memory_space<semaphore_mem>>)
    %dma_start3A_97 = arith.constant 880 : i32
    %dma_start3A_98 = arith.constant 0 : i32
    %dma_start3A_99 = tpu.memref_slice %arg7[%dma_start3A_97, %dma_start3A_98] : memref<1600x32xf32, #tpu.memory_space<vmem>> -> memref<80x32xf32, #tpu.memory_space<vmem>>
    %dma_start3A_100 = arith.constant 880 : i32
    %dma_start3A_101 = tpu.memref_slice %arg5[%dma_start3A_100] : memref<1600xi32, #tpu.memory_space<vmem>> -> memref<80xi32, #tpu.memory_space<vmem>>
    %dma_start3A_102 = arith.constant 0 : i32
    %dma_start3A_103 = arith.constant 0 : i32
    %dma_start3A_104 = tpu.memref_slice %arg3[%dma_start3A_102, %dma_start3A_103] : memref<1000000x32xf32, #tpu.memory_space<hbm>> -> memref<1000000x32xf32, #tpu.memory_space<hbm>>
    tpu.enqueue_indirect_dma source(%dma_start3A_104 : memref<1000000x32xf32, #tpu.memory_space<hbm>>) target(%dma_start3A_99 : memref<80x32xf32, #tpu.memory_space<vmem>>) offsets(%dma_start3A_101 : memref<80xi32, #tpu.memory_space<vmem>>) semaphore(%arg12 : memref<!tpu.dma_semaphore, #tpu.memory_space<semaphore_mem>>)
    %dma_start3A_105 = arith.constant 960 : i32
    %dma_start3A_106 = arith.constant 0 : i32
    %dma_start3A_107 = tpu.memref_slice %arg7[%dma_start3A_105, %dma_start3A_106] : memref<1600x32xf32, #tpu.memory_space<vmem>> -> memref<80x32xf32, #tpu.memory_space<vmem>>
    %dma_start3A_108 = arith.constant 960 : i32
    %dma_start3A_109 = tpu.memref_slice %arg5[%dma_start3A_108] : memref<1600xi32, #tpu.memory_space<vmem>> -> memref<80xi32, #tpu.memory_space<vmem>>
    %dma_start3A_110 = arith.constant 0 : i32
    %dma_start3A_111 = arith.constant 0 : i32
    %dma_start3A_112 = tpu.memref_slice %arg3[%dma_start3A_110, %dma_start3A_111] : memref<1000000x32xf32, #tpu.memory_space<hbm>> -> memref<1000000x32xf32, #tpu.memory_space<hbm>>
    tpu.enqueue_indirect_dma source(%dma_start3A_112 : memref<1000000x32xf32, #tpu.memory_space<hbm>>) target(%dma_start3A_107 : memref<80x32xf32, #tpu.memory_space<vmem>>) offsets(%dma_start3A_109 : memref<80xi32, #tpu.memory_space<vmem>>) semaphore(%arg12 : memref<!tpu.dma_semaphore, #tpu.memory_space<semaphore_mem>>)
    %dma_start3A_113 = arith.constant 1040 : i32
    %dma_start3A_114 = arith.constant 0 : i32
    %dma_start3A_115 = tpu.memref_slice %arg7[%dma_start3A_113, %dma_start3A_114] : memref<1600x32xf32, #tpu.memory_space<vmem>> -> memref<80x32xf32, #tpu.memory_space<vmem>>
    %dma_start3A_116 = arith.constant 1040 : i32
    %dma_start3A_117 = tpu.memref_slice %arg5[%dma_start3A_116] : memref<1600xi32, #tpu.memory_space<vmem>> -> memref<80xi32, #tpu.memory_space<vmem>>
    %dma_start3A_118 = arith.constant 0 : i32
    %dma_start3A_119 = arith.constant 0 : i32
    %dma_start3A_120 = tpu.memref_slice %arg3[%dma_start3A_118, %dma_start3A_119] : memref<1000000x32xf32, #tpu.memory_space<hbm>> -> memref<1000000x32xf32, #tpu.memory_space<hbm>>
    tpu.enqueue_indirect_dma source(%dma_start3A_120 : memref<1000000x32xf32, #tpu.memory_space<hbm>>) target(%dma_start3A_115 : memref<80x32xf32, #tpu.memory_space<vmem>>) offsets(%dma_start3A_117 : memref<80xi32, #tpu.memory_space<vmem>>) semaphore(%arg12 : memref<!tpu.dma_semaphore, #tpu.memory_space<semaphore_mem>>)
    %dma_start3A_121 = arith.constant 1120 : i32
    %dma_start3A_122 = arith.constant 0 : i32
    %dma_start3A_123 = tpu.memref_slice %arg7[%dma_start3A_121, %dma_start3A_122] : memref<1600x32xf32, #tpu.memory_space<vmem>> -> memref<80x32xf32, #tpu.memory_space<vmem>>
    %dma_start3A_124 = arith.constant 1120 : i32
    %dma_start3A_125 = tpu.memref_slice %arg5[%dma_start3A_124] : memref<1600xi32, #tpu.memory_space<vmem>> -> memref<80xi32, #tpu.memory_space<vmem>>
    %dma_start3A_126 = arith.constant 0 : i32
    %dma_start3A_127 = arith.constant 0 : i32
    %dma_start3A_128 = tpu.memref_slice %arg3[%dma_start3A_126, %dma_start3A_127] : memref<1000000x32xf32, #tpu.memory_space<hbm>> -> memref<1000000x32xf32, #tpu.memory_space<hbm>>
    tpu.enqueue_indirect_dma source(%dma_start3A_128 : memref<1000000x32xf32, #tpu.memory_space<hbm>>) target(%dma_start3A_123 : memref<80x32xf32, #tpu.memory_space<vmem>>) offsets(%dma_start3A_125 : memref<80xi32, #tpu.memory_space<vmem>>) semaphore(%arg12 : memref<!tpu.dma_semaphore, #tpu.memory_space<semaphore_mem>>)
    %dma_start3A_129 = arith.constant 1200 : i32
    %dma_start3A_130 = arith.constant 0 : i32
    %dma_start3A_131 = tpu.memref_slice %arg7[%dma_start3A_129, %dma_start3A_130] : memref<1600x32xf32, #tpu.memory_space<vmem>> -> memref<80x32xf32, #tpu.memory_space<vmem>>
    %dma_start3A_132 = arith.constant 1200 : i32
    %dma_start3A_133 = tpu.memref_slice %arg5[%dma_start3A_132] : memref<1600xi32, #tpu.memory_space<vmem>> -> memref<80xi32, #tpu.memory_space<vmem>>
    %dma_start3A_134 = arith.constant 0 : i32
    %dma_start3A_135 = arith.constant 0 : i32
    %dma_start3A_136 = tpu.memref_slice %arg3[%dma_start3A_134, %dma_start3A_135] : memref<1000000x32xf32, #tpu.memory_space<hbm>> -> memref<1000000x32xf32, #tpu.memory_space<hbm>>
    tpu.enqueue_indirect_dma source(%dma_start3A_136 : memref<1000000x32xf32, #tpu.memory_space<hbm>>) target(%dma_start3A_131 : memref<80x32xf32, #tpu.memory_space<vmem>>) offsets(%dma_start3A_133 : memref<80xi32, #tpu.memory_space<vmem>>) semaphore(%arg12 : memref<!tpu.dma_semaphore, #tpu.memory_space<semaphore_mem>>)
    %dma_start3A_137 = arith.constant 1280 : i32
    %dma_start3A_138 = arith.constant 0 : i32
    %dma_start3A_139 = tpu.memref_slice %arg7[%dma_start3A_137, %dma_start3A_138] : memref<1600x32xf32, #tpu.memory_space<vmem>> -> memref<80x32xf32, #tpu.memory_space<vmem>>
    %dma_start3A_140 = arith.constant 1280 : i32
    %dma_start3A_141 = tpu.memref_slice %arg5[%dma_start3A_140] : memref<1600xi32, #tpu.memory_space<vmem>> -> memref<80xi32, #tpu.memory_space<vmem>>
    %dma_start3A_142 = arith.constant 0 : i32
    %dma_start3A_143 = arith.constant 0 : i32
    %dma_start3A_144 = tpu.memref_slice %arg3[%dma_start3A_142, %dma_start3A_143] : memref<1000000x32xf32, #tpu.memory_space<hbm>> -> memref<1000000x32xf32, #tpu.memory_space<hbm>>
    tpu.enqueue_indirect_dma source(%dma_start3A_144 : memref<1000000x32xf32, #tpu.memory_space<hbm>>) target(%dma_start3A_139 : memref<80x32xf32, #tpu.memory_space<vmem>>) offsets(%dma_start3A_141 : memref<80xi32, #tpu.memory_space<vmem>>) semaphore(%arg12 : memref<!tpu.dma_semaphore, #tpu.memory_space<semaphore_mem>>)
    %dma_start3A_145 = arith.constant 1360 : i32
    %dma_start3A_146 = arith.constant 0 : i32
    %dma_start3A_147 = tpu.memref_slice %arg7[%dma_start3A_145, %dma_start3A_146] : memref<1600x32xf32, #tpu.memory_space<vmem>> -> memref<80x32xf32, #tpu.memory_space<vmem>>
    %dma_start3A_148 = arith.constant 1360 : i32
    %dma_start3A_149 = tpu.memref_slice %arg5[%dma_start3A_148] : memref<1600xi32, #tpu.memory_space<vmem>> -> memref<80xi32, #tpu.memory_space<vmem>>
    %dma_start3A_150 = arith.constant 0 : i32
    %dma_start3A_151 = arith.constant 0 : i32
    %dma_start3A_152 = tpu.memref_slice %arg3[%dma_start3A_150, %dma_start3A_151] : memref<1000000x32xf32, #tpu.memory_space<hbm>> -> memref<1000000x32xf32, #tpu.memory_space<hbm>>
    tpu.enqueue_indirect_dma source(%dma_start3A_152 : memref<1000000x32xf32, #tpu.memory_space<hbm>>) target(%dma_start3A_147 : memref<80x32xf32, #tpu.memory_space<vmem>>) offsets(%dma_start3A_149 : memref<80xi32, #tpu.memory_space<vmem>>) semaphore(%arg12 : memref<!tpu.dma_semaphore, #tpu.memory_space<semaphore_mem>>)
    %dma_start3A_153 = arith.constant 1440 : i32
    %dma_start3A_154 = arith.constant 0 : i32
    %dma_start3A_155 = tpu.memref_slice %arg7[%dma_start3A_153, %dma_start3A_154] : memref<1600x32xf32, #tpu.memory_space<vmem>> -> memref<80x32xf32, #tpu.memory_space<vmem>>
    %dma_start3A_156 = arith.constant 1440 : i32
    %dma_start3A_157 = tpu.memref_slice %arg5[%dma_start3A_156] : memref<1600xi32, #tpu.memory_space<vmem>> -> memref<80xi32, #tpu.memory_space<vmem>>
    %dma_start3A_158 = arith.constant 0 : i32
    %dma_start3A_159 = arith.constant 0 : i32
    %dma_start3A_160 = tpu.memref_slice %arg3[%dma_start3A_158, %dma_start3A_159] : memref<1000000x32xf32, #tpu.memory_space<hbm>> -> memref<1000000x32xf32, #tpu.memory_space<hbm>>
    tpu.enqueue_indirect_dma source(%dma_start3A_160 : memref<1000000x32xf32, #tpu.memory_space<hbm>>) target(%dma_start3A_155 : memref<80x32xf32, #tpu.memory_space<vmem>>) offsets(%dma_start3A_157 : memref<80xi32, #tpu.memory_space<vmem>>) semaphore(%arg12 : memref<!tpu.dma_semaphore, #tpu.memory_space<semaphore_mem>>)
    %dma_start3A_161 = arith.constant 1520 : i32
    %dma_start3A_162 = arith.constant 0 : i32
    %dma_start3A_163 = tpu.memref_slice %arg7[%dma_start3A_161, %dma_start3A_162] : memref<1600x32xf32, #tpu.memory_space<vmem>> -> memref<80x32xf32, #tpu.memory_space<vmem>>
    %dma_start3A_164 = arith.constant 1520 : i32
    %dma_start3A_165 = tpu.memref_slice %arg5[%dma_start3A_164] : memref<1600xi32, #tpu.memory_space<vmem>> -> memref<80xi32, #tpu.memory_space<vmem>>
    %dma_start3A_166 = arith.constant 0 : i32
    %dma_start3A_167 = arith.constant 0 : i32
    %dma_start3A_168 = tpu.memref_slice %arg3[%dma_start3A_166, %dma_start3A_167] : memref<1000000x32xf32, #tpu.memory_space<hbm>> -> memref<1000000x32xf32, #tpu.memory_space<hbm>>
    tpu.enqueue_indirect_dma source(%dma_start3A_168 : memref<1000000x32xf32, #tpu.memory_space<hbm>>) target(%dma_start3A_163 : memref<80x32xf32, #tpu.memory_space<vmem>>) offsets(%dma_start3A_165 : memref<80xi32, #tpu.memory_space<vmem>>) semaphore(%arg12 : memref<!tpu.dma_semaphore, #tpu.memory_space<semaphore_mem>>)
    %scan3A = arith.constant 0 : i32
    %scan3A_169 = arith.constant 8 : i32
    %scan3A_170 = arith.addi %scan3A, %scan3A_169 : i32
    %scan3A_171 = arith.constant 1 : i32
    scf.for %scan3A_173 = %scan3A to %scan3A_170 step %scan3A_171  : i32 {
      %mul3A_174 = arith.constant 2 : i32
      %mul3A_175 = arith.muli %scan3A_173, %mul3A_174 : i32
      %add3A_176 = arith.constant 0 : i32
      %add3A_177 = arith.addi %add3A_176, %mul3A_175 : i32
      %add3A_178 = arith.constant 0 : i32
      %add3A_179 = arith.addi %add3A_177, %add3A_178 : i32
      %add3A_180 = arith.constant 1 : i32
      %add3A_181 = arith.addi %add3A_179, %add3A_180 : i32
      %lt3A = arith.constant 16 : i32
      %lt3A_182 = arith.cmpi slt, %add3A_181, %lt3A : i32
      %convert_element_type3A = arith.extui %lt3A_182 : i1 to i32
      %cond3A = arith.constant 0 : i32
      %cond3A_183 = arith.cmpi ne, %convert_element_type3A, %cond3A : i32
      scf.if %cond3A_183 {
        %add3A_531 = arith.constant 1 : i32
        %add3A_532 = arith.addi %add3A_179, %add3A_531 : i32
        %mul3A_533 = arith.constant 1600 : i32
        %mul3A_534 = arith.muli %add3A_532, %mul3A_533 : i32
        %add3A_535 = arith.addi %mul3A_4, %mul3A_534 : i32
        %dma_start3A_536 = tpu.memref_slice %arg2[%add3A_535] : memref<819200xi32, #tpu.memory_space<hbm>> -> memref<1600xi32, #tpu.memory_space<hbm>>
        %dma_start3A_537 = tpu.memref_slice %arg2[%add3A_535] : memref<819200xi32, #tpu.memory_space<hbm>> -> memref<1600xi32, #tpu.memory_space<hbm>>
        tpu.enqueue_dma source(%dma_start3A_537 : memref<1600xi32, #tpu.memory_space<hbm>>) target(%arg6 : memref<1600xi32, #tpu.memory_space<vmem>>) target_semaphore(%arg11 : memref<!tpu.dma_semaphore, #tpu.memory_space<semaphore_mem>>)
        %dma_wait3A_538 = tpu.memref_slice %arg2[%add3A_535] : memref<819200xi32, #tpu.memory_space<hbm>> -> memref<1600xi32, #tpu.memory_space<hbm>>
        %dma_wait3A_539 = tpu.memref_slice %arg2[%add3A_535] : memref<819200xi32, #tpu.memory_space<hbm>> -> memref<1600xi32, #tpu.memory_space<hbm>>
        tpu.wait_dma2 semaphore(%arg11 : memref<!tpu.dma_semaphore, #tpu.memory_space<semaphore_mem>>) src(%dma_wait3A_539 : memref<1600xi32, #tpu.memory_space<hbm>>) dst(%arg6 : memref<1600xi32, #tpu.memory_space<vmem>>)
        %dma_start3A_540 = arith.constant 0 : i32
        %dma_start3A_541 = arith.constant 0 : i32
        %dma_start3A_542 = tpu.memref_slice %arg8[%dma_start3A_540, %dma_start3A_541] : memref<1600x32xf32, #tpu.memory_space<vmem>> -> memref<80x32xf32, #tpu.memory_space<vmem>>
        %dma_start3A_543 = arith.constant 0 : i32
        %dma_start3A_544 = tpu.memref_slice %arg6[%dma_start3A_543] : memref<1600xi32, #tpu.memory_space<vmem>> -> memref<80xi32, #tpu.memory_space<vmem>>
        %dma_start3A_545 = arith.constant 0 : i32
        %dma_start3A_546 = arith.constant 0 : i32
        %dma_start3A_547 = tpu.memref_slice %arg3[%dma_start3A_545, %dma_start3A_546] : memref<1000000x32xf32, #tpu.memory_space<hbm>> -> memref<1000000x32xf32, #tpu.memory_space<hbm>>
        tpu.enqueue_indirect_dma source(%dma_start3A_547 : memref<1000000x32xf32, #tpu.memory_space<hbm>>) target(%dma_start3A_542 : memref<80x32xf32, #tpu.memory_space<vmem>>) offsets(%dma_start3A_544 : memref<80xi32, #tpu.memory_space<vmem>>) semaphore(%arg13 : memref<!tpu.dma_semaphore, #tpu.memory_space<semaphore_mem>>)
        %dma_start3A_548 = arith.constant 80 : i32
        %dma_start3A_549 = arith.constant 0 : i32
        %dma_start3A_550 = tpu.memref_slice %arg8[%dma_start3A_548, %dma_start3A_549] : memref<1600x32xf32, #tpu.memory_space<vmem>> -> memref<80x32xf32, #tpu.memory_space<vmem>>
        %dma_start3A_551 = arith.constant 80 : i32
        %dma_start3A_552 = tpu.memref_slice %arg6[%dma_start3A_551] : memref<1600xi32, #tpu.memory_space<vmem>> -> memref<80xi32, #tpu.memory_space<vmem>>
        %dma_start3A_553 = arith.constant 0 : i32
        %dma_start3A_554 = arith.constant 0 : i32
        %dma_start3A_555 = tpu.memref_slice %arg3[%dma_start3A_553, %dma_start3A_554] : memref<1000000x32xf32, #tpu.memory_space<hbm>> -> memref<1000000x32xf32, #tpu.memory_space<hbm>>
        tpu.enqueue_indirect_dma source(%dma_start3A_555 : memref<1000000x32xf32, #tpu.memory_space<hbm>>) target(%dma_start3A_550 : memref<80x32xf32, #tpu.memory_space<vmem>>) offsets(%dma_start3A_552 : memref<80xi32, #tpu.memory_space<vmem>>) semaphore(%arg13 : memref<!tpu.dma_semaphore, #tpu.memory_space<semaphore_mem>>)
        %dma_start3A_556 = arith.constant 160 : i32
        %dma_start3A_557 = arith.constant 0 : i32
        %dma_start3A_558 = tpu.memref_slice %arg8[%dma_start3A_556, %dma_start3A_557] : memref<1600x32xf32, #tpu.memory_space<vmem>> -> memref<80x32xf32, #tpu.memory_space<vmem>>
        %dma_start3A_559 = arith.constant 160 : i32
        %dma_start3A_560 = tpu.memref_slice %arg6[%dma_start3A_559] : memref<1600xi32, #tpu.memory_space<vmem>> -> memref<80xi32, #tpu.memory_space<vmem>>
        %dma_start3A_561 = arith.constant 0 : i32
        %dma_start3A_562 = arith.constant 0 : i32
        %dma_start3A_563 = tpu.memref_slice %arg3[%dma_start3A_561, %dma_start3A_562] : memref<1000000x32xf32, #tpu.memory_space<hbm>> -> memref<1000000x32xf32, #tpu.memory_space<hbm>>
        tpu.enqueue_indirect_dma source(%dma_start3A_563 : memref<1000000x32xf32, #tpu.memory_space<hbm>>) target(%dma_start3A_558 : memref<80x32xf32, #tpu.memory_space<vmem>>) offsets(%dma_start3A_560 : memref<80xi32, #tpu.memory_space<vmem>>) semaphore(%arg13 : memref<!tpu.dma_semaphore, #tpu.memory_space<semaphore_mem>>)
        %dma_start3A_564 = arith.constant 240 : i32
        %dma_start3A_565 = arith.constant 0 : i32
        %dma_start3A_566 = tpu.memref_slice %arg8[%dma_start3A_564, %dma_start3A_565] : memref<1600x32xf32, #tpu.memory_space<vmem>> -> memref<80x32xf32, #tpu.memory_space<vmem>>
        %dma_start3A_567 = arith.constant 240 : i32
        %dma_start3A_568 = tpu.memref_slice %arg6[%dma_start3A_567] : memref<1600xi32, #tpu.memory_space<vmem>> -> memref<80xi32, #tpu.memory_space<vmem>>
        %dma_start3A_569 = arith.constant 0 : i32
        %dma_start3A_570 = arith.constant 0 : i32
        %dma_start3A_571 = tpu.memref_slice %arg3[%dma_start3A_569, %dma_start3A_570] : memref<1000000x32xf32, #tpu.memory_space<hbm>> -> memref<1000000x32xf32, #tpu.memory_space<hbm>>
        tpu.enqueue_indirect_dma source(%dma_start3A_571 : memref<1000000x32xf32, #tpu.memory_space<hbm>>) target(%dma_start3A_566 : memref<80x32xf32, #tpu.memory_space<vmem>>) offsets(%dma_start3A_568 : memref<80xi32, #tpu.memory_space<vmem>>) semaphore(%arg13 : memref<!tpu.dma_semaphore, #tpu.memory_space<semaphore_mem>>)
        %dma_start3A_572 = arith.constant 320 : i32
        %dma_start3A_573 = arith.constant 0 : i32
        %dma_start3A_574 = tpu.memref_slice %arg8[%dma_start3A_572, %dma_start3A_573] : memref<1600x32xf32, #tpu.memory_space<vmem>> -> memref<80x32xf32, #tpu.memory_space<vmem>>
        %dma_start3A_575 = arith.constant 320 : i32
        %dma_start3A_576 = tpu.memref_slice %arg6[%dma_start3A_575] : memref<1600xi32, #tpu.memory_space<vmem>> -> memref<80xi32, #tpu.memory_space<vmem>>
        %dma_start3A_577 = arith.constant 0 : i32
        %dma_start3A_578 = arith.constant 0 : i32
        %dma_start3A_579 = tpu.memref_slice %arg3[%dma_start3A_577, %dma_start3A_578] : memref<1000000x32xf32, #tpu.memory_space<hbm>> -> memref<1000000x32xf32, #tpu.memory_space<hbm>>
        tpu.enqueue_indirect_dma source(%dma_start3A_579 : memref<1000000x32xf32, #tpu.memory_space<hbm>>) target(%dma_start3A_574 : memref<80x32xf32, #tpu.memory_space<vmem>>) offsets(%dma_start3A_576 : memref<80xi32, #tpu.memory_space<vmem>>) semaphore(%arg13 : memref<!tpu.dma_semaphore, #tpu.memory_space<semaphore_mem>>)
        %dma_start3A_580 = arith.constant 400 : i32
        %dma_start3A_581 = arith.constant 0 : i32
        %dma_start3A_582 = tpu.memref_slice %arg8[%dma_start3A_580, %dma_start3A_581] : memref<1600x32xf32, #tpu.memory_space<vmem>> -> memref<80x32xf32, #tpu.memory_space<vmem>>
        %dma_start3A_583 = arith.constant 400 : i32
        %dma_start3A_584 = tpu.memref_slice %arg6[%dma_start3A_583] : memref<1600xi32, #tpu.memory_space<vmem>> -> memref<80xi32, #tpu.memory_space<vmem>>
        %dma_start3A_585 = arith.constant 0 : i32
        %dma_start3A_586 = arith.constant 0 : i32
        %dma_start3A_587 = tpu.memref_slice %arg3[%dma_start3A_585, %dma_start3A_586] : memref<1000000x32xf32, #tpu.memory_space<hbm>> -> memref<1000000x32xf32, #tpu.memory_space<hbm>>
        tpu.enqueue_indirect_dma source(%dma_start3A_587 : memref<1000000x32xf32, #tpu.memory_space<hbm>>) target(%dma_start3A_582 : memref<80x32xf32, #tpu.memory_space<vmem>>) offsets(%dma_start3A_584 : memref<80xi32, #tpu.memory_space<vmem>>) semaphore(%arg13 : memref<!tpu.dma_semaphore, #tpu.memory_space<semaphore_mem>>)
        %dma_start3A_588 = arith.constant 480 : i32
        %dma_start3A_589 = arith.constant 0 : i32
        %dma_start3A_590 = tpu.memref_slice %arg8[%dma_start3A_588, %dma_start3A_589] : memref<1600x32xf32, #tpu.memory_space<vmem>> -> memref<80x32xf32, #tpu.memory_space<vmem>>
        %dma_start3A_591 = arith.constant 480 : i32
        %dma_start3A_592 = tpu.memref_slice %arg6[%dma_start3A_591] : memref<1600xi32, #tpu.memory_space<vmem>> -> memref<80xi32, #tpu.memory_space<vmem>>
        %dma_start3A_593 = arith.constant 0 : i32
        %dma_start3A_594 = arith.constant 0 : i32
        %dma_start3A_595 = tpu.memref_slice %arg3[%dma_start3A_593, %dma_start3A_594] : memref<1000000x32xf32, #tpu.memory_space<hbm>> -> memref<1000000x32xf32, #tpu.memory_space<hbm>>
        tpu.enqueue_indirect_dma source(%dma_start3A_595 : memref<1000000x32xf32, #tpu.memory_space<hbm>>) target(%dma_start3A_590 : memref<80x32xf32, #tpu.memory_space<vmem>>) offsets(%dma_start3A_592 : memref<80xi32, #tpu.memory_space<vmem>>) semaphore(%arg13 : memref<!tpu.dma_semaphore, #tpu.memory_space<semaphore_mem>>)
        %dma_start3A_596 = arith.constant 560 : i32
        %dma_start3A_597 = arith.constant 0 : i32
        %dma_start3A_598 = tpu.memref_slice %arg8[%dma_start3A_596, %dma_start3A_597] : memref<1600x32xf32, #tpu.memory_space<vmem>> -> memref<80x32xf32, #tpu.memory_space<vmem>>
        %dma_start3A_599 = arith.constant 560 : i32
        %dma_start3A_600 = tpu.memref_slice %arg6[%dma_start3A_599] : memref<1600xi32, #tpu.memory_space<vmem>> -> memref<80xi32, #tpu.memory_space<vmem>>
        %dma_start3A_601 = arith.constant 0 : i32
        %dma_start3A_602 = arith.constant 0 : i32
        %dma_start3A_603 = tpu.memref_slice %arg3[%dma_start3A_601, %dma_start3A_602] : memref<1000000x32xf32, #tpu.memory_space<hbm>> -> memref<1000000x32xf32, #tpu.memory_space<hbm>>
        tpu.enqueue_indirect_dma source(%dma_start3A_603 : memref<1000000x32xf32, #tpu.memory_space<hbm>>) target(%dma_start3A_598 : memref<80x32xf32, #tpu.memory_space<vmem>>) offsets(%dma_start3A_600 : memref<80xi32, #tpu.memory_space<vmem>>) semaphore(%arg13 : memref<!tpu.dma_semaphore, #tpu.memory_space<semaphore_mem>>)
        %dma_start3A_604 = arith.constant 640 : i32
        %dma_start3A_605 = arith.constant 0 : i32
        %dma_start3A_606 = tpu.memref_slice %arg8[%dma_start3A_604, %dma_start3A_605] : memref<1600x32xf32, #tpu.memory_space<vmem>> -> memref<80x32xf32, #tpu.memory_space<vmem>>
        %dma_start3A_607 = arith.constant 640 : i32
        %dma_start3A_608 = tpu.memref_slice %arg6[%dma_start3A_607] : memref<1600xi32, #tpu.memory_space<vmem>> -> memref<80xi32, #tpu.memory_space<vmem>>
        %dma_start3A_609 = arith.constant 0 : i32
        %dma_start3A_610 = arith.constant 0 : i32
        %dma_start3A_611 = tpu.memref_slice %arg3[%dma_start3A_609, %dma_start3A_610] : memref<1000000x32xf32, #tpu.memory_space<hbm>> -> memref<1000000x32xf32, #tpu.memory_space<hbm>>
        tpu.enqueue_indirect_dma source(%dma_start3A_611 : memref<1000000x32xf32, #tpu.memory_space<hbm>>) target(%dma_start3A_606 : memref<80x32xf32, #tpu.memory_space<vmem>>) offsets(%dma_start3A_608 : memref<80xi32, #tpu.memory_space<vmem>>) semaphore(%arg13 : memref<!tpu.dma_semaphore, #tpu.memory_space<semaphore_mem>>)
        %dma_start3A_612 = arith.constant 720 : i32
        %dma_start3A_613 = arith.constant 0 : i32
        %dma_start3A_614 = tpu.memref_slice %arg8[%dma_start3A_612, %dma_start3A_613] : memref<1600x32xf32, #tpu.memory_space<vmem>> -> memref<80x32xf32, #tpu.memory_space<vmem>>
        %dma_start3A_615 = arith.constant 720 : i32
        %dma_start3A_616 = tpu.memref_slice %arg6[%dma_start3A_615] : memref<1600xi32, #tpu.memory_space<vmem>> -> memref<80xi32, #tpu.memory_space<vmem>>
        %dma_start3A_617 = arith.constant 0 : i32
        %dma_start3A_618 = arith.constant 0 : i32
        %dma_start3A_619 = tpu.memref_slice %arg3[%dma_start3A_617, %dma_start3A_618] : memref<1000000x32xf32, #tpu.memory_space<hbm>> -> memref<1000000x32xf32, #tpu.memory_space<hbm>>
        tpu.enqueue_indirect_dma source(%dma_start3A_619 : memref<1000000x32xf32, #tpu.memory_space<hbm>>) target(%dma_start3A_614 : memref<80x32xf32, #tpu.memory_space<vmem>>) offsets(%dma_start3A_616 : memref<80xi32, #tpu.memory_space<vmem>>) semaphore(%arg13 : memref<!tpu.dma_semaphore, #tpu.memory_space<semaphore_mem>>)
        %dma_start3A_620 = arith.constant 800 : i32
        %dma_start3A_621 = arith.constant 0 : i32
        %dma_start3A_622 = tpu.memref_slice %arg8[%dma_start3A_620, %dma_start3A_621] : memref<1600x32xf32, #tpu.memory_space<vmem>> -> memref<80x32xf32, #tpu.memory_space<vmem>>
        %dma_start3A_623 = arith.constant 800 : i32
        %dma_start3A_624 = tpu.memref_slice %arg6[%dma_start3A_623] : memref<1600xi32, #tpu.memory_space<vmem>> -> memref<80xi32, #tpu.memory_space<vmem>>
        %dma_start3A_625 = arith.constant 0 : i32
        %dma_start3A_626 = arith.constant 0 : i32
        %dma_start3A_627 = tpu.memref_slice %arg3[%dma_start3A_625, %dma_start3A_626] : memref<1000000x32xf32, #tpu.memory_space<hbm>> -> memref<1000000x32xf32, #tpu.memory_space<hbm>>
        tpu.enqueue_indirect_dma source(%dma_start3A_627 : memref<1000000x32xf32, #tpu.memory_space<hbm>>) target(%dma_start3A_622 : memref<80x32xf32, #tpu.memory_space<vmem>>) offsets(%dma_start3A_624 : memref<80xi32, #tpu.memory_space<vmem>>) semaphore(%arg13 : memref<!tpu.dma_semaphore, #tpu.memory_space<semaphore_mem>>)
        %dma_start3A_628 = arith.constant 880 : i32
        %dma_start3A_629 = arith.constant 0 : i32
        %dma_start3A_630 = tpu.memref_slice %arg8[%dma_start3A_628, %dma_start3A_629] : memref<1600x32xf32, #tpu.memory_space<vmem>> -> memref<80x32xf32, #tpu.memory_space<vmem>>
        %dma_start3A_631 = arith.constant 880 : i32
        %dma_start3A_632 = tpu.memref_slice %arg6[%dma_start3A_631] : memref<1600xi32, #tpu.memory_space<vmem>> -> memref<80xi32, #tpu.memory_space<vmem>>
        %dma_start3A_633 = arith.constant 0 : i32
        %dma_start3A_634 = arith.constant 0 : i32
        %dma_start3A_635 = tpu.memref_slice %arg3[%dma_start3A_633, %dma_start3A_634] : memref<1000000x32xf32, #tpu.memory_space<hbm>> -> memref<1000000x32xf32, #tpu.memory_space<hbm>>
        tpu.enqueue_indirect_dma source(%dma_start3A_635 : memref<1000000x32xf32, #tpu.memory_space<hbm>>) target(%dma_start3A_630 : memref<80x32xf32, #tpu.memory_space<vmem>>) offsets(%dma_start3A_632 : memref<80xi32, #tpu.memory_space<vmem>>) semaphore(%arg13 : memref<!tpu.dma_semaphore, #tpu.memory_space<semaphore_mem>>)
        %dma_start3A_636 = arith.constant 960 : i32
        %dma_start3A_637 = arith.constant 0 : i32
        %dma_start3A_638 = tpu.memref_slice %arg8[%dma_start3A_636, %dma_start3A_637] : memref<1600x32xf32, #tpu.memory_space<vmem>> -> memref<80x32xf32, #tpu.memory_space<vmem>>
        %dma_start3A_639 = arith.constant 960 : i32
        %dma_start3A_640 = tpu.memref_slice %arg6[%dma_start3A_639] : memref<1600xi32, #tpu.memory_space<vmem>> -> memref<80xi32, #tpu.memory_space<vmem>>
        %dma_start3A_641 = arith.constant 0 : i32
        %dma_start3A_642 = arith.constant 0 : i32
        %dma_start3A_643 = tpu.memref_slice %arg3[%dma_start3A_641, %dma_start3A_642] : memref<1000000x32xf32, #tpu.memory_space<hbm>> -> memref<1000000x32xf32, #tpu.memory_space<hbm>>
        tpu.enqueue_indirect_dma source(%dma_start3A_643 : memref<1000000x32xf32, #tpu.memory_space<hbm>>) target(%dma_start3A_638 : memref<80x32xf32, #tpu.memory_space<vmem>>) offsets(%dma_start3A_640 : memref<80xi32, #tpu.memory_space<vmem>>) semaphore(%arg13 : memref<!tpu.dma_semaphore, #tpu.memory_space<semaphore_mem>>)
        %dma_start3A_644 = arith.constant 1040 : i32
        %dma_start3A_645 = arith.constant 0 : i32
        %dma_start3A_646 = tpu.memref_slice %arg8[%dma_start3A_644, %dma_start3A_645] : memref<1600x32xf32, #tpu.memory_space<vmem>> -> memref<80x32xf32, #tpu.memory_space<vmem>>
        %dma_start3A_647 = arith.constant 1040 : i32
        %dma_start3A_648 = tpu.memref_slice %arg6[%dma_start3A_647] : memref<1600xi32, #tpu.memory_space<vmem>> -> memref<80xi32, #tpu.memory_space<vmem>>
        %dma_start3A_649 = arith.constant 0 : i32
        %dma_start3A_650 = arith.constant 0 : i32
        %dma_start3A_651 = tpu.memref_slice %arg3[%dma_start3A_649, %dma_start3A_650] : memref<1000000x32xf32, #tpu.memory_space<hbm>> -> memref<1000000x32xf32, #tpu.memory_space<hbm>>
        tpu.enqueue_indirect_dma source(%dma_start3A_651 : memref<1000000x32xf32, #tpu.memory_space<hbm>>) target(%dma_start3A_646 : memref<80x32xf32, #tpu.memory_space<vmem>>) offsets(%dma_start3A_648 : memref<80xi32, #tpu.memory_space<vmem>>) semaphore(%arg13 : memref<!tpu.dma_semaphore, #tpu.memory_space<semaphore_mem>>)
        %dma_start3A_652 = arith.constant 1120 : i32
        %dma_start3A_653 = arith.constant 0 : i32
        %dma_start3A_654 = tpu.memref_slice %arg8[%dma_start3A_652, %dma_start3A_653] : memref<1600x32xf32, #tpu.memory_space<vmem>> -> memref<80x32xf32, #tpu.memory_space<vmem>>
        %dma_start3A_655 = arith.constant 1120 : i32
        %dma_start3A_656 = tpu.memref_slice %arg6[%dma_start3A_655] : memref<1600xi32, #tpu.memory_space<vmem>> -> memref<80xi32, #tpu.memory_space<vmem>>
        %dma_start3A_657 = arith.constant 0 : i32
        %dma_start3A_658 = arith.constant 0 : i32
        %dma_start3A_659 = tpu.memref_slice %arg3[%dma_start3A_657, %dma_start3A_658] : memref<1000000x32xf32, #tpu.memory_space<hbm>> -> memref<1000000x32xf32, #tpu.memory_space<hbm>>
        tpu.enqueue_indirect_dma source(%dma_start3A_659 : memref<1000000x32xf32, #tpu.memory_space<hbm>>) target(%dma_start3A_654 : memref<80x32xf32, #tpu.memory_space<vmem>>) offsets(%dma_start3A_656 : memref<80xi32, #tpu.memory_space<vmem>>) semaphore(%arg13 : memref<!tpu.dma_semaphore, #tpu.memory_space<semaphore_mem>>)
        %dma_start3A_660 = arith.constant 1200 : i32
        %dma_start3A_661 = arith.constant 0 : i32
        %dma_start3A_662 = tpu.memref_slice %arg8[%dma_start3A_660, %dma_start3A_661] : memref<1600x32xf32, #tpu.memory_space<vmem>> -> memref<80x32xf32, #tpu.memory_space<vmem>>
        %dma_start3A_663 = arith.constant 1200 : i32
        %dma_start3A_664 = tpu.memref_slice %arg6[%dma_start3A_663] : memref<1600xi32, #tpu.memory_space<vmem>> -> memref<80xi32, #tpu.memory_space<vmem>>
        %dma_start3A_665 = arith.constant 0 : i32
        %dma_start3A_666 = arith.constant 0 : i32
        %dma_start3A_667 = tpu.memref_slice %arg3[%dma_start3A_665, %dma_start3A_666] : memref<1000000x32xf32, #tpu.memory_space<hbm>> -> memref<1000000x32xf32, #tpu.memory_space<hbm>>
        tpu.enqueue_indirect_dma source(%dma_start3A_667 : memref<1000000x32xf32, #tpu.memory_space<hbm>>) target(%dma_start3A_662 : memref<80x32xf32, #tpu.memory_space<vmem>>) offsets(%dma_start3A_664 : memref<80xi32, #tpu.memory_space<vmem>>) semaphore(%arg13 : memref<!tpu.dma_semaphore, #tpu.memory_space<semaphore_mem>>)
        %dma_start3A_668 = arith.constant 1280 : i32
        %dma_start3A_669 = arith.constant 0 : i32
        %dma_start3A_670 = tpu.memref_slice %arg8[%dma_start3A_668, %dma_start3A_669] : memref<1600x32xf32, #tpu.memory_space<vmem>> -> memref<80x32xf32, #tpu.memory_space<vmem>>
        %dma_start3A_671 = arith.constant 1280 : i32
        %dma_start3A_672 = tpu.memref_slice %arg6[%dma_start3A_671] : memref<1600xi32, #tpu.memory_space<vmem>> -> memref<80xi32, #tpu.memory_space<vmem>>
        %dma_start3A_673 = arith.constant 0 : i32
        %dma_start3A_674 = arith.constant 0 : i32
        %dma_start3A_675 = tpu.memref_slice %arg3[%dma_start3A_673, %dma_start3A_674] : memref<1000000x32xf32, #tpu.memory_space<hbm>> -> memref<1000000x32xf32, #tpu.memory_space<hbm>>
        tpu.enqueue_indirect_dma source(%dma_start3A_675 : memref<1000000x32xf32, #tpu.memory_space<hbm>>) target(%dma_start3A_670 : memref<80x32xf32, #tpu.memory_space<vmem>>) offsets(%dma_start3A_672 : memref<80xi32, #tpu.memory_space<vmem>>) semaphore(%arg13 : memref<!tpu.dma_semaphore, #tpu.memory_space<semaphore_mem>>)
        %dma_start3A_676 = arith.constant 1360 : i32
        %dma_start3A_677 = arith.constant 0 : i32
        %dma_start3A_678 = tpu.memref_slice %arg8[%dma_start3A_676, %dma_start3A_677] : memref<1600x32xf32, #tpu.memory_space<vmem>> -> memref<80x32xf32, #tpu.memory_space<vmem>>
        %dma_start3A_679 = arith.constant 1360 : i32
        %dma_start3A_680 = tpu.memref_slice %arg6[%dma_start3A_679] : memref<1600xi32, #tpu.memory_space<vmem>> -> memref<80xi32, #tpu.memory_space<vmem>>
        %dma_start3A_681 = arith.constant 0 : i32
        %dma_start3A_682 = arith.constant 0 : i32
        %dma_start3A_683 = tpu.memref_slice %arg3[%dma_start3A_681, %dma_start3A_682] : memref<1000000x32xf32, #tpu.memory_space<hbm>> -> memref<1000000x32xf32, #tpu.memory_space<hbm>>
        tpu.enqueue_indirect_dma source(%dma_start3A_683 : memref<1000000x32xf32, #tpu.memory_space<hbm>>) target(%dma_start3A_678 : memref<80x32xf32, #tpu.memory_space<vmem>>) offsets(%dma_start3A_680 : memref<80xi32, #tpu.memory_space<vmem>>) semaphore(%arg13 : memref<!tpu.dma_semaphore, #tpu.memory_space<semaphore_mem>>)
        %dma_start3A_684 = arith.constant 1440 : i32
        %dma_start3A_685 = arith.constant 0 : i32
        %dma_start3A_686 = tpu.memref_slice %arg8[%dma_start3A_684, %dma_start3A_685] : memref<1600x32xf32, #tpu.memory_space<vmem>> -> memref<80x32xf32, #tpu.memory_space<vmem>>
        %dma_start3A_687 = arith.constant 1440 : i32
        %dma_start3A_688 = tpu.memref_slice %arg6[%dma_start3A_687] : memref<1600xi32, #tpu.memory_space<vmem>> -> memref<80xi32, #tpu.memory_space<vmem>>
        %dma_start3A_689 = arith.constant 0 : i32
        %dma_start3A_690 = arith.constant 0 : i32
        %dma_start3A_691 = tpu.memref_slice %arg3[%dma_start3A_689, %dma_start3A_690] : memref<1000000x32xf32, #tpu.memory_space<hbm>> -> memref<1000000x32xf32, #tpu.memory_space<hbm>>
        tpu.enqueue_indirect_dma source(%dma_start3A_691 : memref<1000000x32xf32, #tpu.memory_space<hbm>>) target(%dma_start3A_686 : memref<80x32xf32, #tpu.memory_space<vmem>>) offsets(%dma_start3A_688 : memref<80xi32, #tpu.memory_space<vmem>>) semaphore(%arg13 : memref<!tpu.dma_semaphore, #tpu.memory_space<semaphore_mem>>)
        %dma_start3A_692 = arith.constant 1520 : i32
        %dma_start3A_693 = arith.constant 0 : i32
        %dma_start3A_694 = tpu.memref_slice %arg8[%dma_start3A_692, %dma_start3A_693] : memref<1600x32xf32, #tpu.memory_space<vmem>> -> memref<80x32xf32, #tpu.memory_space<vmem>>
        %dma_start3A_695 = arith.constant 1520 : i32
        %dma_start3A_696 = tpu.memref_slice %arg6[%dma_start3A_695] : memref<1600xi32, #tpu.memory_space<vmem>> -> memref<80xi32, #tpu.memory_space<vmem>>
        %dma_start3A_697 = arith.constant 0 : i32
        %dma_start3A_698 = arith.constant 0 : i32
        %dma_start3A_699 = tpu.memref_slice %arg3[%dma_start3A_697, %dma_start3A_698] : memref<1000000x32xf32, #tpu.memory_space<hbm>> -> memref<1000000x32xf32, #tpu.memory_space<hbm>>
        tpu.enqueue_indirect_dma source(%dma_start3A_699 : memref<1000000x32xf32, #tpu.memory_space<hbm>>) target(%dma_start3A_694 : memref<80x32xf32, #tpu.memory_space<vmem>>) offsets(%dma_start3A_696 : memref<80xi32, #tpu.memory_space<vmem>>) semaphore(%arg13 : memref<!tpu.dma_semaphore, #tpu.memory_space<semaphore_mem>>)
      } else {
      }
      %dma_wait3A_184 = arith.constant 0 : i32
      %dma_wait3A_185 = arith.constant 0 : i32
      %dma_wait3A_186 = tpu.memref_slice %arg7[%dma_wait3A_184, %dma_wait3A_185] : memref<1600x32xf32, #tpu.memory_space<vmem>> -> memref<80x32xf32, #tpu.memory_space<vmem>>
      %dma_wait3A_187 = arith.constant 0 : i32
      %dma_wait3A_188 = tpu.memref_slice %arg5[%dma_wait3A_187] : memref<1600xi32, #tpu.memory_space<vmem>> -> memref<80xi32, #tpu.memory_space<vmem>>
      %dma_wait3A_189 = arith.constant 0 : i32
      %dma_wait3A_190 = arith.constant 0 : i32
      %dma_wait3A_191 = tpu.memref_slice %arg3[%dma_wait3A_189, %dma_wait3A_190] : memref<1000000x32xf32, #tpu.memory_space<hbm>> -> memref<1000000x32xf32, #tpu.memory_space<hbm>>
      tpu.wait_indirect_dma semaphore(%arg12 : memref<!tpu.dma_semaphore, #tpu.memory_space<semaphore_mem>>) src(%dma_wait3A_191 : memref<1000000x32xf32, #tpu.memory_space<hbm>>) dst(%dma_wait3A_186 : memref<80x32xf32, #tpu.memory_space<vmem>>)
      %dma_wait3A_192 = arith.constant 80 : i32
      %dma_wait3A_193 = arith.constant 0 : i32
      %dma_wait3A_194 = tpu.memref_slice %arg7[%dma_wait3A_192, %dma_wait3A_193] : memref<1600x32xf32, #tpu.memory_space<vmem>> -> memref<80x32xf32, #tpu.memory_space<vmem>>
      %dma_wait3A_195 = arith.constant 80 : i32
      %dma_wait3A_196 = tpu.memref_slice %arg5[%dma_wait3A_195] : memref<1600xi32, #tpu.memory_space<vmem>> -> memref<80xi32, #tpu.memory_space<vmem>>
      %dma_wait3A_197 = arith.constant 0 : i32
      %dma_wait3A_198 = arith.constant 0 : i32
      %dma_wait3A_199 = tpu.memref_slice %arg3[%dma_wait3A_197, %dma_wait3A_198] : memref<1000000x32xf32, #tpu.memory_space<hbm>> -> memref<1000000x32xf32, #tpu.memory_space<hbm>>
      tpu.wait_indirect_dma semaphore(%arg12 : memref<!tpu.dma_semaphore, #tpu.memory_space<semaphore_mem>>) src(%dma_wait3A_199 : memref<1000000x32xf32, #tpu.memory_space<hbm>>) dst(%dma_wait3A_194 : memref<80x32xf32, #tpu.memory_space<vmem>>)
      %dma_wait3A_200 = arith.constant 160 : i32
      %dma_wait3A_201 = arith.constant 0 : i32
      %dma_wait3A_202 = tpu.memref_slice %arg7[%dma_wait3A_200, %dma_wait3A_201] : memref<1600x32xf32, #tpu.memory_space<vmem>> -> memref<80x32xf32, #tpu.memory_space<vmem>>
      %dma_wait3A_203 = arith.constant 160 : i32
      %dma_wait3A_204 = tpu.memref_slice %arg5[%dma_wait3A_203] : memref<1600xi32, #tpu.memory_space<vmem>> -> memref<80xi32, #tpu.memory_space<vmem>>
      %dma_wait3A_205 = arith.constant 0 : i32
      %dma_wait3A_206 = arith.constant 0 : i32
      %dma_wait3A_207 = tpu.memref_slice %arg3[%dma_wait3A_205, %dma_wait3A_206] : memref<1000000x32xf32, #tpu.memory_space<hbm>> -> memref<1000000x32xf32, #tpu.memory_space<hbm>>
      tpu.wait_indirect_dma semaphore(%arg12 : memref<!tpu.dma_semaphore, #tpu.memory_space<semaphore_mem>>) src(%dma_wait3A_207 : memref<1000000x32xf32, #tpu.memory_space<hbm>>) dst(%dma_wait3A_202 : memref<80x32xf32, #tpu.memory_space<vmem>>)
      %dma_wait3A_208 = arith.constant 240 : i32
      %dma_wait3A_209 = arith.constant 0 : i32
      %dma_wait3A_210 = tpu.memref_slice %arg7[%dma_wait3A_208, %dma_wait3A_209] : memref<1600x32xf32, #tpu.memory_space<vmem>> -> memref<80x32xf32, #tpu.memory_space<vmem>>
      %dma_wait3A_211 = arith.constant 240 : i32
      %dma_wait3A_212 = tpu.memref_slice %arg5[%dma_wait3A_211] : memref<1600xi32, #tpu.memory_space<vmem>> -> memref<80xi32, #tpu.memory_space<vmem>>
      %dma_wait3A_213 = arith.constant 0 : i32
      %dma_wait3A_214 = arith.constant 0 : i32
      %dma_wait3A_215 = tpu.memref_slice %arg3[%dma_wait3A_213, %dma_wait3A_214] : memref<1000000x32xf32, #tpu.memory_space<hbm>> -> memref<1000000x32xf32, #tpu.memory_space<hbm>>
      tpu.wait_indirect_dma semaphore(%arg12 : memref<!tpu.dma_semaphore, #tpu.memory_space<semaphore_mem>>) src(%dma_wait3A_215 : memref<1000000x32xf32, #tpu.memory_space<hbm>>) dst(%dma_wait3A_210 : memref<80x32xf32, #tpu.memory_space<vmem>>)
      %dma_wait3A_216 = arith.constant 320 : i32
      %dma_wait3A_217 = arith.constant 0 : i32
      %dma_wait3A_218 = tpu.memref_slice %arg7[%dma_wait3A_216, %dma_wait3A_217] : memref<1600x32xf32, #tpu.memory_space<vmem>> -> memref<80x32xf32, #tpu.memory_space<vmem>>
      %dma_wait3A_219 = arith.constant 320 : i32
      %dma_wait3A_220 = tpu.memref_slice %arg5[%dma_wait3A_219] : memref<1600xi32, #tpu.memory_space<vmem>> -> memref<80xi32, #tpu.memory_space<vmem>>
      %dma_wait3A_221 = arith.constant 0 : i32
      %dma_wait3A_222 = arith.constant 0 : i32
      %dma_wait3A_223 = tpu.memref_slice %arg3[%dma_wait3A_221, %dma_wait3A_222] : memref<1000000x32xf32, #tpu.memory_space<hbm>> -> memref<1000000x32xf32, #tpu.memory_space<hbm>>
      tpu.wait_indirect_dma semaphore(%arg12 : memref<!tpu.dma_semaphore, #tpu.memory_space<semaphore_mem>>) src(%dma_wait3A_223 : memref<1000000x32xf32, #tpu.memory_space<hbm>>) dst(%dma_wait3A_218 : memref<80x32xf32, #tpu.memory_space<vmem>>)
      %dma_wait3A_224 = arith.constant 400 : i32
      %dma_wait3A_225 = arith.constant 0 : i32
      %dma_wait3A_226 = tpu.memref_slice %arg7[%dma_wait3A_224, %dma_wait3A_225] : memref<1600x32xf32, #tpu.memory_space<vmem>> -> memref<80x32xf32, #tpu.memory_space<vmem>>
      %dma_wait3A_227 = arith.constant 400 : i32
      %dma_wait3A_228 = tpu.memref_slice %arg5[%dma_wait3A_227] : memref<1600xi32, #tpu.memory_space<vmem>> -> memref<80xi32, #tpu.memory_space<vmem>>
      %dma_wait3A_229 = arith.constant 0 : i32
      %dma_wait3A_230 = arith.constant 0 : i32
      %dma_wait3A_231 = tpu.memref_slice %arg3[%dma_wait3A_229, %dma_wait3A_230] : memref<1000000x32xf32, #tpu.memory_space<hbm>> -> memref<1000000x32xf32, #tpu.memory_space<hbm>>
      tpu.wait_indirect_dma semaphore(%arg12 : memref<!tpu.dma_semaphore, #tpu.memory_space<semaphore_mem>>) src(%dma_wait3A_231 : memref<1000000x32xf32, #tpu.memory_space<hbm>>) dst(%dma_wait3A_226 : memref<80x32xf32, #tpu.memory_space<vmem>>)
      %dma_wait3A_232 = arith.constant 480 : i32
      %dma_wait3A_233 = arith.constant 0 : i32
      %dma_wait3A_234 = tpu.memref_slice %arg7[%dma_wait3A_232, %dma_wait3A_233] : memref<1600x32xf32, #tpu.memory_space<vmem>> -> memref<80x32xf32, #tpu.memory_space<vmem>>
      %dma_wait3A_235 = arith.constant 480 : i32
      %dma_wait3A_236 = tpu.memref_slice %arg5[%dma_wait3A_235] : memref<1600xi32, #tpu.memory_space<vmem>> -> memref<80xi32, #tpu.memory_space<vmem>>
      %dma_wait3A_237 = arith.constant 0 : i32
      %dma_wait3A_238 = arith.constant 0 : i32
      %dma_wait3A_239 = tpu.memref_slice %arg3[%dma_wait3A_237, %dma_wait3A_238] : memref<1000000x32xf32, #tpu.memory_space<hbm>> -> memref<1000000x32xf32, #tpu.memory_space<hbm>>
      tpu.wait_indirect_dma semaphore(%arg12 : memref<!tpu.dma_semaphore, #tpu.memory_space<semaphore_mem>>) src(%dma_wait3A_239 : memref<1000000x32xf32, #tpu.memory_space<hbm>>) dst(%dma_wait3A_234 : memref<80x32xf32, #tpu.memory_space<vmem>>)
      %dma_wait3A_240 = arith.constant 560 : i32
      %dma_wait3A_241 = arith.constant 0 : i32
      %dma_wait3A_242 = tpu.memref_slice %arg7[%dma_wait3A_240, %dma_wait3A_241] : memref<1600x32xf32, #tpu.memory_space<vmem>> -> memref<80x32xf32, #tpu.memory_space<vmem>>
      %dma_wait3A_243 = arith.constant 560 : i32
      %dma_wait3A_244 = tpu.memref_slice %arg5[%dma_wait3A_243] : memref<1600xi32, #tpu.memory_space<vmem>> -> memref<80xi32, #tpu.memory_space<vmem>>
      %dma_wait3A_245 = arith.constant 0 : i32
      %dma_wait3A_246 = arith.constant 0 : i32
      %dma_wait3A_247 = tpu.memref_slice %arg3[%dma_wait3A_245, %dma_wait3A_246] : memref<1000000x32xf32, #tpu.memory_space<hbm>> -> memref<1000000x32xf32, #tpu.memory_space<hbm>>
      tpu.wait_indirect_dma semaphore(%arg12 : memref<!tpu.dma_semaphore, #tpu.memory_space<semaphore_mem>>) src(%dma_wait3A_247 : memref<1000000x32xf32, #tpu.memory_space<hbm>>) dst(%dma_wait3A_242 : memref<80x32xf32, #tpu.memory_space<vmem>>)
      %dma_wait3A_248 = arith.constant 640 : i32
      %dma_wait3A_249 = arith.constant 0 : i32
      %dma_wait3A_250 = tpu.memref_slice %arg7[%dma_wait3A_248, %dma_wait3A_249] : memref<1600x32xf32, #tpu.memory_space<vmem>> -> memref<80x32xf32, #tpu.memory_space<vmem>>
      %dma_wait3A_251 = arith.constant 640 : i32
      %dma_wait3A_252 = tpu.memref_slice %arg5[%dma_wait3A_251] : memref<1600xi32, #tpu.memory_space<vmem>> -> memref<80xi32, #tpu.memory_space<vmem>>
      %dma_wait3A_253 = arith.constant 0 : i32
      %dma_wait3A_254 = arith.constant 0 : i32
      %dma_wait3A_255 = tpu.memref_slice %arg3[%dma_wait3A_253, %dma_wait3A_254] : memref<1000000x32xf32, #tpu.memory_space<hbm>> -> memref<1000000x32xf32, #tpu.memory_space<hbm>>
      tpu.wait_indirect_dma semaphore(%arg12 : memref<!tpu.dma_semaphore, #tpu.memory_space<semaphore_mem>>) src(%dma_wait3A_255 : memref<1000000x32xf32, #tpu.memory_space<hbm>>) dst(%dma_wait3A_250 : memref<80x32xf32, #tpu.memory_space<vmem>>)
      %dma_wait3A_256 = arith.constant 720 : i32
      %dma_wait3A_257 = arith.constant 0 : i32
      %dma_wait3A_258 = tpu.memref_slice %arg7[%dma_wait3A_256, %dma_wait3A_257] : memref<1600x32xf32, #tpu.memory_space<vmem>> -> memref<80x32xf32, #tpu.memory_space<vmem>>
      %dma_wait3A_259 = arith.constant 720 : i32
      %dma_wait3A_260 = tpu.memref_slice %arg5[%dma_wait3A_259] : memref<1600xi32, #tpu.memory_space<vmem>> -> memref<80xi32, #tpu.memory_space<vmem>>
      %dma_wait3A_261 = arith.constant 0 : i32
      %dma_wait3A_262 = arith.constant 0 : i32
      %dma_wait3A_263 = tpu.memref_slice %arg3[%dma_wait3A_261, %dma_wait3A_262] : memref<1000000x32xf32, #tpu.memory_space<hbm>> -> memref<1000000x32xf32, #tpu.memory_space<hbm>>
      tpu.wait_indirect_dma semaphore(%arg12 : memref<!tpu.dma_semaphore, #tpu.memory_space<semaphore_mem>>) src(%dma_wait3A_263 : memref<1000000x32xf32, #tpu.memory_space<hbm>>) dst(%dma_wait3A_258 : memref<80x32xf32, #tpu.memory_space<vmem>>)
      %dma_wait3A_264 = arith.constant 800 : i32
      %dma_wait3A_265 = arith.constant 0 : i32
      %dma_wait3A_266 = tpu.memref_slice %arg7[%dma_wait3A_264, %dma_wait3A_265] : memref<1600x32xf32, #tpu.memory_space<vmem>> -> memref<80x32xf32, #tpu.memory_space<vmem>>
      %dma_wait3A_267 = arith.constant 800 : i32
      %dma_wait3A_268 = tpu.memref_slice %arg5[%dma_wait3A_267] : memref<1600xi32, #tpu.memory_space<vmem>> -> memref<80xi32, #tpu.memory_space<vmem>>
      %dma_wait3A_269 = arith.constant 0 : i32
      %dma_wait3A_270 = arith.constant 0 : i32
      %dma_wait3A_271 = tpu.memref_slice %arg3[%dma_wait3A_269, %dma_wait3A_270] : memref<1000000x32xf32, #tpu.memory_space<hbm>> -> memref<1000000x32xf32, #tpu.memory_space<hbm>>
      tpu.wait_indirect_dma semaphore(%arg12 : memref<!tpu.dma_semaphore, #tpu.memory_space<semaphore_mem>>) src(%dma_wait3A_271 : memref<1000000x32xf32, #tpu.memory_space<hbm>>) dst(%dma_wait3A_266 : memref<80x32xf32, #tpu.memory_space<vmem>>)
      %dma_wait3A_272 = arith.constant 880 : i32
      %dma_wait3A_273 = arith.constant 0 : i32
      %dma_wait3A_274 = tpu.memref_slice %arg7[%dma_wait3A_272, %dma_wait3A_273] : memref<1600x32xf32, #tpu.memory_space<vmem>> -> memref<80x32xf32, #tpu.memory_space<vmem>>
      %dma_wait3A_275 = arith.constant 880 : i32
      %dma_wait3A_276 = tpu.memref_slice %arg5[%dma_wait3A_275] : memref<1600xi32, #tpu.memory_space<vmem>> -> memref<80xi32, #tpu.memory_space<vmem>>
      %dma_wait3A_277 = arith.constant 0 : i32
      %dma_wait3A_278 = arith.constant 0 : i32
      %dma_wait3A_279 = tpu.memref_slice %arg3[%dma_wait3A_277, %dma_wait3A_278] : memref<1000000x32xf32, #tpu.memory_space<hbm>> -> memref<1000000x32xf32, #tpu.memory_space<hbm>>
      tpu.wait_indirect_dma semaphore(%arg12 : memref<!tpu.dma_semaphore, #tpu.memory_space<semaphore_mem>>) src(%dma_wait3A_279 : memref<1000000x32xf32, #tpu.memory_space<hbm>>) dst(%dma_wait3A_274 : memref<80x32xf32, #tpu.memory_space<vmem>>)
      %dma_wait3A_280 = arith.constant 960 : i32
      %dma_wait3A_281 = arith.constant 0 : i32
      %dma_wait3A_282 = tpu.memref_slice %arg7[%dma_wait3A_280, %dma_wait3A_281] : memref<1600x32xf32, #tpu.memory_space<vmem>> -> memref<80x32xf32, #tpu.memory_space<vmem>>
      %dma_wait3A_283 = arith.constant 960 : i32
      %dma_wait3A_284 = tpu.memref_slice %arg5[%dma_wait3A_283] : memref<1600xi32, #tpu.memory_space<vmem>> -> memref<80xi32, #tpu.memory_space<vmem>>
      %dma_wait3A_285 = arith.constant 0 : i32
      %dma_wait3A_286 = arith.constant 0 : i32
      %dma_wait3A_287 = tpu.memref_slice %arg3[%dma_wait3A_285, %dma_wait3A_286] : memref<1000000x32xf32, #tpu.memory_space<hbm>> -> memref<1000000x32xf32, #tpu.memory_space<hbm>>
      tpu.wait_indirect_dma semaphore(%arg12 : memref<!tpu.dma_semaphore, #tpu.memory_space<semaphore_mem>>) src(%dma_wait3A_287 : memref<1000000x32xf32, #tpu.memory_space<hbm>>) dst(%dma_wait3A_282 : memref<80x32xf32, #tpu.memory_space<vmem>>)
      %dma_wait3A_288 = arith.constant 1040 : i32
      %dma_wait3A_289 = arith.constant 0 : i32
      %dma_wait3A_290 = tpu.memref_slice %arg7[%dma_wait3A_288, %dma_wait3A_289] : memref<1600x32xf32, #tpu.memory_space<vmem>> -> memref<80x32xf32, #tpu.memory_space<vmem>>
      %dma_wait3A_291 = arith.constant 1040 : i32
      %dma_wait3A_292 = tpu.memref_slice %arg5[%dma_wait3A_291] : memref<1600xi32, #tpu.memory_space<vmem>> -> memref<80xi32, #tpu.memory_space<vmem>>
      %dma_wait3A_293 = arith.constant 0 : i32
      %dma_wait3A_294 = arith.constant 0 : i32
      %dma_wait3A_295 = tpu.memref_slice %arg3[%dma_wait3A_293, %dma_wait3A_294] : memref<1000000x32xf32, #tpu.memory_space<hbm>> -> memref<1000000x32xf32, #tpu.memory_space<hbm>>
      tpu.wait_indirect_dma semaphore(%arg12 : memref<!tpu.dma_semaphore, #tpu.memory_space<semaphore_mem>>) src(%dma_wait3A_295 : memref<1000000x32xf32, #tpu.memory_space<hbm>>) dst(%dma_wait3A_290 : memref<80x32xf32, #tpu.memory_space<vmem>>)
      %dma_wait3A_296 = arith.constant 1120 : i32
      %dma_wait3A_297 = arith.constant 0 : i32
      %dma_wait3A_298 = tpu.memref_slice %arg7[%dma_wait3A_296, %dma_wait3A_297] : memref<1600x32xf32, #tpu.memory_space<vmem>> -> memref<80x32xf32, #tpu.memory_space<vmem>>
      %dma_wait3A_299 = arith.constant 1120 : i32
      %dma_wait3A_300 = tpu.memref_slice %arg5[%dma_wait3A_299] : memref<1600xi32, #tpu.memory_space<vmem>> -> memref<80xi32, #tpu.memory_space<vmem>>
      %dma_wait3A_301 = arith.constant 0 : i32
      %dma_wait3A_302 = arith.constant 0 : i32
      %dma_wait3A_303 = tpu.memref_slice %arg3[%dma_wait3A_301, %dma_wait3A_302] : memref<1000000x32xf32, #tpu.memory_space<hbm>> -> memref<1000000x32xf32, #tpu.memory_space<hbm>>
      tpu.wait_indirect_dma semaphore(%arg12 : memref<!tpu.dma_semaphore, #tpu.memory_space<semaphore_mem>>) src(%dma_wait3A_303 : memref<1000000x32xf32, #tpu.memory_space<hbm>>) dst(%dma_wait3A_298 : memref<80x32xf32, #tpu.memory_space<vmem>>)
      %dma_wait3A_304 = arith.constant 1200 : i32
      %dma_wait3A_305 = arith.constant 0 : i32
      %dma_wait3A_306 = tpu.memref_slice %arg7[%dma_wait3A_304, %dma_wait3A_305] : memref<1600x32xf32, #tpu.memory_space<vmem>> -> memref<80x32xf32, #tpu.memory_space<vmem>>
      %dma_wait3A_307 = arith.constant 1200 : i32
      %dma_wait3A_308 = tpu.memref_slice %arg5[%dma_wait3A_307] : memref<1600xi32, #tpu.memory_space<vmem>> -> memref<80xi32, #tpu.memory_space<vmem>>
      %dma_wait3A_309 = arith.constant 0 : i32
      %dma_wait3A_310 = arith.constant 0 : i32
      %dma_wait3A_311 = tpu.memref_slice %arg3[%dma_wait3A_309, %dma_wait3A_310] : memref<1000000x32xf32, #tpu.memory_space<hbm>> -> memref<1000000x32xf32, #tpu.memory_space<hbm>>
      tpu.wait_indirect_dma semaphore(%arg12 : memref<!tpu.dma_semaphore, #tpu.memory_space<semaphore_mem>>) src(%dma_wait3A_311 : memref<1000000x32xf32, #tpu.memory_space<hbm>>) dst(%dma_wait3A_306 : memref<80x32xf32, #tpu.memory_space<vmem>>)
      %dma_wait3A_312 = arith.constant 1280 : i32
      %dma_wait3A_313 = arith.constant 0 : i32
      %dma_wait3A_314 = tpu.memref_slice %arg7[%dma_wait3A_312, %dma_wait3A_313] : memref<1600x32xf32, #tpu.memory_space<vmem>> -> memref<80x32xf32, #tpu.memory_space<vmem>>
      %dma_wait3A_315 = arith.constant 1280 : i32
      %dma_wait3A_316 = tpu.memref_slice %arg5[%dma_wait3A_315] : memref<1600xi32, #tpu.memory_space<vmem>> -> memref<80xi32, #tpu.memory_space<vmem>>
      %dma_wait3A_317 = arith.constant 0 : i32
      %dma_wait3A_318 = arith.constant 0 : i32
      %dma_wait3A_319 = tpu.memref_slice %arg3[%dma_wait3A_317, %dma_wait3A_318] : memref<1000000x32xf32, #tpu.memory_space<hbm>> -> memref<1000000x32xf32, #tpu.memory_space<hbm>>
      tpu.wait_indirect_dma semaphore(%arg12 : memref<!tpu.dma_semaphore, #tpu.memory_space<semaphore_mem>>) src(%dma_wait3A_319 : memref<1000000x32xf32, #tpu.memory_space<hbm>>) dst(%dma_wait3A_314 : memref<80x32xf32, #tpu.memory_space<vmem>>)
      %dma_wait3A_320 = arith.constant 1360 : i32
      %dma_wait3A_321 = arith.constant 0 : i32
      %dma_wait3A_322 = tpu.memref_slice %arg7[%dma_wait3A_320, %dma_wait3A_321] : memref<1600x32xf32, #tpu.memory_space<vmem>> -> memref<80x32xf32, #tpu.memory_space<vmem>>
      %dma_wait3A_323 = arith.constant 1360 : i32
      %dma_wait3A_324 = tpu.memref_slice %arg5[%dma_wait3A_323] : memref<1600xi32, #tpu.memory_space<vmem>> -> memref<80xi32, #tpu.memory_space<vmem>>
      %dma_wait3A_325 = arith.constant 0 : i32
      %dma_wait3A_326 = arith.constant 0 : i32
      %dma_wait3A_327 = tpu.memref_slice %arg3[%dma_wait3A_325, %dma_wait3A_326] : memref<1000000x32xf32, #tpu.memory_space<hbm>> -> memref<1000000x32xf32, #tpu.memory_space<hbm>>
      tpu.wait_indirect_dma semaphore(%arg12 : memref<!tpu.dma_semaphore, #tpu.memory_space<semaphore_mem>>) src(%dma_wait3A_327 : memref<1000000x32xf32, #tpu.memory_space<hbm>>) dst(%dma_wait3A_322 : memref<80x32xf32, #tpu.memory_space<vmem>>)
      %dma_wait3A_328 = arith.constant 1440 : i32
      %dma_wait3A_329 = arith.constant 0 : i32
      %dma_wait3A_330 = tpu.memref_slice %arg7[%dma_wait3A_328, %dma_wait3A_329] : memref<1600x32xf32, #tpu.memory_space<vmem>> -> memref<80x32xf32, #tpu.memory_space<vmem>>
      %dma_wait3A_331 = arith.constant 1440 : i32
      %dma_wait3A_332 = tpu.memref_slice %arg5[%dma_wait3A_331] : memref<1600xi32, #tpu.memory_space<vmem>> -> memref<80xi32, #tpu.memory_space<vmem>>
      %dma_wait3A_333 = arith.constant 0 : i32
      %dma_wait3A_334 = arith.constant 0 : i32
      %dma_wait3A_335 = tpu.memref_slice %arg3[%dma_wait3A_333, %dma_wait3A_334] : memref<1000000x32xf32, #tpu.memory_space<hbm>> -> memref<1000000x32xf32, #tpu.memory_space<hbm>>
      tpu.wait_indirect_dma semaphore(%arg12 : memref<!tpu.dma_semaphore, #tpu.memory_space<semaphore_mem>>) src(%dma_wait3A_335 : memref<1000000x32xf32, #tpu.memory_space<hbm>>) dst(%dma_wait3A_330 : memref<80x32xf32, #tpu.memory_space<vmem>>)
      %dma_wait3A_336 = arith.constant 1520 : i32
      %dma_wait3A_337 = arith.constant 0 : i32
      %dma_wait3A_338 = tpu.memref_slice %arg7[%dma_wait3A_336, %dma_wait3A_337] : memref<1600x32xf32, #tpu.memory_space<vmem>> -> memref<80x32xf32, #tpu.memory_space<vmem>>
      %dma_wait3A_339 = arith.constant 1520 : i32
      %dma_wait3A_340 = tpu.memref_slice %arg5[%dma_wait3A_339] : memref<1600xi32, #tpu.memory_space<vmem>> -> memref<80xi32, #tpu.memory_space<vmem>>
      %dma_wait3A_341 = arith.constant 0 : i32
      %dma_wait3A_342 = arith.constant 0 : i32
      %dma_wait3A_343 = tpu.memref_slice %arg3[%dma_wait3A_341, %dma_wait3A_342] : memref<1000000x32xf32, #tpu.memory_space<hbm>> -> memref<1000000x32xf32, #tpu.memory_space<hbm>>
      tpu.wait_indirect_dma semaphore(%arg12 : memref<!tpu.dma_semaphore, #tpu.memory_space<semaphore_mem>>) src(%dma_wait3A_343 : memref<1000000x32xf32, #tpu.memory_space<hbm>>) dst(%dma_wait3A_338 : memref<80x32xf32, #tpu.memory_space<vmem>>)
      %scan3A_344 = arith.constant 0 : i32
      %scan3A_345 = arith.constant 0 : i32
      %scan3A_346 = arith.constant 32 : i32
      %scan3A_347 = arith.addi %scan3A_345, %scan3A_346 : i32
      %scan3A_348 = arith.constant 1 : i32
      scf.for %scan3A_531 = %scan3A_345 to %scan3A_347 step %scan3A_348  : i32 {
        %mul3A_532 = arith.constant 50 : i32
        %mul3A_533 = arith.muli %scan3A_531, %mul3A_532 : i32
        %get3A = arith.index_cast %mul3A_533 : i32 to index
        %get3A_534 = arith.constant 0 : index
        %get3A_535 = tpu.vector_load %arg7[%get3A, %get3A_534] {strides = array<i32>} : memref<1600x32xf32, #tpu.memory_space<vmem>>, vector<1x16xf32>,
        %get3A_536 = vector.shape_cast %get3A_535 : vector<1x16xf32> to vector<16xf32>
        %get3A_537 = arith.index_cast %mul3A_533 : i32 to index
        %get3A_538 = arith.constant 16 : index
        %get3A_539 = tpu.vector_load %arg7[%get3A_537, %get3A_538] {strides = array<i32>} : memref<1600x32xf32, #tpu.memory_space<vmem>>, vector<1x16xf32>,
        %get3A_540 = vector.shape_cast %get3A_539 : vector<1x16xf32> to vector<16xf32>
        %add3A_541 = arith.constant 1 : i32
        %add3A_542 = arith.addi %mul3A_533, %add3A_541 : i32
        %get3A_543 = arith.index_cast %add3A_542 : i32 to index
        %get3A_544 = arith.constant 0 : index
        %get3A_545 = tpu.vector_load %arg7[%get3A_543, %get3A_544] {strides = array<i32>} : memref<1600x32xf32, #tpu.memory_space<vmem>>, vector<1x16xf32>,
        %get3A_546 = vector.shape_cast %get3A_545 : vector<1x16xf32> to vector<16xf32>
        %add3A_547 = arith.addf %get3A_536, %get3A_546 : vector<16xf32>
        %add3A_548 = arith.constant 1 : i32
        %add3A_549 = arith.addi %mul3A_533, %add3A_548 : i32
        %get3A_550 = arith.index_cast %add3A_549 : i32 to index
        %get3A_551 = arith.constant 16 : index
        %get3A_552 = tpu.vector_load %arg7[%get3A_550, %get3A_551] {strides = array<i32>} : memref<1600x32xf32, #tpu.memory_space<vmem>>, vector<1x16xf32>,
        %get3A_553 = vector.shape_cast %get3A_552 : vector<1x16xf32> to vector<16xf32>
        %add3A_554 = arith.addf %get3A_540, %get3A_553 : vector<16xf32>
        %add3A_555 = arith.constant 2 : i32
        %add3A_556 = arith.addi %mul3A_533, %add3A_555 : i32
        %get3A_557 = arith.index_cast %add3A_556 : i32 to index
        %get3A_558 = arith.constant 0 : index
        %get3A_559 = tpu.vector_load %arg7[%get3A_557, %get3A_558] {strides = array<i32>} : memref<1600x32xf32, #tpu.memory_space<vmem>>, vector<1x16xf32>,
        %get3A_560 = vector.shape_cast %get3A_559 : vector<1x16xf32> to vector<16xf32>
        %add3A_561 = arith.addf %add3A_547, %get3A_560 : vector<16xf32>
        %add3A_562 = arith.constant 2 : i32
        %add3A_563 = arith.addi %mul3A_533, %add3A_562 : i32
        %get3A_564 = arith.index_cast %add3A_563 : i32 to index
        %get3A_565 = arith.constant 16 : index
        %get3A_566 = tpu.vector_load %arg7[%get3A_564, %get3A_565] {strides = array<i32>} : memref<1600x32xf32, #tpu.memory_space<vmem>>, vector<1x16xf32>,
        %get3A_567 = vector.shape_cast %get3A_566 : vector<1x16xf32> to vector<16xf32>
        %add3A_568 = arith.addf %add3A_554, %get3A_567 : vector<16xf32>
        %add3A_569 = arith.constant 3 : i32
        %add3A_570 = arith.addi %mul3A_533, %add3A_569 : i32
        %get3A_571 = arith.index_cast %add3A_570 : i32 to index
        %get3A_572 = arith.constant 0 : index
        %get3A_573 = tpu.vector_load %arg7[%get3A_571, %get3A_572] {strides = array<i32>} : memref<1600x32xf32, #tpu.memory_space<vmem>>, vector<1x16xf32>,
        %get3A_574 = vector.shape_cast %get3A_573 : vector<1x16xf32> to vector<16xf32>
        %add3A_575 = arith.addf %add3A_561, %get3A_574 : vector<16xf32>
        %add3A_576 = arith.constant 3 : i32
        %add3A_577 = arith.addi %mul3A_533, %add3A_576 : i32
        %get3A_578 = arith.index_cast %add3A_577 : i32 to index
        %get3A_579 = arith.constant 16 : index
        %get3A_580 = tpu.vector_load %arg7[%get3A_578, %get3A_579] {strides = array<i32>} : memref<1600x32xf32, #tpu.memory_space<vmem>>, vector<1x16xf32>,
        %get3A_581 = vector.shape_cast %get3A_580 : vector<1x16xf32> to vector<16xf32>
        %add3A_582 = arith.addf %add3A_568, %get3A_581 : vector<16xf32>
        %add3A_583 = arith.constant 4 : i32
        %add3A_584 = arith.addi %mul3A_533, %add3A_583 : i32
        %get3A_585 = arith.index_cast %add3A_584 : i32 to index
        %get3A_586 = arith.constant 0 : index
        %get3A_587 = tpu.vector_load %arg7[%get3A_585, %get3A_586] {strides = array<i32>} : memref<1600x32xf32, #tpu.memory_space<vmem>>, vector<1x16xf32>,
        %get3A_588 = vector.shape_cast %get3A_587 : vector<1x16xf32> to vector<16xf32>
        %add3A_589 = arith.addf %add3A_575, %get3A_588 : vector<16xf32>
        %add3A_590 = arith.constant 4 : i32
        %add3A_591 = arith.addi %mul3A_533, %add3A_590 : i32
        %get3A_592 = arith.index_cast %add3A_591 : i32 to index
        %get3A_593 = arith.constant 16 : index
        %get3A_594 = tpu.vector_load %arg7[%get3A_592, %get3A_593] {strides = array<i32>} : memref<1600x32xf32, #tpu.memory_space<vmem>>, vector<1x16xf32>,
        %get3A_595 = vector.shape_cast %get3A_594 : vector<1x16xf32> to vector<16xf32>
        %add3A_596 = arith.addf %add3A_582, %get3A_595 : vector<16xf32>
        %add3A_597 = arith.constant 5 : i32
        %add3A_598 = arith.addi %mul3A_533, %add3A_597 : i32
        %get3A_599 = arith.index_cast %add3A_598 : i32 to index
        %get3A_600 = arith.constant 0 : index
        %get3A_601 = tpu.vector_load %arg7[%get3A_599, %get3A_600] {strides = array<i32>} : memref<1600x32xf32, #tpu.memory_space<vmem>>, vector<1x16xf32>,
        %get3A_602 = vector.shape_cast %get3A_601 : vector<1x16xf32> to vector<16xf32>
        %add3A_603 = arith.addf %add3A_589, %get3A_602 : vector<16xf32>
        %add3A_604 = arith.constant 5 : i32
        %add3A_605 = arith.addi %mul3A_533, %add3A_604 : i32
        %get3A_606 = arith.index_cast %add3A_605 : i32 to index
        %get3A_607 = arith.constant 16 : index
        %get3A_608 = tpu.vector_load %arg7[%get3A_606, %get3A_607] {strides = array<i32>} : memref<1600x32xf32, #tpu.memory_space<vmem>>, vector<1x16xf32>,
        %get3A_609 = vector.shape_cast %get3A_608 : vector<1x16xf32> to vector<16xf32>
        %add3A_610 = arith.addf %add3A_596, %get3A_609 : vector<16xf32>
        %add3A_611 = arith.constant 6 : i32
        %add3A_612 = arith.addi %mul3A_533, %add3A_611 : i32
        %get3A_613 = arith.index_cast %add3A_612 : i32 to index
        %get3A_614 = arith.constant 0 : index
        %get3A_615 = tpu.vector_load %arg7[%get3A_613, %get3A_614] {strides = array<i32>} : memref<1600x32xf32, #tpu.memory_space<vmem>>, vector<1x16xf32>,
        %get3A_616 = vector.shape_cast %get3A_615 : vector<1x16xf32> to vector<16xf32>
        %add3A_617 = arith.addf %add3A_603, %get3A_616 : vector<16xf32>
        %add3A_618 = arith.constant 6 : i32
        %add3A_619 = arith.addi %mul3A_533, %add3A_618 : i32
        %get3A_620 = arith.index_cast %add3A_619 : i32 to index
        %get3A_621 = arith.constant 16 : index
        %get3A_622 = tpu.vector_load %arg7[%get3A_620, %get3A_621] {strides = array<i32>} : memref<1600x32xf32, #tpu.memory_space<vmem>>, vector<1x16xf32>,
        %get3A_623 = vector.shape_cast %get3A_622 : vector<1x16xf32> to vector<16xf32>
        %add3A_624 = arith.addf %add3A_610, %get3A_623 : vector<16xf32>
        %add3A_625 = arith.constant 7 : i32
        %add3A_626 = arith.addi %mul3A_533, %add3A_625 : i32
        %get3A_627 = arith.index_cast %add3A_626 : i32 to index
        %get3A_628 = arith.constant 0 : index
        %get3A_629 = tpu.vector_load %arg7[%get3A_627, %get3A_628] {strides = array<i32>} : memref<1600x32xf32, #tpu.memory_space<vmem>>, vector<1x16xf32>,
        %get3A_630 = vector.shape_cast %get3A_629 : vector<1x16xf32> to vector<16xf32>
        %add3A_631 = arith.addf %add3A_617, %get3A_630 : vector<16xf32>
        %add3A_632 = arith.constant 7 : i32
        %add3A_633 = arith.addi %mul3A_533, %add3A_632 : i32
        %get3A_634 = arith.index_cast %add3A_633 : i32 to index
        %get3A_635 = arith.constant 16 : index
        %get3A_636 = tpu.vector_load %arg7[%get3A_634, %get3A_635] {strides = array<i32>} : memref<1600x32xf32, #tpu.memory_space<vmem>>, vector<1x16xf32>,
        %get3A_637 = vector.shape_cast %get3A_636 : vector<1x16xf32> to vector<16xf32>
        %add3A_638 = arith.addf %add3A_624, %get3A_637 : vector<16xf32>
        %add3A_639 = arith.constant 8 : i32
        %add3A_640 = arith.addi %mul3A_533, %add3A_639 : i32
        %get3A_641 = arith.index_cast %add3A_640 : i32 to index
        %get3A_642 = arith.constant 0 : index
        %get3A_643 = tpu.vector_load %arg7[%get3A_641, %get3A_642] {strides = array<i32>} : memref<1600x32xf32, #tpu.memory_space<vmem>>, vector<1x16xf32>,
        %get3A_644 = vector.shape_cast %get3A_643 : vector<1x16xf32> to vector<16xf32>
        %add3A_645 = arith.addf %add3A_631, %get3A_644 : vector<16xf32>
        %add3A_646 = arith.constant 8 : i32
        %add3A_647 = arith.addi %mul3A_533, %add3A_646 : i32
        %get3A_648 = arith.index_cast %add3A_647 : i32 to index
        %get3A_649 = arith.constant 16 : index
        %get3A_650 = tpu.vector_load %arg7[%get3A_648, %get3A_649] {strides = array<i32>} : memref<1600x32xf32, #tpu.memory_space<vmem>>, vector<1x16xf32>,
        %get3A_651 = vector.shape_cast %get3A_650 : vector<1x16xf32> to vector<16xf32>
        %add3A_652 = arith.addf %add3A_638, %get3A_651 : vector<16xf32>
        %add3A_653 = arith.constant 9 : i32
        %add3A_654 = arith.addi %mul3A_533, %add3A_653 : i32
        %get3A_655 = arith.index_cast %add3A_654 : i32 to index
        %get3A_656 = arith.constant 0 : index
        %get3A_657 = tpu.vector_load %arg7[%get3A_655, %get3A_656] {strides = array<i32>} : memref<1600x32xf32, #tpu.memory_space<vmem>>, vector<1x16xf32>,
        %get3A_658 = vector.shape_cast %get3A_657 : vector<1x16xf32> to vector<16xf32>
        %add3A_659 = arith.addf %add3A_645, %get3A_658 : vector<16xf32>
        %add3A_660 = arith.constant 9 : i32
        %add3A_661 = arith.addi %mul3A_533, %add3A_660 : i32
        %get3A_662 = arith.index_cast %add3A_661 : i32 to index
        %get3A_663 = arith.constant 16 : index
        %get3A_664 = tpu.vector_load %arg7[%get3A_662, %get3A_663] {strides = array<i32>} : memref<1600x32xf32, #tpu.memory_space<vmem>>, vector<1x16xf32>,
        %get3A_665 = vector.shape_cast %get3A_664 : vector<1x16xf32> to vector<16xf32>
        %add3A_666 = arith.addf %add3A_652, %get3A_665 : vector<16xf32>
        %add3A_667 = arith.constant 10 : i32
        %add3A_668 = arith.addi %mul3A_533, %add3A_667 : i32
        %get3A_669 = arith.index_cast %add3A_668 : i32 to index
        %get3A_670 = arith.constant 0 : index
        %get3A_671 = tpu.vector_load %arg7[%get3A_669, %get3A_670] {strides = array<i32>} : memref<1600x32xf32, #tpu.memory_space<vmem>>, vector<1x16xf32>,
        %get3A_672 = vector.shape_cast %get3A_671 : vector<1x16xf32> to vector<16xf32>
        %add3A_673 = arith.addf %add3A_659, %get3A_672 : vector<16xf32>
        %add3A_674 = arith.constant 10 : i32
        %add3A_675 = arith.addi %mul3A_533, %add3A_674 : i32
        %get3A_676 = arith.index_cast %add3A_675 : i32 to index
        %get3A_677 = arith.constant 16 : index
        %get3A_678 = tpu.vector_load %arg7[%get3A_676, %get3A_677] {strides = array<i32>} : memref<1600x32xf32, #tpu.memory_space<vmem>>, vector<1x16xf32>,
        %get3A_679 = vector.shape_cast %get3A_678 : vector<1x16xf32> to vector<16xf32>
        %add3A_680 = arith.addf %add3A_666, %get3A_679 : vector<16xf32>
        %add3A_681 = arith.constant 11 : i32
        %add3A_682 = arith.addi %mul3A_533, %add3A_681 : i32
        %get3A_683 = arith.index_cast %add3A_682 : i32 to index
        %get3A_684 = arith.constant 0 : index
        %get3A_685 = tpu.vector_load %arg7[%get3A_683, %get3A_684] {strides = array<i32>} : memref<1600x32xf32, #tpu.memory_space<vmem>>, vector<1x16xf32>,
        %get3A_686 = vector.shape_cast %get3A_685 : vector<1x16xf32> to vector<16xf32>
        %add3A_687 = arith.addf %add3A_673, %get3A_686 : vector<16xf32>
        %add3A_688 = arith.constant 11 : i32
        %add3A_689 = arith.addi %mul3A_533, %add3A_688 : i32
        %get3A_690 = arith.index_cast %add3A_689 : i32 to index
        %get3A_691 = arith.constant 16 : index
        %get3A_692 = tpu.vector_load %arg7[%get3A_690, %get3A_691] {strides = array<i32>} : memref<1600x32xf32, #tpu.memory_space<vmem>>, vector<1x16xf32>,
        %get3A_693 = vector.shape_cast %get3A_692 : vector<1x16xf32> to vector<16xf32>
        %add3A_694 = arith.addf %add3A_680, %get3A_693 : vector<16xf32>
        %add3A_695 = arith.constant 12 : i32
        %add3A_696 = arith.addi %mul3A_533, %add3A_695 : i32
        %get3A_697 = arith.index_cast %add3A_696 : i32 to index
        %get3A_698 = arith.constant 0 : index
        %get3A_699 = tpu.vector_load %arg7[%get3A_697, %get3A_698] {strides = array<i32>} : memref<1600x32xf32, #tpu.memory_space<vmem>>, vector<1x16xf32>,
        %get3A_700 = vector.shape_cast %get3A_699 : vector<1x16xf32> to vector<16xf32>
        %add3A_701 = arith.addf %add3A_687, %get3A_700 : vector<16xf32>
        %add3A_702 = arith.constant 12 : i32
        %add3A_703 = arith.addi %mul3A_533, %add3A_702 : i32
        %get3A_704 = arith.index_cast %add3A_703 : i32 to index
        %get3A_705 = arith.constant 16 : index
        %get3A_706 = tpu.vector_load %arg7[%get3A_704, %get3A_705] {strides = array<i32>} : memref<1600x32xf32, #tpu.memory_space<vmem>>, vector<1x16xf32>,
        %get3A_707 = vector.shape_cast %get3A_706 : vector<1x16xf32> to vector<16xf32>
        %add3A_708 = arith.addf %add3A_694, %get3A_707 : vector<16xf32>
        %add3A_709 = arith.constant 13 : i32
        %add3A_710 = arith.addi %mul3A_533, %add3A_709 : i32
        %get3A_711 = arith.index_cast %add3A_710 : i32 to index
        %get3A_712 = arith.constant 0 : index
        %get3A_713 = tpu.vector_load %arg7[%get3A_711, %get3A_712] {strides = array<i32>} : memref<1600x32xf32, #tpu.memory_space<vmem>>, vector<1x16xf32>,
        %get3A_714 = vector.shape_cast %get3A_713 : vector<1x16xf32> to vector<16xf32>
        %add3A_715 = arith.addf %add3A_701, %get3A_714 : vector<16xf32>
        %add3A_716 = arith.constant 13 : i32
        %add3A_717 = arith.addi %mul3A_533, %add3A_716 : i32
        %get3A_718 = arith.index_cast %add3A_717 : i32 to index
        %get3A_719 = arith.constant 16 : index
        %get3A_720 = tpu.vector_load %arg7[%get3A_718, %get3A_719] {strides = array<i32>} : memref<1600x32xf32, #tpu.memory_space<vmem>>, vector<1x16xf32>,
        %get3A_721 = vector.shape_cast %get3A_720 : vector<1x16xf32> to vector<16xf32>
        %add3A_722 = arith.addf %add3A_708, %get3A_721 : vector<16xf32>
        %add3A_723 = arith.constant 14 : i32
        %add3A_724 = arith.addi %mul3A_533, %add3A_723 : i32
        %get3A_725 = arith.index_cast %add3A_724 : i32 to index
        %get3A_726 = arith.constant 0 : index
        %get3A_727 = tpu.vector_load %arg7[%get3A_725, %get3A_726] {strides = array<i32>} : memref<1600x32xf32, #tpu.memory_space<vmem>>, vector<1x16xf32>,
        %get3A_728 = vector.shape_cast %get3A_727 : vector<1x16xf32> to vector<16xf32>
        %add3A_729 = arith.addf %add3A_715, %get3A_728 : vector<16xf32>
        %add3A_730 = arith.constant 14 : i32
        %add3A_731 = arith.addi %mul3A_533, %add3A_730 : i32
        %get3A_732 = arith.index_cast %add3A_731 : i32 to index
        %get3A_733 = arith.constant 16 : index
        %get3A_734 = tpu.vector_load %arg7[%get3A_732, %get3A_733] {strides = array<i32>} : memref<1600x32xf32, #tpu.memory_space<vmem>>, vector<1x16xf32>,
        %get3A_735 = vector.shape_cast %get3A_734 : vector<1x16xf32> to vector<16xf32>
        %add3A_736 = arith.addf %add3A_722, %get3A_735 : vector<16xf32>
        %add3A_737 = arith.constant 15 : i32
        %add3A_738 = arith.addi %mul3A_533, %add3A_737 : i32
        %get3A_739 = arith.index_cast %add3A_738 : i32 to index
        %get3A_740 = arith.constant 0 : index
        %get3A_741 = tpu.vector_load %arg7[%get3A_739, %get3A_740] {strides = array<i32>} : memref<1600x32xf32, #tpu.memory_space<vmem>>, vector<1x16xf32>,
        %get3A_742 = vector.shape_cast %get3A_741 : vector<1x16xf32> to vector<16xf32>
        %add3A_743 = arith.addf %add3A_729, %get3A_742 : vector<16xf32>
        %add3A_744 = arith.constant 15 : i32
        %add3A_745 = arith.addi %mul3A_533, %add3A_744 : i32
        %get3A_746 = arith.index_cast %add3A_745 : i32 to index
        %get3A_747 = arith.constant 16 : index
        %get3A_748 = tpu.vector_load %arg7[%get3A_746, %get3A_747] {strides = array<i32>} : memref<1600x32xf32, #tpu.memory_space<vmem>>, vector<1x16xf32>,
        %get3A_749 = vector.shape_cast %get3A_748 : vector<1x16xf32> to vector<16xf32>
        %add3A_750 = arith.addf %add3A_736, %get3A_749 : vector<16xf32>
        %add3A_751 = arith.constant 16 : i32
        %add3A_752 = arith.addi %mul3A_533, %add3A_751 : i32
        %get3A_753 = arith.index_cast %add3A_752 : i32 to index
        %get3A_754 = arith.constant 0 : index
        %get3A_755 = tpu.vector_load %arg7[%get3A_753, %get3A_754] {strides = array<i32>} : memref<1600x32xf32, #tpu.memory_space<vmem>>, vector<1x16xf32>,
        %get3A_756 = vector.shape_cast %get3A_755 : vector<1x16xf32> to vector<16xf32>
        %add3A_757 = arith.addf %add3A_743, %get3A_756 : vector<16xf32>
        %add3A_758 = arith.constant 16 : i32
        %add3A_759 = arith.addi %mul3A_533, %add3A_758 : i32
        %get3A_760 = arith.index_cast %add3A_759 : i32 to index
        %get3A_761 = arith.constant 16 : index
        %get3A_762 = tpu.vector_load %arg7[%get3A_760, %get3A_761] {strides = array<i32>} : memref<1600x32xf32, #tpu.memory_space<vmem>>, vector<1x16xf32>,
        %get3A_763 = vector.shape_cast %get3A_762 : vector<1x16xf32> to vector<16xf32>
        %add3A_764 = arith.addf %add3A_750, %get3A_763 : vector<16xf32>
        %add3A_765 = arith.constant 17 : i32
        %add3A_766 = arith.addi %mul3A_533, %add3A_765 : i32
        %get3A_767 = arith.index_cast %add3A_766 : i32 to index
        %get3A_768 = arith.constant 0 : index
        %get3A_769 = tpu.vector_load %arg7[%get3A_767, %get3A_768] {strides = array<i32>} : memref<1600x32xf32, #tpu.memory_space<vmem>>, vector<1x16xf32>,
        %get3A_770 = vector.shape_cast %get3A_769 : vector<1x16xf32> to vector<16xf32>
        %add3A_771 = arith.addf %add3A_757, %get3A_770 : vector<16xf32>
        %add3A_772 = arith.constant 17 : i32
        %add3A_773 = arith.addi %mul3A_533, %add3A_772 : i32
        %get3A_774 = arith.index_cast %add3A_773 : i32 to index
        %get3A_775 = arith.constant 16 : index
        %get3A_776 = tpu.vector_load %arg7[%get3A_774, %get3A_775] {strides = array<i32>} : memref<1600x32xf32, #tpu.memory_space<vmem>>, vector<1x16xf32>,
        %get3A_777 = vector.shape_cast %get3A_776 : vector<1x16xf32> to vector<16xf32>
        %add3A_778 = arith.addf %add3A_764, %get3A_777 : vector<16xf32>
        %add3A_779 = arith.constant 18 : i32
        %add3A_780 = arith.addi %mul3A_533, %add3A_779 : i32
        %get3A_781 = arith.index_cast %add3A_780 : i32 to index
        %get3A_782 = arith.constant 0 : index
        %get3A_783 = tpu.vector_load %arg7[%get3A_781, %get3A_782] {strides = array<i32>} : memref<1600x32xf32, #tpu.memory_space<vmem>>, vector<1x16xf32>,
        %get3A_784 = vector.shape_cast %get3A_783 : vector<1x16xf32> to vector<16xf32>
        %add3A_785 = arith.addf %add3A_771, %get3A_784 : vector<16xf32>
        %add3A_786 = arith.constant 18 : i32
        %add3A_787 = arith.addi %mul3A_533, %add3A_786 : i32
        %get3A_788 = arith.index_cast %add3A_787 : i32 to index
        %get3A_789 = arith.constant 16 : index
        %get3A_790 = tpu.vector_load %arg7[%get3A_788, %get3A_789] {strides = array<i32>} : memref<1600x32xf32, #tpu.memory_space<vmem>>, vector<1x16xf32>,
        %get3A_791 = vector.shape_cast %get3A_790 : vector<1x16xf32> to vector<16xf32>
        %add3A_792 = arith.addf %add3A_778, %get3A_791 : vector<16xf32>
        %add3A_793 = arith.constant 19 : i32
        %add3A_794 = arith.addi %mul3A_533, %add3A_793 : i32
        %get3A_795 = arith.index_cast %add3A_794 : i32 to index
        %get3A_796 = arith.constant 0 : index
        %get3A_797 = tpu.vector_load %arg7[%get3A_795, %get3A_796] {strides = array<i32>} : memref<1600x32xf32, #tpu.memory_space<vmem>>, vector<1x16xf32>,
        %get3A_798 = vector.shape_cast %get3A_797 : vector<1x16xf32> to vector<16xf32>
        %add3A_799 = arith.addf %add3A_785, %get3A_798 : vector<16xf32>
        %add3A_800 = arith.constant 19 : i32
        %add3A_801 = arith.addi %mul3A_533, %add3A_800 : i32
        %get3A_802 = arith.index_cast %add3A_801 : i32 to index
        %get3A_803 = arith.constant 16 : index
        %get3A_804 = tpu.vector_load %arg7[%get3A_802, %get3A_803] {strides = array<i32>} : memref<1600x32xf32, #tpu.memory_space<vmem>>, vector<1x16xf32>,
        %get3A_805 = vector.shape_cast %get3A_804 : vector<1x16xf32> to vector<16xf32>
        %add3A_806 = arith.addf %add3A_792, %get3A_805 : vector<16xf32>
        %add3A_807 = arith.constant 20 : i32
        %add3A_808 = arith.addi %mul3A_533, %add3A_807 : i32
        %get3A_809 = arith.index_cast %add3A_808 : i32 to index
        %get3A_810 = arith.constant 0 : index
        %get3A_811 = tpu.vector_load %arg7[%get3A_809, %get3A_810] {strides = array<i32>} : memref<1600x32xf32, #tpu.memory_space<vmem>>, vector<1x16xf32>,
        %get3A_812 = vector.shape_cast %get3A_811 : vector<1x16xf32> to vector<16xf32>
        %add3A_813 = arith.addf %add3A_799, %get3A_812 : vector<16xf32>
        %add3A_814 = arith.constant 20 : i32
        %add3A_815 = arith.addi %mul3A_533, %add3A_814 : i32
        %get3A_816 = arith.index_cast %add3A_815 : i32 to index
        %get3A_817 = arith.constant 16 : index
        %get3A_818 = tpu.vector_load %arg7[%get3A_816, %get3A_817] {strides = array<i32>} : memref<1600x32xf32, #tpu.memory_space<vmem>>, vector<1x16xf32>,
        %get3A_819 = vector.shape_cast %get3A_818 : vector<1x16xf32> to vector<16xf32>
        %add3A_820 = arith.addf %add3A_806, %get3A_819 : vector<16xf32>
        %add3A_821 = arith.constant 21 : i32
        %add3A_822 = arith.addi %mul3A_533, %add3A_821 : i32
        %get3A_823 = arith.index_cast %add3A_822 : i32 to index
        %get3A_824 = arith.constant 0 : index
        %get3A_825 = tpu.vector_load %arg7[%get3A_823, %get3A_824] {strides = array<i32>} : memref<1600x32xf32, #tpu.memory_space<vmem>>, vector<1x16xf32>,
        %get3A_826 = vector.shape_cast %get3A_825 : vector<1x16xf32> to vector<16xf32>
        %add3A_827 = arith.addf %add3A_813, %get3A_826 : vector<16xf32>
        %add3A_828 = arith.constant 21 : i32
        %add3A_829 = arith.addi %mul3A_533, %add3A_828 : i32
        %get3A_830 = arith.index_cast %add3A_829 : i32 to index
        %get3A_831 = arith.constant 16 : index
        %get3A_832 = tpu.vector_load %arg7[%get3A_830, %get3A_831] {strides = array<i32>} : memref<1600x32xf32, #tpu.memory_space<vmem>>, vector<1x16xf32>,
        %get3A_833 = vector.shape_cast %get3A_832 : vector<1x16xf32> to vector<16xf32>
        %add3A_834 = arith.addf %add3A_820, %get3A_833 : vector<16xf32>
        %add3A_835 = arith.constant 22 : i32
        %add3A_836 = arith.addi %mul3A_533, %add3A_835 : i32
        %get3A_837 = arith.index_cast %add3A_836 : i32 to index
        %get3A_838 = arith.constant 0 : index
        %get3A_839 = tpu.vector_load %arg7[%get3A_837, %get3A_838] {strides = array<i32>} : memref<1600x32xf32, #tpu.memory_space<vmem>>, vector<1x16xf32>,
        %get3A_840 = vector.shape_cast %get3A_839 : vector<1x16xf32> to vector<16xf32>
        %add3A_841 = arith.addf %add3A_827, %get3A_840 : vector<16xf32>
        %add3A_842 = arith.constant 22 : i32
        %add3A_843 = arith.addi %mul3A_533, %add3A_842 : i32
        %get3A_844 = arith.index_cast %add3A_843 : i32 to index
        %get3A_845 = arith.constant 16 : index
        %get3A_846 = tpu.vector_load %arg7[%get3A_844, %get3A_845] {strides = array<i32>} : memref<1600x32xf32, #tpu.memory_space<vmem>>, vector<1x16xf32>,
        %get3A_847 = vector.shape_cast %get3A_846 : vector<1x16xf32> to vector<16xf32>
        %add3A_848 = arith.addf %add3A_834, %get3A_847 : vector<16xf32>
        %add3A_849 = arith.constant 23 : i32
        %add3A_850 = arith.addi %mul3A_533, %add3A_849 : i32
        %get3A_851 = arith.index_cast %add3A_850 : i32 to index
        %get3A_852 = arith.constant 0 : index
        %get3A_853 = tpu.vector_load %arg7[%get3A_851, %get3A_852] {strides = array<i32>} : memref<1600x32xf32, #tpu.memory_space<vmem>>, vector<1x16xf32>,
        %get3A_854 = vector.shape_cast %get3A_853 : vector<1x16xf32> to vector<16xf32>
        %add3A_855 = arith.addf %add3A_841, %get3A_854 : vector<16xf32>
        %add3A_856 = arith.constant 23 : i32
        %add3A_857 = arith.addi %mul3A_533, %add3A_856 : i32
        %get3A_858 = arith.index_cast %add3A_857 : i32 to index
        %get3A_859 = arith.constant 16 : index
        %get3A_860 = tpu.vector_load %arg7[%get3A_858, %get3A_859] {strides = array<i32>} : memref<1600x32xf32, #tpu.memory_space<vmem>>, vector<1x16xf32>,
        %get3A_861 = vector.shape_cast %get3A_860 : vector<1x16xf32> to vector<16xf32>
        %add3A_862 = arith.addf %add3A_848, %get3A_861 : vector<16xf32>
        %add3A_863 = arith.constant 24 : i32
        %add3A_864 = arith.addi %mul3A_533, %add3A_863 : i32
        %get3A_865 = arith.index_cast %add3A_864 : i32 to index
        %get3A_866 = arith.constant 0 : index
        %get3A_867 = tpu.vector_load %arg7[%get3A_865, %get3A_866] {strides = array<i32>} : memref<1600x32xf32, #tpu.memory_space<vmem>>, vector<1x16xf32>,
        %get3A_868 = vector.shape_cast %get3A_867 : vector<1x16xf32> to vector<16xf32>
        %add3A_869 = arith.addf %add3A_855, %get3A_868 : vector<16xf32>
        %add3A_870 = arith.constant 24 : i32
        %add3A_871 = arith.addi %mul3A_533, %add3A_870 : i32
        %get3A_872 = arith.index_cast %add3A_871 : i32 to index
        %get3A_873 = arith.constant 16 : index
        %get3A_874 = tpu.vector_load %arg7[%get3A_872, %get3A_873] {strides = array<i32>} : memref<1600x32xf32, #tpu.memory_space<vmem>>, vector<1x16xf32>,
        %get3A_875 = vector.shape_cast %get3A_874 : vector<1x16xf32> to vector<16xf32>
        %add3A_876 = arith.addf %add3A_862, %get3A_875 : vector<16xf32>
        %add3A_877 = arith.constant 25 : i32
        %add3A_878 = arith.addi %mul3A_533, %add3A_877 : i32
        %get3A_879 = arith.index_cast %add3A_878 : i32 to index
        %get3A_880 = arith.constant 0 : index
        %get3A_881 = tpu.vector_load %arg7[%get3A_879, %get3A_880] {strides = array<i32>} : memref<1600x32xf32, #tpu.memory_space<vmem>>, vector<1x16xf32>,
        %get3A_882 = vector.shape_cast %get3A_881 : vector<1x16xf32> to vector<16xf32>
        %add3A_883 = arith.addf %add3A_869, %get3A_882 : vector<16xf32>
        %add3A_884 = arith.constant 25 : i32
        %add3A_885 = arith.addi %mul3A_533, %add3A_884 : i32
        %get3A_886 = arith.index_cast %add3A_885 : i32 to index
        %get3A_887 = arith.constant 16 : index
        %get3A_888 = tpu.vector_load %arg7[%get3A_886, %get3A_887] {strides = array<i32>} : memref<1600x32xf32, #tpu.memory_space<vmem>>, vector<1x16xf32>,
        %get3A_889 = vector.shape_cast %get3A_888 : vector<1x16xf32> to vector<16xf32>
        %add3A_890 = arith.addf %add3A_876, %get3A_889 : vector<16xf32>
        %add3A_891 = arith.constant 26 : i32
        %add3A_892 = arith.addi %mul3A_533, %add3A_891 : i32
        %get3A_893 = arith.index_cast %add3A_892 : i32 to index
        %get3A_894 = arith.constant 0 : index
        %get3A_895 = tpu.vector_load %arg7[%get3A_893, %get3A_894] {strides = array<i32>} : memref<1600x32xf32, #tpu.memory_space<vmem>>, vector<1x16xf32>,
        %get3A_896 = vector.shape_cast %get3A_895 : vector<1x16xf32> to vector<16xf32>
        %add3A_897 = arith.addf %add3A_883, %get3A_896 : vector<16xf32>
        %add3A_898 = arith.constant 26 : i32
        %add3A_899 = arith.addi %mul3A_533, %add3A_898 : i32
        %get3A_900 = arith.index_cast %add3A_899 : i32 to index
        %get3A_901 = arith.constant 16 : index
        %get3A_902 = tpu.vector_load %arg7[%get3A_900, %get3A_901] {strides = array<i32>} : memref<1600x32xf32, #tpu.memory_space<vmem>>, vector<1x16xf32>,
        %get3A_903 = vector.shape_cast %get3A_902 : vector<1x16xf32> to vector<16xf32>
        %add3A_904 = arith.addf %add3A_890, %get3A_903 : vector<16xf32>
        %add3A_905 = arith.constant 27 : i32
        %add3A_906 = arith.addi %mul3A_533, %add3A_905 : i32
        %get3A_907 = arith.index_cast %add3A_906 : i32 to index
        %get3A_908 = arith.constant 0 : index
        %get3A_909 = tpu.vector_load %arg7[%get3A_907, %get3A_908] {strides = array<i32>} : memref<1600x32xf32, #tpu.memory_space<vmem>>, vector<1x16xf32>,
        %get3A_910 = vector.shape_cast %get3A_909 : vector<1x16xf32> to vector<16xf32>
        %add3A_911 = arith.addf %add3A_897, %get3A_910 : vector<16xf32>
        %add3A_912 = arith.constant 27 : i32
        %add3A_913 = arith.addi %mul3A_533, %add3A_912 : i32
        %get3A_914 = arith.index_cast %add3A_913 : i32 to index
        %get3A_915 = arith.constant 16 : index
        %get3A_916 = tpu.vector_load %arg7[%get3A_914, %get3A_915] {strides = array<i32>} : memref<1600x32xf32, #tpu.memory_space<vmem>>, vector<1x16xf32>,
        %get3A_917 = vector.shape_cast %get3A_916 : vector<1x16xf32> to vector<16xf32>
        %add3A_918 = arith.addf %add3A_904, %get3A_917 : vector<16xf32>
        %add3A_919 = arith.constant 28 : i32
        %add3A_920 = arith.addi %mul3A_533, %add3A_919 : i32
        %get3A_921 = arith.index_cast %add3A_920 : i32 to index
        %get3A_922 = arith.constant 0 : index
        %get3A_923 = tpu.vector_load %arg7[%get3A_921, %get3A_922] {strides = array<i32>} : memref<1600x32xf32, #tpu.memory_space<vmem>>, vector<1x16xf32>,
        %get3A_924 = vector.shape_cast %get3A_923 : vector<1x16xf32> to vector<16xf32>
        %add3A_925 = arith.addf %add3A_911, %get3A_924 : vector<16xf32>
        %add3A_926 = arith.constant 28 : i32
        %add3A_927 = arith.addi %mul3A_533, %add3A_926 : i32
        %get3A_928 = arith.index_cast %add3A_927 : i32 to index
        %get3A_929 = arith.constant 16 : index
        %get3A_930 = tpu.vector_load %arg7[%get3A_928, %get3A_929] {strides = array<i32>} : memref<1600x32xf32, #tpu.memory_space<vmem>>, vector<1x16xf32>,
        %get3A_931 = vector.shape_cast %get3A_930 : vector<1x16xf32> to vector<16xf32>
        %add3A_932 = arith.addf %add3A_918, %get3A_931 : vector<16xf32>
        %add3A_933 = arith.constant 29 : i32
        %add3A_934 = arith.addi %mul3A_533, %add3A_933 : i32
        %get3A_935 = arith.index_cast %add3A_934 : i32 to index
        %get3A_936 = arith.constant 0 : index
        %get3A_937 = tpu.vector_load %arg7[%get3A_935, %get3A_936] {strides = array<i32>} : memref<1600x32xf32, #tpu.memory_space<vmem>>, vector<1x16xf32>,
        %get3A_938 = vector.shape_cast %get3A_937 : vector<1x16xf32> to vector<16xf32>
        %add3A_939 = arith.addf %add3A_925, %get3A_938 : vector<16xf32>
        %add3A_940 = arith.constant 29 : i32
        %add3A_941 = arith.addi %mul3A_533, %add3A_940 : i32
        %get3A_942 = arith.index_cast %add3A_941 : i32 to index
        %get3A_943 = arith.constant 16 : index
        %get3A_944 = tpu.vector_load %arg7[%get3A_942, %get3A_943] {strides = array<i32>} : memref<1600x32xf32, #tpu.memory_space<vmem>>, vector<1x16xf32>,
        %get3A_945 = vector.shape_cast %get3A_944 : vector<1x16xf32> to vector<16xf32>
        %add3A_946 = arith.addf %add3A_932, %get3A_945 : vector<16xf32>
        %add3A_947 = arith.constant 30 : i32
        %add3A_948 = arith.addi %mul3A_533, %add3A_947 : i32
        %get3A_949 = arith.index_cast %add3A_948 : i32 to index
        %get3A_950 = arith.constant 0 : index
        %get3A_951 = tpu.vector_load %arg7[%get3A_949, %get3A_950] {strides = array<i32>} : memref<1600x32xf32, #tpu.memory_space<vmem>>, vector<1x16xf32>,
        %get3A_952 = vector.shape_cast %get3A_951 : vector<1x16xf32> to vector<16xf32>
        %add3A_953 = arith.addf %add3A_939, %get3A_952 : vector<16xf32>
        %add3A_954 = arith.constant 30 : i32
        %add3A_955 = arith.addi %mul3A_533, %add3A_954 : i32
        %get3A_956 = arith.index_cast %add3A_955 : i32 to index
        %get3A_957 = arith.constant 16 : index
        %get3A_958 = tpu.vector_load %arg7[%get3A_956, %get3A_957] {strides = array<i32>} : memref<1600x32xf32, #tpu.memory_space<vmem>>, vector<1x16xf32>,
        %get3A_959 = vector.shape_cast %get3A_958 : vector<1x16xf32> to vector<16xf32>
        %add3A_960 = arith.addf %add3A_946, %get3A_959 : vector<16xf32>
        %add3A_961 = arith.constant 31 : i32
        %add3A_962 = arith.addi %mul3A_533, %add3A_961 : i32
        %get3A_963 = arith.index_cast %add3A_962 : i32 to index
        %get3A_964 = arith.constant 0 : index
        %get3A_965 = tpu.vector_load %arg7[%get3A_963, %get3A_964] {strides = array<i32>} : memref<1600x32xf32, #tpu.memory_space<vmem>>, vector<1x16xf32>,
        %get3A_966 = vector.shape_cast %get3A_965 : vector<1x16xf32> to vector<16xf32>
        %add3A_967 = arith.addf %add3A_953, %get3A_966 : vector<16xf32>
        %add3A_968 = arith.constant 31 : i32
        %add3A_969 = arith.addi %mul3A_533, %add3A_968 : i32
        %get3A_970 = arith.index_cast %add3A_969 : i32 to index
        %get3A_971 = arith.constant 16 : index
        %get3A_972 = tpu.vector_load %arg7[%get3A_970, %get3A_971] {strides = array<i32>} : memref<1600x32xf32, #tpu.memory_space<vmem>>, vector<1x16xf32>,
        %get3A_973 = vector.shape_cast %get3A_972 : vector<1x16xf32> to vector<16xf32>
        %add3A_974 = arith.addf %add3A_960, %get3A_973 : vector<16xf32>
        %add3A_975 = arith.constant 32 : i32
        %add3A_976 = arith.addi %mul3A_533, %add3A_975 : i32
        %get3A_977 = arith.index_cast %add3A_976 : i32 to index
        %get3A_978 = arith.constant 0 : index
        %get3A_979 = tpu.vector_load %arg7[%get3A_977, %get3A_978] {strides = array<i32>} : memref<1600x32xf32, #tpu.memory_space<vmem>>, vector<1x16xf32>,
        %get3A_980 = vector.shape_cast %get3A_979 : vector<1x16xf32> to vector<16xf32>
        %add3A_981 = arith.addf %add3A_967, %get3A_980 : vector<16xf32>
        %add3A_982 = arith.constant 32 : i32
        %add3A_983 = arith.addi %mul3A_533, %add3A_982 : i32
        %get3A_984 = arith.index_cast %add3A_983 : i32 to index
        %get3A_985 = arith.constant 16 : index
        %get3A_986 = tpu.vector_load %arg7[%get3A_984, %get3A_985] {strides = array<i32>} : memref<1600x32xf32, #tpu.memory_space<vmem>>, vector<1x16xf32>,
        %get3A_987 = vector.shape_cast %get3A_986 : vector<1x16xf32> to vector<16xf32>
        %add3A_988 = arith.addf %add3A_974, %get3A_987 : vector<16xf32>
        %add3A_989 = arith.constant 33 : i32
        %add3A_990 = arith.addi %mul3A_533, %add3A_989 : i32
        %get3A_991 = arith.index_cast %add3A_990 : i32 to index
        %get3A_992 = arith.constant 0 : index
        %get3A_993 = tpu.vector_load %arg7[%get3A_991, %get3A_992] {strides = array<i32>} : memref<1600x32xf32, #tpu.memory_space<vmem>>, vector<1x16xf32>,
        %get3A_994 = vector.shape_cast %get3A_993 : vector<1x16xf32> to vector<16xf32>
        %add3A_995 = arith.addf %add3A_981, %get3A_994 : vector<16xf32>
        %add3A_996 = arith.constant 33 : i32
        %add3A_997 = arith.addi %mul3A_533, %add3A_996 : i32
        %get3A_998 = arith.index_cast %add3A_997 : i32 to index
        %get3A_999 = arith.constant 16 : index
        %get3A_1000 = tpu.vector_load %arg7[%get3A_998, %get3A_999] {strides = array<i32>} : memref<1600x32xf32, #tpu.memory_space<vmem>>, vector<1x16xf32>,
        %get3A_1001 = vector.shape_cast %get3A_1000 : vector<1x16xf32> to vector<16xf32>
        %add3A_1002 = arith.addf %add3A_988, %get3A_1001 : vector<16xf32>
        %add3A_1003 = arith.constant 34 : i32
        %add3A_1004 = arith.addi %mul3A_533, %add3A_1003 : i32
        %get3A_1005 = arith.index_cast %add3A_1004 : i32 to index
        %get3A_1006 = arith.constant 0 : index
        %get3A_1007 = tpu.vector_load %arg7[%get3A_1005, %get3A_1006] {strides = array<i32>} : memref<1600x32xf32, #tpu.memory_space<vmem>>, vector<1x16xf32>,
        %get3A_1008 = vector.shape_cast %get3A_1007 : vector<1x16xf32> to vector<16xf32>
        %add3A_1009 = arith.addf %add3A_995, %get3A_1008 : vector<16xf32>
        %add3A_1010 = arith.constant 34 : i32
        %add3A_1011 = arith.addi %mul3A_533, %add3A_1010 : i32
        %get3A_1012 = arith.index_cast %add3A_1011 : i32 to index
        %get3A_1013 = arith.constant 16 : index
        %get3A_1014 = tpu.vector_load %arg7[%get3A_1012, %get3A_1013] {strides = array<i32>} : memref<1600x32xf32, #tpu.memory_space<vmem>>, vector<1x16xf32>,
        %get3A_1015 = vector.shape_cast %get3A_1014 : vector<1x16xf32> to vector<16xf32>
        %add3A_1016 = arith.addf %add3A_1002, %get3A_1015 : vector<16xf32>
        %add3A_1017 = arith.constant 35 : i32
        %add3A_1018 = arith.addi %mul3A_533, %add3A_1017 : i32
        %get3A_1019 = arith.index_cast %add3A_1018 : i32 to index
        %get3A_1020 = arith.constant 0 : index
        %get3A_1021 = tpu.vector_load %arg7[%get3A_1019, %get3A_1020] {strides = array<i32>} : memref<1600x32xf32, #tpu.memory_space<vmem>>, vector<1x16xf32>,
        %get3A_1022 = vector.shape_cast %get3A_1021 : vector<1x16xf32> to vector<16xf32>
        %add3A_1023 = arith.addf %add3A_1009, %get3A_1022 : vector<16xf32>
        %add3A_1024 = arith.constant 35 : i32
        %add3A_1025 = arith.addi %mul3A_533, %add3A_1024 : i32
        %get3A_1026 = arith.index_cast %add3A_1025 : i32 to index
        %get3A_1027 = arith.constant 16 : index
        %get3A_1028 = tpu.vector_load %arg7[%get3A_1026, %get3A_1027] {strides = array<i32>} : memref<1600x32xf32, #tpu.memory_space<vmem>>, vector<1x16xf32>,
        %get3A_1029 = vector.shape_cast %get3A_1028 : vector<1x16xf32> to vector<16xf32>
        %add3A_1030 = arith.addf %add3A_1016, %get3A_1029 : vector<16xf32>
        %add3A_1031 = arith.constant 36 : i32
        %add3A_1032 = arith.addi %mul3A_533, %add3A_1031 : i32
        %get3A_1033 = arith.index_cast %add3A_1032 : i32 to index
        %get3A_1034 = arith.constant 0 : index
        %get3A_1035 = tpu.vector_load %arg7[%get3A_1033, %get3A_1034] {strides = array<i32>} : memref<1600x32xf32, #tpu.memory_space<vmem>>, vector<1x16xf32>,
        %get3A_1036 = vector.shape_cast %get3A_1035 : vector<1x16xf32> to vector<16xf32>
        %add3A_1037 = arith.addf %add3A_1023, %get3A_1036 : vector<16xf32>
        %add3A_1038 = arith.constant 36 : i32
        %add3A_1039 = arith.addi %mul3A_533, %add3A_1038 : i32
        %get3A_1040 = arith.index_cast %add3A_1039 : i32 to index
        %get3A_1041 = arith.constant 16 : index
        %get3A_1042 = tpu.vector_load %arg7[%get3A_1040, %get3A_1041] {strides = array<i32>} : memref<1600x32xf32, #tpu.memory_space<vmem>>, vector<1x16xf32>,
        %get3A_1043 = vector.shape_cast %get3A_1042 : vector<1x16xf32> to vector<16xf32>
        %add3A_1044 = arith.addf %add3A_1030, %get3A_1043 : vector<16xf32>
        %add3A_1045 = arith.constant 37 : i32
        %add3A_1046 = arith.addi %mul3A_533, %add3A_1045 : i32
        %get3A_1047 = arith.index_cast %add3A_1046 : i32 to index
        %get3A_1048 = arith.constant 0 : index
        %get3A_1049 = tpu.vector_load %arg7[%get3A_1047, %get3A_1048] {strides = array<i32>} : memref<1600x32xf32, #tpu.memory_space<vmem>>, vector<1x16xf32>,
        %get3A_1050 = vector.shape_cast %get3A_1049 : vector<1x16xf32> to vector<16xf32>
        %add3A_1051 = arith.addf %add3A_1037, %get3A_1050 : vector<16xf32>
        %add3A_1052 = arith.constant 37 : i32
        %add3A_1053 = arith.addi %mul3A_533, %add3A_1052 : i32
        %get3A_1054 = arith.index_cast %add3A_1053 : i32 to index
        %get3A_1055 = arith.constant 16 : index
        %get3A_1056 = tpu.vector_load %arg7[%get3A_1054, %get3A_1055] {strides = array<i32>} : memref<1600x32xf32, #tpu.memory_space<vmem>>, vector<1x16xf32>,
        %get3A_1057 = vector.shape_cast %get3A_1056 : vector<1x16xf32> to vector<16xf32>
        %add3A_1058 = arith.addf %add3A_1044, %get3A_1057 : vector<16xf32>
        %add3A_1059 = arith.constant 38 : i32
        %add3A_1060 = arith.addi %mul3A_533, %add3A_1059 : i32
        %get3A_1061 = arith.index_cast %add3A_1060 : i32 to index
        %get3A_1062 = arith.constant 0 : index
        %get3A_1063 = tpu.vector_load %arg7[%get3A_1061, %get3A_1062] {strides = array<i32>} : memref<1600x32xf32, #tpu.memory_space<vmem>>, vector<1x16xf32>,
        %get3A_1064 = vector.shape_cast %get3A_1063 : vector<1x16xf32> to vector<16xf32>
        %add3A_1065 = arith.addf %add3A_1051, %get3A_1064 : vector<16xf32>
        %add3A_1066 = arith.constant 38 : i32
        %add3A_1067 = arith.addi %mul3A_533, %add3A_1066 : i32
        %get3A_1068 = arith.index_cast %add3A_1067 : i32 to index
        %get3A_1069 = arith.constant 16 : index
        %get3A_1070 = tpu.vector_load %arg7[%get3A_1068, %get3A_1069] {strides = array<i32>} : memref<1600x32xf32, #tpu.memory_space<vmem>>, vector<1x16xf32>,
        %get3A_1071 = vector.shape_cast %get3A_1070 : vector<1x16xf32> to vector<16xf32>
        %add3A_1072 = arith.addf %add3A_1058, %get3A_1071 : vector<16xf32>
        %add3A_1073 = arith.constant 39 : i32
        %add3A_1074 = arith.addi %mul3A_533, %add3A_1073 : i32
        %get3A_1075 = arith.index_cast %add3A_1074 : i32 to index
        %get3A_1076 = arith.constant 0 : index
        %get3A_1077 = tpu.vector_load %arg7[%get3A_1075, %get3A_1076] {strides = array<i32>} : memref<1600x32xf32, #tpu.memory_space<vmem>>, vector<1x16xf32>,
        %get3A_1078 = vector.shape_cast %get3A_1077 : vector<1x16xf32> to vector<16xf32>
        %add3A_1079 = arith.addf %add3A_1065, %get3A_1078 : vector<16xf32>
        %add3A_1080 = arith.constant 39 : i32
        %add3A_1081 = arith.addi %mul3A_533, %add3A_1080 : i32
        %get3A_1082 = arith.index_cast %add3A_1081 : i32 to index
        %get3A_1083 = arith.constant 16 : index
        %get3A_1084 = tpu.vector_load %arg7[%get3A_1082, %get3A_1083] {strides = array<i32>} : memref<1600x32xf32, #tpu.memory_space<vmem>>, vector<1x16xf32>,
        %get3A_1085 = vector.shape_cast %get3A_1084 : vector<1x16xf32> to vector<16xf32>
        %add3A_1086 = arith.addf %add3A_1072, %get3A_1085 : vector<16xf32>
        %add3A_1087 = arith.constant 40 : i32
        %add3A_1088 = arith.addi %mul3A_533, %add3A_1087 : i32
        %get3A_1089 = arith.index_cast %add3A_1088 : i32 to index
        %get3A_1090 = arith.constant 0 : index
        %get3A_1091 = tpu.vector_load %arg7[%get3A_1089, %get3A_1090] {strides = array<i32>} : memref<1600x32xf32, #tpu.memory_space<vmem>>, vector<1x16xf32>,
        %get3A_1092 = vector.shape_cast %get3A_1091 : vector<1x16xf32> to vector<16xf32>
        %add3A_1093 = arith.addf %add3A_1079, %get3A_1092 : vector<16xf32>
        %add3A_1094 = arith.constant 40 : i32
        %add3A_1095 = arith.addi %mul3A_533, %add3A_1094 : i32
        %get3A_1096 = arith.index_cast %add3A_1095 : i32 to index
        %get3A_1097 = arith.constant 16 : index
        %get3A_1098 = tpu.vector_load %arg7[%get3A_1096, %get3A_1097] {strides = array<i32>} : memref<1600x32xf32, #tpu.memory_space<vmem>>, vector<1x16xf32>,
        %get3A_1099 = vector.shape_cast %get3A_1098 : vector<1x16xf32> to vector<16xf32>
        %add3A_1100 = arith.addf %add3A_1086, %get3A_1099 : vector<16xf32>
        %add3A_1101 = arith.constant 41 : i32
        %add3A_1102 = arith.addi %mul3A_533, %add3A_1101 : i32
        %get3A_1103 = arith.index_cast %add3A_1102 : i32 to index
        %get3A_1104 = arith.constant 0 : index
        %get3A_1105 = tpu.vector_load %arg7[%get3A_1103, %get3A_1104] {strides = array<i32>} : memref<1600x32xf32, #tpu.memory_space<vmem>>, vector<1x16xf32>,
        %get3A_1106 = vector.shape_cast %get3A_1105 : vector<1x16xf32> to vector<16xf32>
        %add3A_1107 = arith.addf %add3A_1093, %get3A_1106 : vector<16xf32>
        %add3A_1108 = arith.constant 41 : i32
        %add3A_1109 = arith.addi %mul3A_533, %add3A_1108 : i32
        %get3A_1110 = arith.index_cast %add3A_1109 : i32 to index
        %get3A_1111 = arith.constant 16 : index
        %get3A_1112 = tpu.vector_load %arg7[%get3A_1110, %get3A_1111] {strides = array<i32>} : memref<1600x32xf32, #tpu.memory_space<vmem>>, vector<1x16xf32>,
        %get3A_1113 = vector.shape_cast %get3A_1112 : vector<1x16xf32> to vector<16xf32>
        %add3A_1114 = arith.addf %add3A_1100, %get3A_1113 : vector<16xf32>
        %add3A_1115 = arith.constant 42 : i32
        %add3A_1116 = arith.addi %mul3A_533, %add3A_1115 : i32
        %get3A_1117 = arith.index_cast %add3A_1116 : i32 to index
        %get3A_1118 = arith.constant 0 : index
        %get3A_1119 = tpu.vector_load %arg7[%get3A_1117, %get3A_1118] {strides = array<i32>} : memref<1600x32xf32, #tpu.memory_space<vmem>>, vector<1x16xf32>,
        %get3A_1120 = vector.shape_cast %get3A_1119 : vector<1x16xf32> to vector<16xf32>
        %add3A_1121 = arith.addf %add3A_1107, %get3A_1120 : vector<16xf32>
        %add3A_1122 = arith.constant 42 : i32
        %add3A_1123 = arith.addi %mul3A_533, %add3A_1122 : i32
        %get3A_1124 = arith.index_cast %add3A_1123 : i32 to index
        %get3A_1125 = arith.constant 16 : index
        %get3A_1126 = tpu.vector_load %arg7[%get3A_1124, %get3A_1125] {strides = array<i32>} : memref<1600x32xf32, #tpu.memory_space<vmem>>, vector<1x16xf32>,
        %get3A_1127 = vector.shape_cast %get3A_1126 : vector<1x16xf32> to vector<16xf32>
        %add3A_1128 = arith.addf %add3A_1114, %get3A_1127 : vector<16xf32>
        %add3A_1129 = arith.constant 43 : i32
        %add3A_1130 = arith.addi %mul3A_533, %add3A_1129 : i32
        %get3A_1131 = arith.index_cast %add3A_1130 : i32 to index
        %get3A_1132 = arith.constant 0 : index
        %get3A_1133 = tpu.vector_load %arg7[%get3A_1131, %get3A_1132] {strides = array<i32>} : memref<1600x32xf32, #tpu.memory_space<vmem>>, vector<1x16xf32>,
        %get3A_1134 = vector.shape_cast %get3A_1133 : vector<1x16xf32> to vector<16xf32>
        %add3A_1135 = arith.addf %add3A_1121, %get3A_1134 : vector<16xf32>
        %add3A_1136 = arith.constant 43 : i32
        %add3A_1137 = arith.addi %mul3A_533, %add3A_1136 : i32
        %get3A_1138 = arith.index_cast %add3A_1137 : i32 to index
        %get3A_1139 = arith.constant 16 : index
        %get3A_1140 = tpu.vector_load %arg7[%get3A_1138, %get3A_1139] {strides = array<i32>} : memref<1600x32xf32, #tpu.memory_space<vmem>>, vector<1x16xf32>,
        %get3A_1141 = vector.shape_cast %get3A_1140 : vector<1x16xf32> to vector<16xf32>
        %add3A_1142 = arith.addf %add3A_1128, %get3A_1141 : vector<16xf32>
        %add3A_1143 = arith.constant 44 : i32
        %add3A_1144 = arith.addi %mul3A_533, %add3A_1143 : i32
        %get3A_1145 = arith.index_cast %add3A_1144 : i32 to index
        %get3A_1146 = arith.constant 0 : index
        %get3A_1147 = tpu.vector_load %arg7[%get3A_1145, %get3A_1146] {strides = array<i32>} : memref<1600x32xf32, #tpu.memory_space<vmem>>, vector<1x16xf32>,
        %get3A_1148 = vector.shape_cast %get3A_1147 : vector<1x16xf32> to vector<16xf32>
        %add3A_1149 = arith.addf %add3A_1135, %get3A_1148 : vector<16xf32>
        %add3A_1150 = arith.constant 44 : i32
        %add3A_1151 = arith.addi %mul3A_533, %add3A_1150 : i32
        %get3A_1152 = arith.index_cast %add3A_1151 : i32 to index
        %get3A_1153 = arith.constant 16 : index
        %get3A_1154 = tpu.vector_load %arg7[%get3A_1152, %get3A_1153] {strides = array<i32>} : memref<1600x32xf32, #tpu.memory_space<vmem>>, vector<1x16xf32>,
        %get3A_1155 = vector.shape_cast %get3A_1154 : vector<1x16xf32> to vector<16xf32>
        %add3A_1156 = arith.addf %add3A_1142, %get3A_1155 : vector<16xf32>
        %add3A_1157 = arith.constant 45 : i32
        %add3A_1158 = arith.addi %mul3A_533, %add3A_1157 : i32
        %get3A_1159 = arith.index_cast %add3A_1158 : i32 to index
        %get3A_1160 = arith.constant 0 : index
        %get3A_1161 = tpu.vector_load %arg7[%get3A_1159, %get3A_1160] {strides = array<i32>} : memref<1600x32xf32, #tpu.memory_space<vmem>>, vector<1x16xf32>,
        %get3A_1162 = vector.shape_cast %get3A_1161 : vector<1x16xf32> to vector<16xf32>
        %add3A_1163 = arith.addf %add3A_1149, %get3A_1162 : vector<16xf32>
        %add3A_1164 = arith.constant 45 : i32
        %add3A_1165 = arith.addi %mul3A_533, %add3A_1164 : i32
        %get3A_1166 = arith.index_cast %add3A_1165 : i32 to index
        %get3A_1167 = arith.constant 16 : index
        %get3A_1168 = tpu.vector_load %arg7[%get3A_1166, %get3A_1167] {strides = array<i32>} : memref<1600x32xf32, #tpu.memory_space<vmem>>, vector<1x16xf32>,
        %get3A_1169 = vector.shape_cast %get3A_1168 : vector<1x16xf32> to vector<16xf32>
        %add3A_1170 = arith.addf %add3A_1156, %get3A_1169 : vector<16xf32>
        %add3A_1171 = arith.constant 46 : i32
        %add3A_1172 = arith.addi %mul3A_533, %add3A_1171 : i32
        %get3A_1173 = arith.index_cast %add3A_1172 : i32 to index
        %get3A_1174 = arith.constant 0 : index
        %get3A_1175 = tpu.vector_load %arg7[%get3A_1173, %get3A_1174] {strides = array<i32>} : memref<1600x32xf32, #tpu.memory_space<vmem>>, vector<1x16xf32>,
        %get3A_1176 = vector.shape_cast %get3A_1175 : vector<1x16xf32> to vector<16xf32>
        %add3A_1177 = arith.addf %add3A_1163, %get3A_1176 : vector<16xf32>
        %add3A_1178 = arith.constant 46 : i32
        %add3A_1179 = arith.addi %mul3A_533, %add3A_1178 : i32
        %get3A_1180 = arith.index_cast %add3A_1179 : i32 to index
        %get3A_1181 = arith.constant 16 : index
        %get3A_1182 = tpu.vector_load %arg7[%get3A_1180, %get3A_1181] {strides = array<i32>} : memref<1600x32xf32, #tpu.memory_space<vmem>>, vector<1x16xf32>,
        %get3A_1183 = vector.shape_cast %get3A_1182 : vector<1x16xf32> to vector<16xf32>
        %add3A_1184 = arith.addf %add3A_1170, %get3A_1183 : vector<16xf32>
        %add3A_1185 = arith.constant 47 : i32
        %add3A_1186 = arith.addi %mul3A_533, %add3A_1185 : i32
        %get3A_1187 = arith.index_cast %add3A_1186 : i32 to index
        %get3A_1188 = arith.constant 0 : index
        %get3A_1189 = tpu.vector_load %arg7[%get3A_1187, %get3A_1188] {strides = array<i32>} : memref<1600x32xf32, #tpu.memory_space<vmem>>, vector<1x16xf32>,
        %get3A_1190 = vector.shape_cast %get3A_1189 : vector<1x16xf32> to vector<16xf32>
        %add3A_1191 = arith.addf %add3A_1177, %get3A_1190 : vector<16xf32>
        %add3A_1192 = arith.constant 47 : i32
        %add3A_1193 = arith.addi %mul3A_533, %add3A_1192 : i32
        %get3A_1194 = arith.index_cast %add3A_1193 : i32 to index
        %get3A_1195 = arith.constant 16 : index
        %get3A_1196 = tpu.vector_load %arg7[%get3A_1194, %get3A_1195] {strides = array<i32>} : memref<1600x32xf32, #tpu.memory_space<vmem>>, vector<1x16xf32>,
        %get3A_1197 = vector.shape_cast %get3A_1196 : vector<1x16xf32> to vector<16xf32>
        %add3A_1198 = arith.addf %add3A_1184, %get3A_1197 : vector<16xf32>
        %add3A_1199 = arith.constant 48 : i32
        %add3A_1200 = arith.addi %mul3A_533, %add3A_1199 : i32
        %get3A_1201 = arith.index_cast %add3A_1200 : i32 to index
        %get3A_1202 = arith.constant 0 : index
        %get3A_1203 = tpu.vector_load %arg7[%get3A_1201, %get3A_1202] {strides = array<i32>} : memref<1600x32xf32, #tpu.memory_space<vmem>>, vector<1x16xf32>,
        %get3A_1204 = vector.shape_cast %get3A_1203 : vector<1x16xf32> to vector<16xf32>
        %add3A_1205 = arith.addf %add3A_1191, %get3A_1204 : vector<16xf32>
        %add3A_1206 = arith.constant 48 : i32
        %add3A_1207 = arith.addi %mul3A_533, %add3A_1206 : i32
        %get3A_1208 = arith.index_cast %add3A_1207 : i32 to index
        %get3A_1209 = arith.constant 16 : index
        %get3A_1210 = tpu.vector_load %arg7[%get3A_1208, %get3A_1209] {strides = array<i32>} : memref<1600x32xf32, #tpu.memory_space<vmem>>, vector<1x16xf32>,
        %get3A_1211 = vector.shape_cast %get3A_1210 : vector<1x16xf32> to vector<16xf32>
        %add3A_1212 = arith.addf %add3A_1198, %get3A_1211 : vector<16xf32>
        %add3A_1213 = arith.constant 49 : i32
        %add3A_1214 = arith.addi %mul3A_533, %add3A_1213 : i32
        %get3A_1215 = arith.index_cast %add3A_1214 : i32 to index
        %get3A_1216 = arith.constant 0 : index
        %get3A_1217 = tpu.vector_load %arg7[%get3A_1215, %get3A_1216] {strides = array<i32>} : memref<1600x32xf32, #tpu.memory_space<vmem>>, vector<1x16xf32>,
        %get3A_1218 = vector.shape_cast %get3A_1217 : vector<1x16xf32> to vector<16xf32>
        %add3A_1219 = arith.addf %add3A_1205, %get3A_1218 : vector<16xf32>
        %add3A_1220 = arith.constant 49 : i32
        %add3A_1221 = arith.addi %mul3A_533, %add3A_1220 : i32
        %get3A_1222 = arith.index_cast %add3A_1221 : i32 to index
        %get3A_1223 = arith.constant 16 : index
        %get3A_1224 = tpu.vector_load %arg7[%get3A_1222, %get3A_1223] {strides = array<i32>} : memref<1600x32xf32, #tpu.memory_space<vmem>>, vector<1x16xf32>,
        %get3A_1225 = vector.shape_cast %get3A_1224 : vector<1x16xf32> to vector<16xf32>
        %add3A_1226 = arith.addf %add3A_1212, %get3A_1225 : vector<16xf32>
        %mul3A_1227 = arith.constant 2.000000e-02 : f32
        %mul3A_1228 = vector.broadcast %mul3A_1227 : f32 to vector<16xf32>
        %mul3A_1229 = arith.mulf %add3A_1219, %mul3A_1228 : vector<16xf32>
        %swap3A = arith.index_cast %scan3A_531 : i32 to index
        %swap3A_1230 = arith.constant 0 : index
        %swap3A_1231 = tpu.vector_load %arg9[%swap3A, %swap3A_1230] {strides = array<i32>} : memref<32x32xf32, #tpu.memory_space<vmem>>, vector<1x16xf32>,
        %swap3A_1232 = vector.shape_cast %swap3A_1231 : vector<1x16xf32> to vector<16xf32>
        %swap3A_1233 = vector.shape_cast %mul3A_1229 : vector<16xf32> to vector<1x16xf32>
        tpu.vector_store %arg9[%swap3A, %swap3A_1230], %swap3A_1233 {strides = array<i32>} : memref<32x32xf32, #tpu.memory_space<vmem>>, vector<1x16xf32>,
        %mul3A_1234 = arith.constant 2.000000e-02 : f32
        %mul3A_1235 = vector.broadcast %mul3A_1234 : f32 to vector<16xf32>
        %mul3A_1236 = arith.mulf %add3A_1226, %mul3A_1235 : vector<16xf32>
        %swap3A_1237 = arith.index_cast %scan3A_531 : i32 to index
        %swap3A_1238 = arith.constant 16 : index
        %swap3A_1239 = tpu.vector_load %arg9[%swap3A_1237, %swap3A_1238] {strides = array<i32>} : memref<32x32xf32, #tpu.memory_space<vmem>>, vector<1x16xf32>,
        %swap3A_1240 = vector.shape_cast %swap3A_1239 : vector<1x16xf32> to vector<16xf32>
        %swap3A_1241 = vector.shape_cast %mul3A_1236 : vector<16xf32> to vector<1x16xf32>
        tpu.vector_store %arg9[%swap3A_1237, %swap3A_1238], %swap3A_1241 {strides = array<i32>} : memref<32x32xf32, #tpu.memory_space<vmem>>, vector<1x16xf32>,
      }
      %scan3A_349 = arith.constant 32 : i32
      %mul3A_350 = arith.constant 32 : i32
      %mul3A_351 = arith.muli %add3A_179, %mul3A_350 : i32
      %add3A_352 = arith.addi %mul3A_2, %mul3A_351 : i32
      "tpu.region"() ({
        %run_scoped3A = tpu.sem_alloc : memref<!tpu.dma_semaphore, #tpu.memory_space<semaphore_mem>>
        %dma_start3A_531 = arith.constant 0 : i32
        %dma_start3A_532 = tpu.memref_slice %arg4[%add3A_352, %dma_start3A_531] : memref<16384x32xf32, #tpu.memory_space<hbm>> -> memref<32x32xf32, #tpu.memory_space<hbm>>
        %dma_start3A_533 = arith.constant 0 : i32
        %dma_start3A_534 = tpu.memref_slice %arg4[%add3A_352, %dma_start3A_533] : memref<16384x32xf32, #tpu.memory_space<hbm>> -> memref<32x32xf32, #tpu.memory_space<hbm>>
        tpu.enqueue_dma source(%arg9 : memref<32x32xf32, #tpu.memory_space<vmem>>) target(%dma_start3A_534 : memref<32x32xf32, #tpu.memory_space<hbm>>) target_semaphore(%run_scoped3A : memref<!tpu.dma_semaphore, #tpu.memory_space<semaphore_mem>>)
        %dma_wait3A_535 = arith.constant 0 : i32
        %dma_wait3A_536 = tpu.memref_slice %arg4[%add3A_352, %dma_wait3A_535] : memref<16384x32xf32, #tpu.memory_space<hbm>> -> memref<32x32xf32, #tpu.memory_space<hbm>>
        %dma_wait3A_537 = arith.constant 0 : i32
        %dma_wait3A_538 = tpu.memref_slice %arg4[%add3A_352, %dma_wait3A_537] : memref<16384x32xf32, #tpu.memory_space<hbm>> -> memref<32x32xf32, #tpu.memory_space<hbm>>
        tpu.wait_dma2 semaphore(%run_scoped3A : memref<!tpu.dma_semaphore, #tpu.memory_space<semaphore_mem>>) src(%arg9 : memref<32x32xf32, #tpu.memory_space<vmem>>) dst(%dma_wait3A_538 : memref<32x32xf32, #tpu.memory_space<hbm>>)
        tpu.yield
      }) : () -> ()
      %add3A_353 = arith.constant 1 : i32
      %add3A_354 = arith.addi %add3A_177, %add3A_353 : i32
      %add3A_355 = arith.constant 1 : i32
      %add3A_356 = arith.addi %add3A_354, %add3A_355 : i32
      %lt3A_357 = arith.constant 16 : i32
      %lt3A_358 = arith.cmpi slt, %add3A_356, %lt3A_357 : i32
      %convert_element_type3A_359 = arith.extui %lt3A_358 : i1 to i32
      %cond3A_360 = arith.constant 0 : i32
      %cond3A_361 = arith.cmpi ne, %convert_element_type3A_359, %cond3A_360 : i32
      scf.if %cond3A_361 {
        %add3A_531 = arith.constant 1 : i32
        %add3A_532 = arith.addi %add3A_354, %add3A_531 : i32
        %mul3A_533 = arith.constant 1600 : i32
        %mul3A_534 = arith.muli %add3A_532, %mul3A_533 : i32
        %add3A_535 = arith.addi %mul3A_4, %mul3A_534 : i32
        %dma_start3A_536 = tpu.memref_slice %arg2[%add3A_535] : memref<819200xi32, #tpu.memory_space<hbm>> -> memref<1600xi32, #tpu.memory_space<hbm>>
        %dma_start3A_537 = tpu.memref_slice %arg2[%add3A_535] : memref<819200xi32, #tpu.memory_space<hbm>> -> memref<1600xi32, #tpu.memory_space<hbm>>
        tpu.enqueue_dma source(%dma_start3A_537 : memref<1600xi32, #tpu.memory_space<hbm>>) target(%arg5 : memref<1600xi32, #tpu.memory_space<vmem>>) target_semaphore(%arg10 : memref<!tpu.dma_semaphore, #tpu.memory_space<semaphore_mem>>)
        %dma_wait3A_538 = tpu.memref_slice %arg2[%add3A_535] : memref<819200xi32, #tpu.memory_space<hbm>> -> memref<1600xi32, #tpu.memory_space<hbm>>
        %dma_wait3A_539 = tpu.memref_slice %arg2[%add3A_535] : memref<819200xi32, #tpu.memory_space<hbm>> -> memref<1600xi32, #tpu.memory_space<hbm>>
        tpu.wait_dma2 semaphore(%arg10 : memref<!tpu.dma_semaphore, #tpu.memory_space<semaphore_mem>>) src(%dma_wait3A_539 : memref<1600xi32, #tpu.memory_space<hbm>>) dst(%arg5 : memref<1600xi32, #tpu.memory_space<vmem>>)
        %dma_start3A_540 = arith.constant 0 : i32
        %dma_start3A_541 = arith.constant 0 : i32
        %dma_start3A_542 = tpu.memref_slice %arg7[%dma_start3A_540, %dma_start3A_541] : memref<1600x32xf32, #tpu.memory_space<vmem>> -> memref<80x32xf32, #tpu.memory_space<vmem>>
        %dma_start3A_543 = arith.constant 0 : i32
        %dma_start3A_544 = tpu.memref_slice %arg5[%dma_start3A_543] : memref<1600xi32, #tpu.memory_space<vmem>> -> memref<80xi32, #tpu.memory_space<vmem>>
        %dma_start3A_545 = arith.constant 0 : i32
        %dma_start3A_546 = arith.constant 0 : i32
        %dma_start3A_547 = tpu.memref_slice %arg3[%dma_start3A_545, %dma_start3A_546] : memref<1000000x32xf32, #tpu.memory_space<hbm>> -> memref<1000000x32xf32, #tpu.memory_space<hbm>>
        tpu.enqueue_indirect_dma source(%dma_start3A_547 : memref<1000000x32xf32, #tpu.memory_space<hbm>>) target(%dma_start3A_542 : memref<80x32xf32, #tpu.memory_space<vmem>>) offsets(%dma_start3A_544 : memref<80xi32, #tpu.memory_space<vmem>>) semaphore(%arg12 : memref<!tpu.dma_semaphore, #tpu.memory_space<semaphore_mem>>)
        %dma_start3A_548 = arith.constant 80 : i32
        %dma_start3A_549 = arith.constant 0 : i32
        %dma_start3A_550 = tpu.memref_slice %arg7[%dma_start3A_548, %dma_start3A_549] : memref<1600x32xf32, #tpu.memory_space<vmem>> -> memref<80x32xf32, #tpu.memory_space<vmem>>
        %dma_start3A_551 = arith.constant 80 : i32
        %dma_start3A_552 = tpu.memref_slice %arg5[%dma_start3A_551] : memref<1600xi32, #tpu.memory_space<vmem>> -> memref<80xi32, #tpu.memory_space<vmem>>
        %dma_start3A_553 = arith.constant 0 : i32
        %dma_start3A_554 = arith.constant 0 : i32
        %dma_start3A_555 = tpu.memref_slice %arg3[%dma_start3A_553, %dma_start3A_554] : memref<1000000x32xf32, #tpu.memory_space<hbm>> -> memref<1000000x32xf32, #tpu.memory_space<hbm>>
        tpu.enqueue_indirect_dma source(%dma_start3A_555 : memref<1000000x32xf32, #tpu.memory_space<hbm>>) target(%dma_start3A_550 : memref<80x32xf32, #tpu.memory_space<vmem>>) offsets(%dma_start3A_552 : memref<80xi32, #tpu.memory_space<vmem>>) semaphore(%arg12 : memref<!tpu.dma_semaphore, #tpu.memory_space<semaphore_mem>>)
        %dma_start3A_556 = arith.constant 160 : i32
        %dma_start3A_557 = arith.constant 0 : i32
        %dma_start3A_558 = tpu.memref_slice %arg7[%dma_start3A_556, %dma_start3A_557] : memref<1600x32xf32, #tpu.memory_space<vmem>> -> memref<80x32xf32, #tpu.memory_space<vmem>>
        %dma_start3A_559 = arith.constant 160 : i32
        %dma_start3A_560 = tpu.memref_slice %arg5[%dma_start3A_559] : memref<1600xi32, #tpu.memory_space<vmem>> -> memref<80xi32, #tpu.memory_space<vmem>>
        %dma_start3A_561 = arith.constant 0 : i32
        %dma_start3A_562 = arith.constant 0 : i32
        %dma_start3A_563 = tpu.memref_slice %arg3[%dma_start3A_561, %dma_start3A_562] : memref<1000000x32xf32, #tpu.memory_space<hbm>> -> memref<1000000x32xf32, #tpu.memory_space<hbm>>
        tpu.enqueue_indirect_dma source(%dma_start3A_563 : memref<1000000x32xf32, #tpu.memory_space<hbm>>) target(%dma_start3A_558 : memref<80x32xf32, #tpu.memory_space<vmem>>) offsets(%dma_start3A_560 : memref<80xi32, #tpu.memory_space<vmem>>) semaphore(%arg12 : memref<!tpu.dma_semaphore, #tpu.memory_space<semaphore_mem>>)
        %dma_start3A_564 = arith.constant 240 : i32
        %dma_start3A_565 = arith.constant 0 : i32
        %dma_start3A_566 = tpu.memref_slice %arg7[%dma_start3A_564, %dma_start3A_565] : memref<1600x32xf32, #tpu.memory_space<vmem>> -> memref<80x32xf32, #tpu.memory_space<vmem>>
        %dma_start3A_567 = arith.constant 240 : i32
        %dma_start3A_568 = tpu.memref_slice %arg5[%dma_start3A_567] : memref<1600xi32, #tpu.memory_space<vmem>> -> memref<80xi32, #tpu.memory_space<vmem>>
        %dma_start3A_569 = arith.constant 0 : i32
        %dma_start3A_570 = arith.constant 0 : i32
        %dma_start3A_571 = tpu.memref_slice %arg3[%dma_start3A_569, %dma_start3A_570] : memref<1000000x32xf32, #tpu.memory_space<hbm>> -> memref<1000000x32xf32, #tpu.memory_space<hbm>>
        tpu.enqueue_indirect_dma source(%dma_start3A_571 : memref<1000000x32xf32, #tpu.memory_space<hbm>>) target(%dma_start3A_566 : memref<80x32xf32, #tpu.memory_space<vmem>>) offsets(%dma_start3A_568 : memref<80xi32, #tpu.memory_space<vmem>>) semaphore(%arg12 : memref<!tpu.dma_semaphore, #tpu.memory_space<semaphore_mem>>)
        %dma_start3A_572 = arith.constant 320 : i32
        %dma_start3A_573 = arith.constant 0 : i32
        %dma_start3A_574 = tpu.memref_slice %arg7[%dma_start3A_572, %dma_start3A_573] : memref<1600x32xf32, #tpu.memory_space<vmem>> -> memref<80x32xf32, #tpu.memory_space<vmem>>
        %dma_start3A_575 = arith.constant 320 : i32
        %dma_start3A_576 = tpu.memref_slice %arg5[%dma_start3A_575] : memref<1600xi32, #tpu.memory_space<vmem>> -> memref<80xi32, #tpu.memory_space<vmem>>
        %dma_start3A_577 = arith.constant 0 : i32
        %dma_start3A_578 = arith.constant 0 : i32
        %dma_start3A_579 = tpu.memref_slice %arg3[%dma_start3A_577, %dma_start3A_578] : memref<1000000x32xf32, #tpu.memory_space<hbm>> -> memref<1000000x32xf32, #tpu.memory_space<hbm>>
        tpu.enqueue_indirect_dma source(%dma_start3A_579 : memref<1000000x32xf32, #tpu.memory_space<hbm>>) target(%dma_start3A_574 : memref<80x32xf32, #tpu.memory_space<vmem>>) offsets(%dma_start3A_576 : memref<80xi32, #tpu.memory_space<vmem>>) semaphore(%arg12 : memref<!tpu.dma_semaphore, #tpu.memory_space<semaphore_mem>>)
        %dma_start3A_580 = arith.constant 400 : i32
        %dma_start3A_581 = arith.constant 0 : i32
        %dma_start3A_582 = tpu.memref_slice %arg7[%dma_start3A_580, %dma_start3A_581] : memref<1600x32xf32, #tpu.memory_space<vmem>> -> memref<80x32xf32, #tpu.memory_space<vmem>>
        %dma_start3A_583 = arith.constant 400 : i32
        %dma_start3A_584 = tpu.memref_slice %arg5[%dma_start3A_583] : memref<1600xi32, #tpu.memory_space<vmem>> -> memref<80xi32, #tpu.memory_space<vmem>>
        %dma_start3A_585 = arith.constant 0 : i32
        %dma_start3A_586 = arith.constant 0 : i32
        %dma_start3A_587 = tpu.memref_slice %arg3[%dma_start3A_585, %dma_start3A_586] : memref<1000000x32xf32, #tpu.memory_space<hbm>> -> memref<1000000x32xf32, #tpu.memory_space<hbm>>
        tpu.enqueue_indirect_dma source(%dma_start3A_587 : memref<1000000x32xf32, #tpu.memory_space<hbm>>) target(%dma_start3A_582 : memref<80x32xf32, #tpu.memory_space<vmem>>) offsets(%dma_start3A_584 : memref<80xi32, #tpu.memory_space<vmem>>) semaphore(%arg12 : memref<!tpu.dma_semaphore, #tpu.memory_space<semaphore_mem>>)
        %dma_start3A_588 = arith.constant 480 : i32
        %dma_start3A_589 = arith.constant 0 : i32
        %dma_start3A_590 = tpu.memref_slice %arg7[%dma_start3A_588, %dma_start3A_589] : memref<1600x32xf32, #tpu.memory_space<vmem>> -> memref<80x32xf32, #tpu.memory_space<vmem>>
        %dma_start3A_591 = arith.constant 480 : i32
        %dma_start3A_592 = tpu.memref_slice %arg5[%dma_start3A_591] : memref<1600xi32, #tpu.memory_space<vmem>> -> memref<80xi32, #tpu.memory_space<vmem>>
        %dma_start3A_593 = arith.constant 0 : i32
        %dma_start3A_594 = arith.constant 0 : i32
        %dma_start3A_595 = tpu.memref_slice %arg3[%dma_start3A_593, %dma_start3A_594] : memref<1000000x32xf32, #tpu.memory_space<hbm>> -> memref<1000000x32xf32, #tpu.memory_space<hbm>>
        tpu.enqueue_indirect_dma source(%dma_start3A_595 : memref<1000000x32xf32, #tpu.memory_space<hbm>>) target(%dma_start3A_590 : memref<80x32xf32, #tpu.memory_space<vmem>>) offsets(%dma_start3A_592 : memref<80xi32, #tpu.memory_space<vmem>>) semaphore(%arg12 : memref<!tpu.dma_semaphore, #tpu.memory_space<semaphore_mem>>)
        %dma_start3A_596 = arith.constant 560 : i32
        %dma_start3A_597 = arith.constant 0 : i32
        %dma_start3A_598 = tpu.memref_slice %arg7[%dma_start3A_596, %dma_start3A_597] : memref<1600x32xf32, #tpu.memory_space<vmem>> -> memref<80x32xf32, #tpu.memory_space<vmem>>
        %dma_start3A_599 = arith.constant 560 : i32
        %dma_start3A_600 = tpu.memref_slice %arg5[%dma_start3A_599] : memref<1600xi32, #tpu.memory_space<vmem>> -> memref<80xi32, #tpu.memory_space<vmem>>
        %dma_start3A_601 = arith.constant 0 : i32
        %dma_start3A_602 = arith.constant 0 : i32
        %dma_start3A_603 = tpu.memref_slice %arg3[%dma_start3A_601, %dma_start3A_602] : memref<1000000x32xf32, #tpu.memory_space<hbm>> -> memref<1000000x32xf32, #tpu.memory_space<hbm>>
        tpu.enqueue_indirect_dma source(%dma_start3A_603 : memref<1000000x32xf32, #tpu.memory_space<hbm>>) target(%dma_start3A_598 : memref<80x32xf32, #tpu.memory_space<vmem>>) offsets(%dma_start3A_600 : memref<80xi32, #tpu.memory_space<vmem>>) semaphore(%arg12 : memref<!tpu.dma_semaphore, #tpu.memory_space<semaphore_mem>>)
        %dma_start3A_604 = arith.constant 640 : i32
        %dma_start3A_605 = arith.constant 0 : i32
        %dma_start3A_606 = tpu.memref_slice %arg7[%dma_start3A_604, %dma_start3A_605] : memref<1600x32xf32, #tpu.memory_space<vmem>> -> memref<80x32xf32, #tpu.memory_space<vmem>>
        %dma_start3A_607 = arith.constant 640 : i32
        %dma_start3A_608 = tpu.memref_slice %arg5[%dma_start3A_607] : memref<1600xi32, #tpu.memory_space<vmem>> -> memref<80xi32, #tpu.memory_space<vmem>>
        %dma_start3A_609 = arith.constant 0 : i32
        %dma_start3A_610 = arith.constant 0 : i32
        %dma_start3A_611 = tpu.memref_slice %arg3[%dma_start3A_609, %dma_start3A_610] : memref<1000000x32xf32, #tpu.memory_space<hbm>> -> memref<1000000x32xf32, #tpu.memory_space<hbm>>
        tpu.enqueue_indirect_dma source(%dma_start3A_611 : memref<1000000x32xf32, #tpu.memory_space<hbm>>) target(%dma_start3A_606 : memref<80x32xf32, #tpu.memory_space<vmem>>) offsets(%dma_start3A_608 : memref<80xi32, #tpu.memory_space<vmem>>) semaphore(%arg12 : memref<!tpu.dma_semaphore, #tpu.memory_space<semaphore_mem>>)
        %dma_start3A_612 = arith.constant 720 : i32
        %dma_start3A_613 = arith.constant 0 : i32
        %dma_start3A_614 = tpu.memref_slice %arg7[%dma_start3A_612, %dma_start3A_613] : memref<1600x32xf32, #tpu.memory_space<vmem>> -> memref<80x32xf32, #tpu.memory_space<vmem>>
        %dma_start3A_615 = arith.constant 720 : i32
        %dma_start3A_616 = tpu.memref_slice %arg5[%dma_start3A_615] : memref<1600xi32, #tpu.memory_space<vmem>> -> memref<80xi32, #tpu.memory_space<vmem>>
        %dma_start3A_617 = arith.constant 0 : i32
        %dma_start3A_618 = arith.constant 0 : i32
        %dma_start3A_619 = tpu.memref_slice %arg3[%dma_start3A_617, %dma_start3A_618] : memref<1000000x32xf32, #tpu.memory_space<hbm>> -> memref<1000000x32xf32, #tpu.memory_space<hbm>>
        tpu.enqueue_indirect_dma source(%dma_start3A_619 : memref<1000000x32xf32, #tpu.memory_space<hbm>>) target(%dma_start3A_614 : memref<80x32xf32, #tpu.memory_space<vmem>>) offsets(%dma_start3A_616 : memref<80xi32, #tpu.memory_space<vmem>>) semaphore(%arg12 : memref<!tpu.dma_semaphore, #tpu.memory_space<semaphore_mem>>)
        %dma_start3A_620 = arith.constant 800 : i32
        %dma_start3A_621 = arith.constant 0 : i32
        %dma_start3A_622 = tpu.memref_slice %arg7[%dma_start3A_620, %dma_start3A_621] : memref<1600x32xf32, #tpu.memory_space<vmem>> -> memref<80x32xf32, #tpu.memory_space<vmem>>
        %dma_start3A_623 = arith.constant 800 : i32
        %dma_start3A_624 = tpu.memref_slice %arg5[%dma_start3A_623] : memref<1600xi32, #tpu.memory_space<vmem>> -> memref<80xi32, #tpu.memory_space<vmem>>
        %dma_start3A_625 = arith.constant 0 : i32
        %dma_start3A_626 = arith.constant 0 : i32
        %dma_start3A_627 = tpu.memref_slice %arg3[%dma_start3A_625, %dma_start3A_626] : memref<1000000x32xf32, #tpu.memory_space<hbm>> -> memref<1000000x32xf32, #tpu.memory_space<hbm>>
        tpu.enqueue_indirect_dma source(%dma_start3A_627 : memref<1000000x32xf32, #tpu.memory_space<hbm>>) target(%dma_start3A_622 : memref<80x32xf32, #tpu.memory_space<vmem>>) offsets(%dma_start3A_624 : memref<80xi32, #tpu.memory_space<vmem>>) semaphore(%arg12 : memref<!tpu.dma_semaphore, #tpu.memory_space<semaphore_mem>>)
        %dma_start3A_628 = arith.constant 880 : i32
        %dma_start3A_629 = arith.constant 0 : i32
        %dma_start3A_630 = tpu.memref_slice %arg7[%dma_start3A_628, %dma_start3A_629] : memref<1600x32xf32, #tpu.memory_space<vmem>> -> memref<80x32xf32, #tpu.memory_space<vmem>>
        %dma_start3A_631 = arith.constant 880 : i32
        %dma_start3A_632 = tpu.memref_slice %arg5[%dma_start3A_631] : memref<1600xi32, #tpu.memory_space<vmem>> -> memref<80xi32, #tpu.memory_space<vmem>>
        %dma_start3A_633 = arith.constant 0 : i32
        %dma_start3A_634 = arith.constant 0 : i32
        %dma_start3A_635 = tpu.memref_slice %arg3[%dma_start3A_633, %dma_start3A_634] : memref<1000000x32xf32, #tpu.memory_space<hbm>> -> memref<1000000x32xf32, #tpu.memory_space<hbm>>
        tpu.enqueue_indirect_dma source(%dma_start3A_635 : memref<1000000x32xf32, #tpu.memory_space<hbm>>) target(%dma_start3A_630 : memref<80x32xf32, #tpu.memory_space<vmem>>) offsets(%dma_start3A_632 : memref<80xi32, #tpu.memory_space<vmem>>) semaphore(%arg12 : memref<!tpu.dma_semaphore, #tpu.memory_space<semaphore_mem>>)
        %dma_start3A_636 = arith.constant 960 : i32
        %dma_start3A_637 = arith.constant 0 : i32
        %dma_start3A_638 = tpu.memref_slice %arg7[%dma_start3A_636, %dma_start3A_637] : memref<1600x32xf32, #tpu.memory_space<vmem>> -> memref<80x32xf32, #tpu.memory_space<vmem>>
        %dma_start3A_639 = arith.constant 960 : i32
        %dma_start3A_640 = tpu.memref_slice %arg5[%dma_start3A_639] : memref<1600xi32, #tpu.memory_space<vmem>> -> memref<80xi32, #tpu.memory_space<vmem>>
        %dma_start3A_641 = arith.constant 0 : i32
        %dma_start3A_642 = arith.constant 0 : i32
        %dma_start3A_643 = tpu.memref_slice %arg3[%dma_start3A_641, %dma_start3A_642] : memref<1000000x32xf32, #tpu.memory_space<hbm>> -> memref<1000000x32xf32, #tpu.memory_space<hbm>>
        tpu.enqueue_indirect_dma source(%dma_start3A_643 : memref<1000000x32xf32, #tpu.memory_space<hbm>>) target(%dma_start3A_638 : memref<80x32xf32, #tpu.memory_space<vmem>>) offsets(%dma_start3A_640 : memref<80xi32, #tpu.memory_space<vmem>>) semaphore(%arg12 : memref<!tpu.dma_semaphore, #tpu.memory_space<semaphore_mem>>)
        %dma_start3A_644 = arith.constant 1040 : i32
        %dma_start3A_645 = arith.constant 0 : i32
        %dma_start3A_646 = tpu.memref_slice %arg7[%dma_start3A_644, %dma_start3A_645] : memref<1600x32xf32, #tpu.memory_space<vmem>> -> memref<80x32xf32, #tpu.memory_space<vmem>>
        %dma_start3A_647 = arith.constant 1040 : i32
        %dma_start3A_648 = tpu.memref_slice %arg5[%dma_start3A_647] : memref<1600xi32, #tpu.memory_space<vmem>> -> memref<80xi32, #tpu.memory_space<vmem>>
        %dma_start3A_649 = arith.constant 0 : i32
        %dma_start3A_650 = arith.constant 0 : i32
        %dma_start3A_651 = tpu.memref_slice %arg3[%dma_start3A_649, %dma_start3A_650] : memref<1000000x32xf32, #tpu.memory_space<hbm>> -> memref<1000000x32xf32, #tpu.memory_space<hbm>>
        tpu.enqueue_indirect_dma source(%dma_start3A_651 : memref<1000000x32xf32, #tpu.memory_space<hbm>>) target(%dma_start3A_646 : memref<80x32xf32, #tpu.memory_space<vmem>>) offsets(%dma_start3A_648 : memref<80xi32, #tpu.memory_space<vmem>>) semaphore(%arg12 : memref<!tpu.dma_semaphore, #tpu.memory_space<semaphore_mem>>)
        %dma_start3A_652 = arith.constant 1120 : i32
        %dma_start3A_653 = arith.constant 0 : i32
        %dma_start3A_654 = tpu.memref_slice %arg7[%dma_start3A_652, %dma_start3A_653] : memref<1600x32xf32, #tpu.memory_space<vmem>> -> memref<80x32xf32, #tpu.memory_space<vmem>>
        %dma_start3A_655 = arith.constant 1120 : i32
        %dma_start3A_656 = tpu.memref_slice %arg5[%dma_start3A_655] : memref<1600xi32, #tpu.memory_space<vmem>> -> memref<80xi32, #tpu.memory_space<vmem>>
        %dma_start3A_657 = arith.constant 0 : i32
        %dma_start3A_658 = arith.constant 0 : i32
        %dma_start3A_659 = tpu.memref_slice %arg3[%dma_start3A_657, %dma_start3A_658] : memref<1000000x32xf32, #tpu.memory_space<hbm>> -> memref<1000000x32xf32, #tpu.memory_space<hbm>>
        tpu.enqueue_indirect_dma source(%dma_start3A_659 : memref<1000000x32xf32, #tpu.memory_space<hbm>>) target(%dma_start3A_654 : memref<80x32xf32, #tpu.memory_space<vmem>>) offsets(%dma_start3A_656 : memref<80xi32, #tpu.memory_space<vmem>>) semaphore(%arg12 : memref<!tpu.dma_semaphore, #tpu.memory_space<semaphore_mem>>)
        %dma_start3A_660 = arith.constant 1200 : i32
        %dma_start3A_661 = arith.constant 0 : i32
        %dma_start3A_662 = tpu.memref_slice %arg7[%dma_start3A_660, %dma_start3A_661] : memref<1600x32xf32, #tpu.memory_space<vmem>> -> memref<80x32xf32, #tpu.memory_space<vmem>>
        %dma_start3A_663 = arith.constant 1200 : i32
        %dma_start3A_664 = tpu.memref_slice %arg5[%dma_start3A_663] : memref<1600xi32, #tpu.memory_space<vmem>> -> memref<80xi32, #tpu.memory_space<vmem>>
        %dma_start3A_665 = arith.constant 0 : i32
        %dma_start3A_666 = arith.constant 0 : i32
        %dma_start3A_667 = tpu.memref_slice %arg3[%dma_start3A_665, %dma_start3A_666] : memref<1000000x32xf32, #tpu.memory_space<hbm>> -> memref<1000000x32xf32, #tpu.memory_space<hbm>>
        tpu.enqueue_indirect_dma source(%dma_start3A_667 : memref<1000000x32xf32, #tpu.memory_space<hbm>>) target(%dma_start3A_662 : memref<80x32xf32, #tpu.memory_space<vmem>>) offsets(%dma_start3A_664 : memref<80xi32, #tpu.memory_space<vmem>>) semaphore(%arg12 : memref<!tpu.dma_semaphore, #tpu.memory_space<semaphore_mem>>)
        %dma_start3A_668 = arith.constant 1280 : i32
        %dma_start3A_669 = arith.constant 0 : i32
        %dma_start3A_670 = tpu.memref_slice %arg7[%dma_start3A_668, %dma_start3A_669] : memref<1600x32xf32, #tpu.memory_space<vmem>> -> memref<80x32xf32, #tpu.memory_space<vmem>>
        %dma_start3A_671 = arith.constant 1280 : i32
        %dma_start3A_672 = tpu.memref_slice %arg5[%dma_start3A_671] : memref<1600xi32, #tpu.memory_space<vmem>> -> memref<80xi32, #tpu.memory_space<vmem>>
        %dma_start3A_673 = arith.constant 0 : i32
        %dma_start3A_674 = arith.constant 0 : i32
        %dma_start3A_675 = tpu.memref_slice %arg3[%dma_start3A_673, %dma_start3A_674] : memref<1000000x32xf32, #tpu.memory_space<hbm>> -> memref<1000000x32xf32, #tpu.memory_space<hbm>>
        tpu.enqueue_indirect_dma source(%dma_start3A_675 : memref<1000000x32xf32, #tpu.memory_space<hbm>>) target(%dma_start3A_670 : memref<80x32xf32, #tpu.memory_space<vmem>>) offsets(%dma_start3A_672 : memref<80xi32, #tpu.memory_space<vmem>>) semaphore(%arg12 : memref<!tpu.dma_semaphore, #tpu.memory_space<semaphore_mem>>)
        %dma_start3A_676 = arith.constant 1360 : i32
        %dma_start3A_677 = arith.constant 0 : i32
        %dma_start3A_678 = tpu.memref_slice %arg7[%dma_start3A_676, %dma_start3A_677] : memref<1600x32xf32, #tpu.memory_space<vmem>> -> memref<80x32xf32, #tpu.memory_space<vmem>>
        %dma_start3A_679 = arith.constant 1360 : i32
        %dma_start3A_680 = tpu.memref_slice %arg5[%dma_start3A_679] : memref<1600xi32, #tpu.memory_space<vmem>> -> memref<80xi32, #tpu.memory_space<vmem>>
        %dma_start3A_681 = arith.constant 0 : i32
        %dma_start3A_682 = arith.constant 0 : i32
        %dma_start3A_683 = tpu.memref_slice %arg3[%dma_start3A_681, %dma_start3A_682] : memref<1000000x32xf32, #tpu.memory_space<hbm>> -> memref<1000000x32xf32, #tpu.memory_space<hbm>>
        tpu.enqueue_indirect_dma source(%dma_start3A_683 : memref<1000000x32xf32, #tpu.memory_space<hbm>>) target(%dma_start3A_678 : memref<80x32xf32, #tpu.memory_space<vmem>>) offsets(%dma_start3A_680 : memref<80xi32, #tpu.memory_space<vmem>>) semaphore(%arg12 : memref<!tpu.dma_semaphore, #tpu.memory_space<semaphore_mem>>)
        %dma_start3A_684 = arith.constant 1440 : i32
        %dma_start3A_685 = arith.constant 0 : i32
        %dma_start3A_686 = tpu.memref_slice %arg7[%dma_start3A_684, %dma_start3A_685] : memref<1600x32xf32, #tpu.memory_space<vmem>> -> memref<80x32xf32, #tpu.memory_space<vmem>>
        %dma_start3A_687 = arith.constant 1440 : i32
        %dma_start3A_688 = tpu.memref_slice %arg5[%dma_start3A_687] : memref<1600xi32, #tpu.memory_space<vmem>> -> memref<80xi32, #tpu.memory_space<vmem>>
        %dma_start3A_689 = arith.constant 0 : i32
        %dma_start3A_690 = arith.constant 0 : i32
        %dma_start3A_691 = tpu.memref_slice %arg3[%dma_start3A_689, %dma_start3A_690] : memref<1000000x32xf32, #tpu.memory_space<hbm>> -> memref<1000000x32xf32, #tpu.memory_space<hbm>>
        tpu.enqueue_indirect_dma source(%dma_start3A_691 : memref<1000000x32xf32, #tpu.memory_space<hbm>>) target(%dma_start3A_686 : memref<80x32xf32, #tpu.memory_space<vmem>>) offsets(%dma_start3A_688 : memref<80xi32, #tpu.memory_space<vmem>>) semaphore(%arg12 : memref<!tpu.dma_semaphore, #tpu.memory_space<semaphore_mem>>)
        %dma_start3A_692 = arith.constant 1520 : i32
        %dma_start3A_693 = arith.constant 0 : i32
        %dma_start3A_694 = tpu.memref_slice %arg7[%dma_start3A_692, %dma_start3A_693] : memref<1600x32xf32, #tpu.memory_space<vmem>> -> memref<80x32xf32, #tpu.memory_space<vmem>>
        %dma_start3A_695 = arith.constant 1520 : i32
        %dma_start3A_696 = tpu.memref_slice %arg5[%dma_start3A_695] : memref<1600xi32, #tpu.memory_space<vmem>> -> memref<80xi32, #tpu.memory_space<vmem>>
        %dma_start3A_697 = arith.constant 0 : i32
        %dma_start3A_698 = arith.constant 0 : i32
        %dma_start3A_699 = tpu.memref_slice %arg3[%dma_start3A_697, %dma_start3A_698] : memref<1000000x32xf32, #tpu.memory_space<hbm>> -> memref<1000000x32xf32, #tpu.memory_space<hbm>>
        tpu.enqueue_indirect_dma source(%dma_start3A_699 : memref<1000000x32xf32, #tpu.memory_space<hbm>>) target(%dma_start3A_694 : memref<80x32xf32, #tpu.memory_space<vmem>>) offsets(%dma_start3A_696 : memref<80xi32, #tpu.memory_space<vmem>>) semaphore(%arg12 : memref<!tpu.dma_semaphore, #tpu.memory_space<semaphore_mem>>)
      } else {
      }
      %dma_wait3A_362 = arith.constant 0 : i32
      %dma_wait3A_363 = arith.constant 0 : i32
      %dma_wait3A_364 = tpu.memref_slice %arg8[%dma_wait3A_362, %dma_wait3A_363] : memref<1600x32xf32, #tpu.memory_space<vmem>> -> memref<80x32xf32, #tpu.memory_space<vmem>>
      %dma_wait3A_365 = arith.constant 0 : i32
      %dma_wait3A_366 = tpu.memref_slice %arg6[%dma_wait3A_365] : memref<1600xi32, #tpu.memory_space<vmem>> -> memref<80xi32, #tpu.memory_space<vmem>>
      %dma_wait3A_367 = arith.constant 0 : i32
      %dma_wait3A_368 = arith.constant 0 : i32
      %dma_wait3A_369 = tpu.memref_slice %arg3[%dma_wait3A_367, %dma_wait3A_368] : memref<1000000x32xf32, #tpu.memory_space<hbm>> -> memref<1000000x32xf32, #tpu.memory_space<hbm>>
      tpu.wait_indirect_dma semaphore(%arg13 : memref<!tpu.dma_semaphore, #tpu.memory_space<semaphore_mem>>) src(%dma_wait3A_369 : memref<1000000x32xf32, #tpu.memory_space<hbm>>) dst(%dma_wait3A_364 : memref<80x32xf32, #tpu.memory_space<vmem>>)
      %dma_wait3A_370 = arith.constant 80 : i32
      %dma_wait3A_371 = arith.constant 0 : i32
      %dma_wait3A_372 = tpu.memref_slice %arg8[%dma_wait3A_370, %dma_wait3A_371] : memref<1600x32xf32, #tpu.memory_space<vmem>> -> memref<80x32xf32, #tpu.memory_space<vmem>>
      %dma_wait3A_373 = arith.constant 80 : i32
      %dma_wait3A_374 = tpu.memref_slice %arg6[%dma_wait3A_373] : memref<1600xi32, #tpu.memory_space<vmem>> -> memref<80xi32, #tpu.memory_space<vmem>>
      %dma_wait3A_375 = arith.constant 0 : i32
      %dma_wait3A_376 = arith.constant 0 : i32
      %dma_wait3A_377 = tpu.memref_slice %arg3[%dma_wait3A_375, %dma_wait3A_376] : memref<1000000x32xf32, #tpu.memory_space<hbm>> -> memref<1000000x32xf32, #tpu.memory_space<hbm>>
      tpu.wait_indirect_dma semaphore(%arg13 : memref<!tpu.dma_semaphore, #tpu.memory_space<semaphore_mem>>) src(%dma_wait3A_377 : memref<1000000x32xf32, #tpu.memory_space<hbm>>) dst(%dma_wait3A_372 : memref<80x32xf32, #tpu.memory_space<vmem>>)
      %dma_wait3A_378 = arith.constant 160 : i32
      %dma_wait3A_379 = arith.constant 0 : i32
      %dma_wait3A_380 = tpu.memref_slice %arg8[%dma_wait3A_378, %dma_wait3A_379] : memref<1600x32xf32, #tpu.memory_space<vmem>> -> memref<80x32xf32, #tpu.memory_space<vmem>>
      %dma_wait3A_381 = arith.constant 160 : i32
      %dma_wait3A_382 = tpu.memref_slice %arg6[%dma_wait3A_381] : memref<1600xi32, #tpu.memory_space<vmem>> -> memref<80xi32, #tpu.memory_space<vmem>>
      %dma_wait3A_383 = arith.constant 0 : i32
      %dma_wait3A_384 = arith.constant 0 : i32
      %dma_wait3A_385 = tpu.memref_slice %arg3[%dma_wait3A_383, %dma_wait3A_384] : memref<1000000x32xf32, #tpu.memory_space<hbm>> -> memref<1000000x32xf32, #tpu.memory_space<hbm>>
      tpu.wait_indirect_dma semaphore(%arg13 : memref<!tpu.dma_semaphore, #tpu.memory_space<semaphore_mem>>) src(%dma_wait3A_385 : memref<1000000x32xf32, #tpu.memory_space<hbm>>) dst(%dma_wait3A_380 : memref<80x32xf32, #tpu.memory_space<vmem>>)
      %dma_wait3A_386 = arith.constant 240 : i32
      %dma_wait3A_387 = arith.constant 0 : i32
      %dma_wait3A_388 = tpu.memref_slice %arg8[%dma_wait3A_386, %dma_wait3A_387] : memref<1600x32xf32, #tpu.memory_space<vmem>> -> memref<80x32xf32, #tpu.memory_space<vmem>>
      %dma_wait3A_389 = arith.constant 240 : i32
      %dma_wait3A_390 = tpu.memref_slice %arg6[%dma_wait3A_389] : memref<1600xi32, #tpu.memory_space<vmem>> -> memref<80xi32, #tpu.memory_space<vmem>>
      %dma_wait3A_391 = arith.constant 0 : i32
      %dma_wait3A_392 = arith.constant 0 : i32
      %dma_wait3A_393 = tpu.memref_slice %arg3[%dma_wait3A_391, %dma_wait3A_392] : memref<1000000x32xf32, #tpu.memory_space<hbm>> -> memref<1000000x32xf32, #tpu.memory_space<hbm>>
      tpu.wait_indirect_dma semaphore(%arg13 : memref<!tpu.dma_semaphore, #tpu.memory_space<semaphore_mem>>) src(%dma_wait3A_393 : memref<1000000x32xf32, #tpu.memory_space<hbm>>) dst(%dma_wait3A_388 : memref<80x32xf32, #tpu.memory_space<vmem>>)
      %dma_wait3A_394 = arith.constant 320 : i32
      %dma_wait3A_395 = arith.constant 0 : i32
      %dma_wait3A_396 = tpu.memref_slice %arg8[%dma_wait3A_394, %dma_wait3A_395] : memref<1600x32xf32, #tpu.memory_space<vmem>> -> memref<80x32xf32, #tpu.memory_space<vmem>>
      %dma_wait3A_397 = arith.constant 320 : i32
      %dma_wait3A_398 = tpu.memref_slice %arg6[%dma_wait3A_397] : memref<1600xi32, #tpu.memory_space<vmem>> -> memref<80xi32, #tpu.memory_space<vmem>>
      %dma_wait3A_399 = arith.constant 0 : i32
      %dma_wait3A_400 = arith.constant 0 : i32
      %dma_wait3A_401 = tpu.memref_slice %arg3[%dma_wait3A_399, %dma_wait3A_400] : memref<1000000x32xf32, #tpu.memory_space<hbm>> -> memref<1000000x32xf32, #tpu.memory_space<hbm>>
      tpu.wait_indirect_dma semaphore(%arg13 : memref<!tpu.dma_semaphore, #tpu.memory_space<semaphore_mem>>) src(%dma_wait3A_401 : memref<1000000x32xf32, #tpu.memory_space<hbm>>) dst(%dma_wait3A_396 : memref<80x32xf32, #tpu.memory_space<vmem>>)
      %dma_wait3A_402 = arith.constant 400 : i32
      %dma_wait3A_403 = arith.constant 0 : i32
      %dma_wait3A_404 = tpu.memref_slice %arg8[%dma_wait3A_402, %dma_wait3A_403] : memref<1600x32xf32, #tpu.memory_space<vmem>> -> memref<80x32xf32, #tpu.memory_space<vmem>>
      %dma_wait3A_405 = arith.constant 400 : i32
      %dma_wait3A_406 = tpu.memref_slice %arg6[%dma_wait3A_405] : memref<1600xi32, #tpu.memory_space<vmem>> -> memref<80xi32, #tpu.memory_space<vmem>>
      %dma_wait3A_407 = arith.constant 0 : i32
      %dma_wait3A_408 = arith.constant 0 : i32
      %dma_wait3A_409 = tpu.memref_slice %arg3[%dma_wait3A_407, %dma_wait3A_408] : memref<1000000x32xf32, #tpu.memory_space<hbm>> -> memref<1000000x32xf32, #tpu.memory_space<hbm>>
      tpu.wait_indirect_dma semaphore(%arg13 : memref<!tpu.dma_semaphore, #tpu.memory_space<semaphore_mem>>) src(%dma_wait3A_409 : memref<1000000x32xf32, #tpu.memory_space<hbm>>) dst(%dma_wait3A_404 : memref<80x32xf32, #tpu.memory_space<vmem>>)
      %dma_wait3A_410 = arith.constant 480 : i32
      %dma_wait3A_411 = arith.constant 0 : i32
      %dma_wait3A_412 = tpu.memref_slice %arg8[%dma_wait3A_410, %dma_wait3A_411] : memref<1600x32xf32, #tpu.memory_space<vmem>> -> memref<80x32xf32, #tpu.memory_space<vmem>>
      %dma_wait3A_413 = arith.constant 480 : i32
      %dma_wait3A_414 = tpu.memref_slice %arg6[%dma_wait3A_413] : memref<1600xi32, #tpu.memory_space<vmem>> -> memref<80xi32, #tpu.memory_space<vmem>>
      %dma_wait3A_415 = arith.constant 0 : i32
      %dma_wait3A_416 = arith.constant 0 : i32
      %dma_wait3A_417 = tpu.memref_slice %arg3[%dma_wait3A_415, %dma_wait3A_416] : memref<1000000x32xf32, #tpu.memory_space<hbm>> -> memref<1000000x32xf32, #tpu.memory_space<hbm>>
      tpu.wait_indirect_dma semaphore(%arg13 : memref<!tpu.dma_semaphore, #tpu.memory_space<semaphore_mem>>) src(%dma_wait3A_417 : memref<1000000x32xf32, #tpu.memory_space<hbm>>) dst(%dma_wait3A_412 : memref<80x32xf32, #tpu.memory_space<vmem>>)
      %dma_wait3A_418 = arith.constant 560 : i32
      %dma_wait3A_419 = arith.constant 0 : i32
      %dma_wait3A_420 = tpu.memref_slice %arg8[%dma_wait3A_418, %dma_wait3A_419] : memref<1600x32xf32, #tpu.memory_space<vmem>> -> memref<80x32xf32, #tpu.memory_space<vmem>>
      %dma_wait3A_421 = arith.constant 560 : i32
      %dma_wait3A_422 = tpu.memref_slice %arg6[%dma_wait3A_421] : memref<1600xi32, #tpu.memory_space<vmem>> -> memref<80xi32, #tpu.memory_space<vmem>>
      %dma_wait3A_423 = arith.constant 0 : i32
      %dma_wait3A_424 = arith.constant 0 : i32
      %dma_wait3A_425 = tpu.memref_slice %arg3[%dma_wait3A_423, %dma_wait3A_424] : memref<1000000x32xf32, #tpu.memory_space<hbm>> -> memref<1000000x32xf32, #tpu.memory_space<hbm>>
      tpu.wait_indirect_dma semaphore(%arg13 : memref<!tpu.dma_semaphore, #tpu.memory_space<semaphore_mem>>) src(%dma_wait3A_425 : memref<1000000x32xf32, #tpu.memory_space<hbm>>) dst(%dma_wait3A_420 : memref<80x32xf32, #tpu.memory_space<vmem>>)
      %dma_wait3A_426 = arith.constant 640 : i32
      %dma_wait3A_427 = arith.constant 0 : i32
      %dma_wait3A_428 = tpu.memref_slice %arg8[%dma_wait3A_426, %dma_wait3A_427] : memref<1600x32xf32, #tpu.memory_space<vmem>> -> memref<80x32xf32, #tpu.memory_space<vmem>>
      %dma_wait3A_429 = arith.constant 640 : i32
      %dma_wait3A_430 = tpu.memref_slice %arg6[%dma_wait3A_429] : memref<1600xi32, #tpu.memory_space<vmem>> -> memref<80xi32, #tpu.memory_space<vmem>>
      %dma_wait3A_431 = arith.constant 0 : i32
      %dma_wait3A_432 = arith.constant 0 : i32
      %dma_wait3A_433 = tpu.memref_slice %arg3[%dma_wait3A_431, %dma_wait3A_432] : memref<1000000x32xf32, #tpu.memory_space<hbm>> -> memref<1000000x32xf32, #tpu.memory_space<hbm>>
      tpu.wait_indirect_dma semaphore(%arg13 : memref<!tpu.dma_semaphore, #tpu.memory_space<semaphore_mem>>) src(%dma_wait3A_433 : memref<1000000x32xf32, #tpu.memory_space<hbm>>) dst(%dma_wait3A_428 : memref<80x32xf32, #tpu.memory_space<vmem>>)
      %dma_wait3A_434 = arith.constant 720 : i32
      %dma_wait3A_435 = arith.constant 0 : i32
      %dma_wait3A_436 = tpu.memref_slice %arg8[%dma_wait3A_434, %dma_wait3A_435] : memref<1600x32xf32, #tpu.memory_space<vmem>> -> memref<80x32xf32, #tpu.memory_space<vmem>>
      %dma_wait3A_437 = arith.constant 720 : i32
      %dma_wait3A_438 = tpu.memref_slice %arg6[%dma_wait3A_437] : memref<1600xi32, #tpu.memory_space<vmem>> -> memref<80xi32, #tpu.memory_space<vmem>>
      %dma_wait3A_439 = arith.constant 0 : i32
      %dma_wait3A_440 = arith.constant 0 : i32
      %dma_wait3A_441 = tpu.memref_slice %arg3[%dma_wait3A_439, %dma_wait3A_440] : memref<1000000x32xf32, #tpu.memory_space<hbm>> -> memref<1000000x32xf32, #tpu.memory_space<hbm>>
      tpu.wait_indirect_dma semaphore(%arg13 : memref<!tpu.dma_semaphore, #tpu.memory_space<semaphore_mem>>) src(%dma_wait3A_441 : memref<1000000x32xf32, #tpu.memory_space<hbm>>) dst(%dma_wait3A_436 : memref<80x32xf32, #tpu.memory_space<vmem>>)
      %dma_wait3A_442 = arith.constant 800 : i32
      %dma_wait3A_443 = arith.constant 0 : i32
      %dma_wait3A_444 = tpu.memref_slice %arg8[%dma_wait3A_442, %dma_wait3A_443] : memref<1600x32xf32, #tpu.memory_space<vmem>> -> memref<80x32xf32, #tpu.memory_space<vmem>>
      %dma_wait3A_445 = arith.constant 800 : i32
      %dma_wait3A_446 = tpu.memref_slice %arg6[%dma_wait3A_445] : memref<1600xi32, #tpu.memory_space<vmem>> -> memref<80xi32, #tpu.memory_space<vmem>>
      %dma_wait3A_447 = arith.constant 0 : i32
      %dma_wait3A_448 = arith.constant 0 : i32
      %dma_wait3A_449 = tpu.memref_slice %arg3[%dma_wait3A_447, %dma_wait3A_448] : memref<1000000x32xf32, #tpu.memory_space<hbm>> -> memref<1000000x32xf32, #tpu.memory_space<hbm>>
      tpu.wait_indirect_dma semaphore(%arg13 : memref<!tpu.dma_semaphore, #tpu.memory_space<semaphore_mem>>) src(%dma_wait3A_449 : memref<1000000x32xf32, #tpu.memory_space<hbm>>) dst(%dma_wait3A_444 : memref<80x32xf32, #tpu.memory_space<vmem>>)
      %dma_wait3A_450 = arith.constant 880 : i32
      %dma_wait3A_451 = arith.constant 0 : i32
      %dma_wait3A_452 = tpu.memref_slice %arg8[%dma_wait3A_450, %dma_wait3A_451] : memref<1600x32xf32, #tpu.memory_space<vmem>> -> memref<80x32xf32, #tpu.memory_space<vmem>>
      %dma_wait3A_453 = arith.constant 880 : i32
      %dma_wait3A_454 = tpu.memref_slice %arg6[%dma_wait3A_453] : memref<1600xi32, #tpu.memory_space<vmem>> -> memref<80xi32, #tpu.memory_space<vmem>>
      %dma_wait3A_455 = arith.constant 0 : i32
      %dma_wait3A_456 = arith.constant 0 : i32
      %dma_wait3A_457 = tpu.memref_slice %arg3[%dma_wait3A_455, %dma_wait3A_456] : memref<1000000x32xf32, #tpu.memory_space<hbm>> -> memref<1000000x32xf32, #tpu.memory_space<hbm>>
      tpu.wait_indirect_dma semaphore(%arg13 : memref<!tpu.dma_semaphore, #tpu.memory_space<semaphore_mem>>) src(%dma_wait3A_457 : memref<1000000x32xf32, #tpu.memory_space<hbm>>) dst(%dma_wait3A_452 : memref<80x32xf32, #tpu.memory_space<vmem>>)
      %dma_wait3A_458 = arith.constant 960 : i32
      %dma_wait3A_459 = arith.constant 0 : i32
      %dma_wait3A_460 = tpu.memref_slice %arg8[%dma_wait3A_458, %dma_wait3A_459] : memref<1600x32xf32, #tpu.memory_space<vmem>> -> memref<80x32xf32, #tpu.memory_space<vmem>>
      %dma_wait3A_461 = arith.constant 960 : i32
      %dma_wait3A_462 = tpu.memref_slice %arg6[%dma_wait3A_461] : memref<1600xi32, #tpu.memory_space<vmem>> -> memref<80xi32, #tpu.memory_space<vmem>>
      %dma_wait3A_463 = arith.constant 0 : i32
      %dma_wait3A_464 = arith.constant 0 : i32
      %dma_wait3A_465 = tpu.memref_slice %arg3[%dma_wait3A_463, %dma_wait3A_464] : memref<1000000x32xf32, #tpu.memory_space<hbm>> -> memref<1000000x32xf32, #tpu.memory_space<hbm>>
      tpu.wait_indirect_dma semaphore(%arg13 : memref<!tpu.dma_semaphore, #tpu.memory_space<semaphore_mem>>) src(%dma_wait3A_465 : memref<1000000x32xf32, #tpu.memory_space<hbm>>) dst(%dma_wait3A_460 : memref<80x32xf32, #tpu.memory_space<vmem>>)
      %dma_wait3A_466 = arith.constant 1040 : i32
      %dma_wait3A_467 = arith.constant 0 : i32
      %dma_wait3A_468 = tpu.memref_slice %arg8[%dma_wait3A_466, %dma_wait3A_467] : memref<1600x32xf32, #tpu.memory_space<vmem>> -> memref<80x32xf32, #tpu.memory_space<vmem>>
      %dma_wait3A_469 = arith.constant 1040 : i32
      %dma_wait3A_470 = tpu.memref_slice %arg6[%dma_wait3A_469] : memref<1600xi32, #tpu.memory_space<vmem>> -> memref<80xi32, #tpu.memory_space<vmem>>
      %dma_wait3A_471 = arith.constant 0 : i32
      %dma_wait3A_472 = arith.constant 0 : i32
      %dma_wait3A_473 = tpu.memref_slice %arg3[%dma_wait3A_471, %dma_wait3A_472] : memref<1000000x32xf32, #tpu.memory_space<hbm>> -> memref<1000000x32xf32, #tpu.memory_space<hbm>>
      tpu.wait_indirect_dma semaphore(%arg13 : memref<!tpu.dma_semaphore, #tpu.memory_space<semaphore_mem>>) src(%dma_wait3A_473 : memref<1000000x32xf32, #tpu.memory_space<hbm>>) dst(%dma_wait3A_468 : memref<80x32xf32, #tpu.memory_space<vmem>>)
      %dma_wait3A_474 = arith.constant 1120 : i32
      %dma_wait3A_475 = arith.constant 0 : i32
      %dma_wait3A_476 = tpu.memref_slice %arg8[%dma_wait3A_474, %dma_wait3A_475] : memref<1600x32xf32, #tpu.memory_space<vmem>> -> memref<80x32xf32, #tpu.memory_space<vmem>>
      %dma_wait3A_477 = arith.constant 1120 : i32
      %dma_wait3A_478 = tpu.memref_slice %arg6[%dma_wait3A_477] : memref<1600xi32, #tpu.memory_space<vmem>> -> memref<80xi32, #tpu.memory_space<vmem>>
      %dma_wait3A_479 = arith.constant 0 : i32
      %dma_wait3A_480 = arith.constant 0 : i32
      %dma_wait3A_481 = tpu.memref_slice %arg3[%dma_wait3A_479, %dma_wait3A_480] : memref<1000000x32xf32, #tpu.memory_space<hbm>> -> memref<1000000x32xf32, #tpu.memory_space<hbm>>
      tpu.wait_indirect_dma semaphore(%arg13 : memref<!tpu.dma_semaphore, #tpu.memory_space<semaphore_mem>>) src(%dma_wait3A_481 : memref<1000000x32xf32, #tpu.memory_space<hbm>>) dst(%dma_wait3A_476 : memref<80x32xf32, #tpu.memory_space<vmem>>)
      %dma_wait3A_482 = arith.constant 1200 : i32
      %dma_wait3A_483 = arith.constant 0 : i32
      %dma_wait3A_484 = tpu.memref_slice %arg8[%dma_wait3A_482, %dma_wait3A_483] : memref<1600x32xf32, #tpu.memory_space<vmem>> -> memref<80x32xf32, #tpu.memory_space<vmem>>
      %dma_wait3A_485 = arith.constant 1200 : i32
      %dma_wait3A_486 = tpu.memref_slice %arg6[%dma_wait3A_485] : memref<1600xi32, #tpu.memory_space<vmem>> -> memref<80xi32, #tpu.memory_space<vmem>>
      %dma_wait3A_487 = arith.constant 0 : i32
      %dma_wait3A_488 = arith.constant 0 : i32
      %dma_wait3A_489 = tpu.memref_slice %arg3[%dma_wait3A_487, %dma_wait3A_488] : memref<1000000x32xf32, #tpu.memory_space<hbm>> -> memref<1000000x32xf32, #tpu.memory_space<hbm>>
      tpu.wait_indirect_dma semaphore(%arg13 : memref<!tpu.dma_semaphore, #tpu.memory_space<semaphore_mem>>) src(%dma_wait3A_489 : memref<1000000x32xf32, #tpu.memory_space<hbm>>) dst(%dma_wait3A_484 : memref<80x32xf32, #tpu.memory_space<vmem>>)
      %dma_wait3A_490 = arith.constant 1280 : i32
      %dma_wait3A_491 = arith.constant 0 : i32
      %dma_wait3A_492 = tpu.memref_slice %arg8[%dma_wait3A_490, %dma_wait3A_491] : memref<1600x32xf32, #tpu.memory_space<vmem>> -> memref<80x32xf32, #tpu.memory_space<vmem>>
      %dma_wait3A_493 = arith.constant 1280 : i32
      %dma_wait3A_494 = tpu.memref_slice %arg6[%dma_wait3A_493] : memref<1600xi32, #tpu.memory_space<vmem>> -> memref<80xi32, #tpu.memory_space<vmem>>
      %dma_wait3A_495 = arith.constant 0 : i32
      %dma_wait3A_496 = arith.constant 0 : i32
      %dma_wait3A_497 = tpu.memref_slice %arg3[%dma_wait3A_495, %dma_wait3A_496] : memref<1000000x32xf32, #tpu.memory_space<hbm>> -> memref<1000000x32xf32, #tpu.memory_space<hbm>>
      tpu.wait_indirect_dma semaphore(%arg13 : memref<!tpu.dma_semaphore, #tpu.memory_space<semaphore_mem>>) src(%dma_wait3A_497 : memref<1000000x32xf32, #tpu.memory_space<hbm>>) dst(%dma_wait3A_492 : memref<80x32xf32, #tpu.memory_space<vmem>>)
      %dma_wait3A_498 = arith.constant 1360 : i32
      %dma_wait3A_499 = arith.constant 0 : i32
      %dma_wait3A_500 = tpu.memref_slice %arg8[%dma_wait3A_498, %dma_wait3A_499] : memref<1600x32xf32, #tpu.memory_space<vmem>> -> memref<80x32xf32, #tpu.memory_space<vmem>>
      %dma_wait3A_501 = arith.constant 1360 : i32
      %dma_wait3A_502 = tpu.memref_slice %arg6[%dma_wait3A_501] : memref<1600xi32, #tpu.memory_space<vmem>> -> memref<80xi32, #tpu.memory_space<vmem>>
      %dma_wait3A_503 = arith.constant 0 : i32
      %dma_wait3A_504 = arith.constant 0 : i32
      %dma_wait3A_505 = tpu.memref_slice %arg3[%dma_wait3A_503, %dma_wait3A_504] : memref<1000000x32xf32, #tpu.memory_space<hbm>> -> memref<1000000x32xf32, #tpu.memory_space<hbm>>
      tpu.wait_indirect_dma semaphore(%arg13 : memref<!tpu.dma_semaphore, #tpu.memory_space<semaphore_mem>>) src(%dma_wait3A_505 : memref<1000000x32xf32, #tpu.memory_space<hbm>>) dst(%dma_wait3A_500 : memref<80x32xf32, #tpu.memory_space<vmem>>)
      %dma_wait3A_506 = arith.constant 1440 : i32
      %dma_wait3A_507 = arith.constant 0 : i32
      %dma_wait3A_508 = tpu.memref_slice %arg8[%dma_wait3A_506, %dma_wait3A_507] : memref<1600x32xf32, #tpu.memory_space<vmem>> -> memref<80x32xf32, #tpu.memory_space<vmem>>
      %dma_wait3A_509 = arith.constant 1440 : i32
      %dma_wait3A_510 = tpu.memref_slice %arg6[%dma_wait3A_509] : memref<1600xi32, #tpu.memory_space<vmem>> -> memref<80xi32, #tpu.memory_space<vmem>>
      %dma_wait3A_511 = arith.constant 0 : i32
      %dma_wait3A_512 = arith.constant 0 : i32
      %dma_wait3A_513 = tpu.memref_slice %arg3[%dma_wait3A_511, %dma_wait3A_512] : memref<1000000x32xf32, #tpu.memory_space<hbm>> -> memref<1000000x32xf32, #tpu.memory_space<hbm>>
      tpu.wait_indirect_dma semaphore(%arg13 : memref<!tpu.dma_semaphore, #tpu.memory_space<semaphore_mem>>) src(%dma_wait3A_513 : memref<1000000x32xf32, #tpu.memory_space<hbm>>) dst(%dma_wait3A_508 : memref<80x32xf32, #tpu.memory_space<vmem>>)
      %dma_wait3A_514 = arith.constant 1520 : i32
      %dma_wait3A_515 = arith.constant 0 : i32
      %dma_wait3A_516 = tpu.memref_slice %arg8[%dma_wait3A_514, %dma_wait3A_515] : memref<1600x32xf32, #tpu.memory_space<vmem>> -> memref<80x32xf32, #tpu.memory_space<vmem>>
      %dma_wait3A_517 = arith.constant 1520 : i32
      %dma_wait3A_518 = tpu.memref_slice %arg6[%dma_wait3A_517] : memref<1600xi32, #tpu.memory_space<vmem>> -> memref<80xi32, #tpu.memory_space<vmem>>
      %dma_wait3A_519 = arith.constant 0 : i32
      %dma_wait3A_520 = arith.constant 0 : i32
      %dma_wait3A_521 = tpu.memref_slice %arg3[%dma_wait3A_519, %dma_wait3A_520] : memref<1000000x32xf32, #tpu.memory_space<hbm>> -> memref<1000000x32xf32, #tpu.memory_space<hbm>>
      tpu.wait_indirect_dma semaphore(%arg13 : memref<!tpu.dma_semaphore, #tpu.memory_space<semaphore_mem>>) src(%dma_wait3A_521 : memref<1000000x32xf32, #tpu.memory_space<hbm>>) dst(%dma_wait3A_516 : memref<80x32xf32, #tpu.memory_space<vmem>>)
      %scan3A_522 = arith.constant 0 : i32
      %scan3A_523 = arith.constant 0 : i32
      %scan3A_524 = arith.constant 32 : i32
      %scan3A_525 = arith.addi %scan3A_523, %scan3A_524 : i32
      %scan3A_526 = arith.constant 1 : i32
      scf.for %scan3A_531 = %scan3A_523 to %scan3A_525 step %scan3A_526  : i32 {
        %mul3A_532 = arith.constant 50 : i32
        %mul3A_533 = arith.muli %scan3A_531, %mul3A_532 : i32
        %get3A = arith.index_cast %mul3A_533 : i32 to index
        %get3A_534 = arith.constant 0 : index
        %get3A_535 = tpu.vector_load %arg8[%get3A, %get3A_534] {strides = array<i32>} : memref<1600x32xf32, #tpu.memory_space<vmem>>, vector<1x16xf32>,
        %get3A_536 = vector.shape_cast %get3A_535 : vector<1x16xf32> to vector<16xf32>
        %get3A_537 = arith.index_cast %mul3A_533 : i32 to index
        %get3A_538 = arith.constant 16 : index
        %get3A_539 = tpu.vector_load %arg8[%get3A_537, %get3A_538] {strides = array<i32>} : memref<1600x32xf32, #tpu.memory_space<vmem>>, vector<1x16xf32>,
        %get3A_540 = vector.shape_cast %get3A_539 : vector<1x16xf32> to vector<16xf32>
        %add3A_541 = arith.constant 1 : i32
        %add3A_542 = arith.addi %mul3A_533, %add3A_541 : i32
        %get3A_543 = arith.index_cast %add3A_542 : i32 to index
        %get3A_544 = arith.constant 0 : index
        %get3A_545 = tpu.vector_load %arg8[%get3A_543, %get3A_544] {strides = array<i32>} : memref<1600x32xf32, #tpu.memory_space<vmem>>, vector<1x16xf32>,
        %get3A_546 = vector.shape_cast %get3A_545 : vector<1x16xf32> to vector<16xf32>
        %add3A_547 = arith.addf %get3A_536, %get3A_546 : vector<16xf32>
        %add3A_548 = arith.constant 1 : i32
        %add3A_549 = arith.addi %mul3A_533, %add3A_548 : i32
        %get3A_550 = arith.index_cast %add3A_549 : i32 to index
        %get3A_551 = arith.constant 16 : index
        %get3A_552 = tpu.vector_load %arg8[%get3A_550, %get3A_551] {strides = array<i32>} : memref<1600x32xf32, #tpu.memory_space<vmem>>, vector<1x16xf32>,
        %get3A_553 = vector.shape_cast %get3A_552 : vector<1x16xf32> to vector<16xf32>
        %add3A_554 = arith.addf %get3A_540, %get3A_553 : vector<16xf32>
        %add3A_555 = arith.constant 2 : i32
        %add3A_556 = arith.addi %mul3A_533, %add3A_555 : i32
        %get3A_557 = arith.index_cast %add3A_556 : i32 to index
        %get3A_558 = arith.constant 0 : index
        %get3A_559 = tpu.vector_load %arg8[%get3A_557, %get3A_558] {strides = array<i32>} : memref<1600x32xf32, #tpu.memory_space<vmem>>, vector<1x16xf32>,
        %get3A_560 = vector.shape_cast %get3A_559 : vector<1x16xf32> to vector<16xf32>
        %add3A_561 = arith.addf %add3A_547, %get3A_560 : vector<16xf32>
        %add3A_562 = arith.constant 2 : i32
        %add3A_563 = arith.addi %mul3A_533, %add3A_562 : i32
        %get3A_564 = arith.index_cast %add3A_563 : i32 to index
        %get3A_565 = arith.constant 16 : index
        %get3A_566 = tpu.vector_load %arg8[%get3A_564, %get3A_565] {strides = array<i32>} : memref<1600x32xf32, #tpu.memory_space<vmem>>, vector<1x16xf32>,
        %get3A_567 = vector.shape_cast %get3A_566 : vector<1x16xf32> to vector<16xf32>
        %add3A_568 = arith.addf %add3A_554, %get3A_567 : vector<16xf32>
        %add3A_569 = arith.constant 3 : i32
        %add3A_570 = arith.addi %mul3A_533, %add3A_569 : i32
        %get3A_571 = arith.index_cast %add3A_570 : i32 to index
        %get3A_572 = arith.constant 0 : index
        %get3A_573 = tpu.vector_load %arg8[%get3A_571, %get3A_572] {strides = array<i32>} : memref<1600x32xf32, #tpu.memory_space<vmem>>, vector<1x16xf32>,
        %get3A_574 = vector.shape_cast %get3A_573 : vector<1x16xf32> to vector<16xf32>
        %add3A_575 = arith.addf %add3A_561, %get3A_574 : vector<16xf32>
        %add3A_576 = arith.constant 3 : i32
        %add3A_577 = arith.addi %mul3A_533, %add3A_576 : i32
        %get3A_578 = arith.index_cast %add3A_577 : i32 to index
        %get3A_579 = arith.constant 16 : index
        %get3A_580 = tpu.vector_load %arg8[%get3A_578, %get3A_579] {strides = array<i32>} : memref<1600x32xf32, #tpu.memory_space<vmem>>, vector<1x16xf32>,
        %get3A_581 = vector.shape_cast %get3A_580 : vector<1x16xf32> to vector<16xf32>
        %add3A_582 = arith.addf %add3A_568, %get3A_581 : vector<16xf32>
        %add3A_583 = arith.constant 4 : i32
        %add3A_584 = arith.addi %mul3A_533, %add3A_583 : i32
        %get3A_585 = arith.index_cast %add3A_584 : i32 to index
        %get3A_586 = arith.constant 0 : index
        %get3A_587 = tpu.vector_load %arg8[%get3A_585, %get3A_586] {strides = array<i32>} : memref<1600x32xf32, #tpu.memory_space<vmem>>, vector<1x16xf32>,
        %get3A_588 = vector.shape_cast %get3A_587 : vector<1x16xf32> to vector<16xf32>
        %add3A_589 = arith.addf %add3A_575, %get3A_588 : vector<16xf32>
        %add3A_590 = arith.constant 4 : i32
        %add3A_591 = arith.addi %mul3A_533, %add3A_590 : i32
        %get3A_592 = arith.index_cast %add3A_591 : i32 to index
        %get3A_593 = arith.constant 16 : index
        %get3A_594 = tpu.vector_load %arg8[%get3A_592, %get3A_593] {strides = array<i32>} : memref<1600x32xf32, #tpu.memory_space<vmem>>, vector<1x16xf32>,
        %get3A_595 = vector.shape_cast %get3A_594 : vector<1x16xf32> to vector<16xf32>
        %add3A_596 = arith.addf %add3A_582, %get3A_595 : vector<16xf32>
        %add3A_597 = arith.constant 5 : i32
        %add3A_598 = arith.addi %mul3A_533, %add3A_597 : i32
        %get3A_599 = arith.index_cast %add3A_598 : i32 to index
        %get3A_600 = arith.constant 0 : index
        %get3A_601 = tpu.vector_load %arg8[%get3A_599, %get3A_600] {strides = array<i32>} : memref<1600x32xf32, #tpu.memory_space<vmem>>, vector<1x16xf32>,
        %get3A_602 = vector.shape_cast %get3A_601 : vector<1x16xf32> to vector<16xf32>
        %add3A_603 = arith.addf %add3A_589, %get3A_602 : vector<16xf32>
        %add3A_604 = arith.constant 5 : i32
        %add3A_605 = arith.addi %mul3A_533, %add3A_604 : i32
        %get3A_606 = arith.index_cast %add3A_605 : i32 to index
        %get3A_607 = arith.constant 16 : index
        %get3A_608 = tpu.vector_load %arg8[%get3A_606, %get3A_607] {strides = array<i32>} : memref<1600x32xf32, #tpu.memory_space<vmem>>, vector<1x16xf32>,
        %get3A_609 = vector.shape_cast %get3A_608 : vector<1x16xf32> to vector<16xf32>
        %add3A_610 = arith.addf %add3A_596, %get3A_609 : vector<16xf32>
        %add3A_611 = arith.constant 6 : i32
        %add3A_612 = arith.addi %mul3A_533, %add3A_611 : i32
        %get3A_613 = arith.index_cast %add3A_612 : i32 to index
        %get3A_614 = arith.constant 0 : index
        %get3A_615 = tpu.vector_load %arg8[%get3A_613, %get3A_614] {strides = array<i32>} : memref<1600x32xf32, #tpu.memory_space<vmem>>, vector<1x16xf32>,
        %get3A_616 = vector.shape_cast %get3A_615 : vector<1x16xf32> to vector<16xf32>
        %add3A_617 = arith.addf %add3A_603, %get3A_616 : vector<16xf32>
        %add3A_618 = arith.constant 6 : i32
        %add3A_619 = arith.addi %mul3A_533, %add3A_618 : i32
        %get3A_620 = arith.index_cast %add3A_619 : i32 to index
        %get3A_621 = arith.constant 16 : index
        %get3A_622 = tpu.vector_load %arg8[%get3A_620, %get3A_621] {strides = array<i32>} : memref<1600x32xf32, #tpu.memory_space<vmem>>, vector<1x16xf32>,
        %get3A_623 = vector.shape_cast %get3A_622 : vector<1x16xf32> to vector<16xf32>
        %add3A_624 = arith.addf %add3A_610, %get3A_623 : vector<16xf32>
        %add3A_625 = arith.constant 7 : i32
        %add3A_626 = arith.addi %mul3A_533, %add3A_625 : i32
        %get3A_627 = arith.index_cast %add3A_626 : i32 to index
        %get3A_628 = arith.constant 0 : index
        %get3A_629 = tpu.vector_load %arg8[%get3A_627, %get3A_628] {strides = array<i32>} : memref<1600x32xf32, #tpu.memory_space<vmem>>, vector<1x16xf32>,
        %get3A_630 = vector.shape_cast %get3A_629 : vector<1x16xf32> to vector<16xf32>
        %add3A_631 = arith.addf %add3A_617, %get3A_630 : vector<16xf32>
        %add3A_632 = arith.constant 7 : i32
        %add3A_633 = arith.addi %mul3A_533, %add3A_632 : i32
        %get3A_634 = arith.index_cast %add3A_633 : i32 to index
        %get3A_635 = arith.constant 16 : index
        %get3A_636 = tpu.vector_load %arg8[%get3A_634, %get3A_635] {strides = array<i32>} : memref<1600x32xf32, #tpu.memory_space<vmem>>, vector<1x16xf32>,
        %get3A_637 = vector.shape_cast %get3A_636 : vector<1x16xf32> to vector<16xf32>
        %add3A_638 = arith.addf %add3A_624, %get3A_637 : vector<16xf32>
        %add3A_639 = arith.constant 8 : i32
        %add3A_640 = arith.addi %mul3A_533, %add3A_639 : i32
        %get3A_641 = arith.index_cast %add3A_640 : i32 to index
        %get3A_642 = arith.constant 0 : index
        %get3A_643 = tpu.vector_load %arg8[%get3A_641, %get3A_642] {strides = array<i32>} : memref<1600x32xf32, #tpu.memory_space<vmem>>, vector<1x16xf32>,
        %get3A_644 = vector.shape_cast %get3A_643 : vector<1x16xf32> to vector<16xf32>
        %add3A_645 = arith.addf %add3A_631, %get3A_644 : vector<16xf32>
        %add3A_646 = arith.constant 8 : i32
        %add3A_647 = arith.addi %mul3A_533, %add3A_646 : i32
        %get3A_648 = arith.index_cast %add3A_647 : i32 to index
        %get3A_649 = arith.constant 16 : index
        %get3A_650 = tpu.vector_load %arg8[%get3A_648, %get3A_649] {strides = array<i32>} : memref<1600x32xf32, #tpu.memory_space<vmem>>, vector<1x16xf32>,
        %get3A_651 = vector.shape_cast %get3A_650 : vector<1x16xf32> to vector<16xf32>
        %add3A_652 = arith.addf %add3A_638, %get3A_651 : vector<16xf32>
        %add3A_653 = arith.constant 9 : i32
        %add3A_654 = arith.addi %mul3A_533, %add3A_653 : i32
        %get3A_655 = arith.index_cast %add3A_654 : i32 to index
        %get3A_656 = arith.constant 0 : index
        %get3A_657 = tpu.vector_load %arg8[%get3A_655, %get3A_656] {strides = array<i32>} : memref<1600x32xf32, #tpu.memory_space<vmem>>, vector<1x16xf32>,
        %get3A_658 = vector.shape_cast %get3A_657 : vector<1x16xf32> to vector<16xf32>
        %add3A_659 = arith.addf %add3A_645, %get3A_658 : vector<16xf32>
        %add3A_660 = arith.constant 9 : i32
        %add3A_661 = arith.addi %mul3A_533, %add3A_660 : i32
        %get3A_662 = arith.index_cast %add3A_661 : i32 to index
        %get3A_663 = arith.constant 16 : index
        %get3A_664 = tpu.vector_load %arg8[%get3A_662, %get3A_663] {strides = array<i32>} : memref<1600x32xf32, #tpu.memory_space<vmem>>, vector<1x16xf32>,
        %get3A_665 = vector.shape_cast %get3A_664 : vector<1x16xf32> to vector<16xf32>
        %add3A_666 = arith.addf %add3A_652, %get3A_665 : vector<16xf32>
        %add3A_667 = arith.constant 10 : i32
        %add3A_668 = arith.addi %mul3A_533, %add3A_667 : i32
        %get3A_669 = arith.index_cast %add3A_668 : i32 to index
        %get3A_670 = arith.constant 0 : index
        %get3A_671 = tpu.vector_load %arg8[%get3A_669, %get3A_670] {strides = array<i32>} : memref<1600x32xf32, #tpu.memory_space<vmem>>, vector<1x16xf32>,
        %get3A_672 = vector.shape_cast %get3A_671 : vector<1x16xf32> to vector<16xf32>
        %add3A_673 = arith.addf %add3A_659, %get3A_672 : vector<16xf32>
        %add3A_674 = arith.constant 10 : i32
        %add3A_675 = arith.addi %mul3A_533, %add3A_674 : i32
        %get3A_676 = arith.index_cast %add3A_675 : i32 to index
        %get3A_677 = arith.constant 16 : index
        %get3A_678 = tpu.vector_load %arg8[%get3A_676, %get3A_677] {strides = array<i32>} : memref<1600x32xf32, #tpu.memory_space<vmem>>, vector<1x16xf32>,
        %get3A_679 = vector.shape_cast %get3A_678 : vector<1x16xf32> to vector<16xf32>
        %add3A_680 = arith.addf %add3A_666, %get3A_679 : vector<16xf32>
        %add3A_681 = arith.constant 11 : i32
        %add3A_682 = arith.addi %mul3A_533, %add3A_681 : i32
        %get3A_683 = arith.index_cast %add3A_682 : i32 to index
        %get3A_684 = arith.constant 0 : index
        %get3A_685 = tpu.vector_load %arg8[%get3A_683, %get3A_684] {strides = array<i32>} : memref<1600x32xf32, #tpu.memory_space<vmem>>, vector<1x16xf32>,
        %get3A_686 = vector.shape_cast %get3A_685 : vector<1x16xf32> to vector<16xf32>
        %add3A_687 = arith.addf %add3A_673, %get3A_686 : vector<16xf32>
        %add3A_688 = arith.constant 11 : i32
        %add3A_689 = arith.addi %mul3A_533, %add3A_688 : i32
        %get3A_690 = arith.index_cast %add3A_689 : i32 to index
        %get3A_691 = arith.constant 16 : index
        %get3A_692 = tpu.vector_load %arg8[%get3A_690, %get3A_691] {strides = array<i32>} : memref<1600x32xf32, #tpu.memory_space<vmem>>, vector<1x16xf32>,
        %get3A_693 = vector.shape_cast %get3A_692 : vector<1x16xf32> to vector<16xf32>
        %add3A_694 = arith.addf %add3A_680, %get3A_693 : vector<16xf32>
        %add3A_695 = arith.constant 12 : i32
        %add3A_696 = arith.addi %mul3A_533, %add3A_695 : i32
        %get3A_697 = arith.index_cast %add3A_696 : i32 to index
        %get3A_698 = arith.constant 0 : index
        %get3A_699 = tpu.vector_load %arg8[%get3A_697, %get3A_698] {strides = array<i32>} : memref<1600x32xf32, #tpu.memory_space<vmem>>, vector<1x16xf32>,
        %get3A_700 = vector.shape_cast %get3A_699 : vector<1x16xf32> to vector<16xf32>
        %add3A_701 = arith.addf %add3A_687, %get3A_700 : vector<16xf32>
        %add3A_702 = arith.constant 12 : i32
        %add3A_703 = arith.addi %mul3A_533, %add3A_702 : i32
        %get3A_704 = arith.index_cast %add3A_703 : i32 to index
        %get3A_705 = arith.constant 16 : index
        %get3A_706 = tpu.vector_load %arg8[%get3A_704, %get3A_705] {strides = array<i32>} : memref<1600x32xf32, #tpu.memory_space<vmem>>, vector<1x16xf32>,
        %get3A_707 = vector.shape_cast %get3A_706 : vector<1x16xf32> to vector<16xf32>
        %add3A_708 = arith.addf %add3A_694, %get3A_707 : vector<16xf32>
        %add3A_709 = arith.constant 13 : i32
        %add3A_710 = arith.addi %mul3A_533, %add3A_709 : i32
        %get3A_711 = arith.index_cast %add3A_710 : i32 to index
        %get3A_712 = arith.constant 0 : index
        %get3A_713 = tpu.vector_load %arg8[%get3A_711, %get3A_712] {strides = array<i32>} : memref<1600x32xf32, #tpu.memory_space<vmem>>, vector<1x16xf32>,
        %get3A_714 = vector.shape_cast %get3A_713 : vector<1x16xf32> to vector<16xf32>
        %add3A_715 = arith.addf %add3A_701, %get3A_714 : vector<16xf32>
        %add3A_716 = arith.constant 13 : i32
        %add3A_717 = arith.addi %mul3A_533, %add3A_716 : i32
        %get3A_718 = arith.index_cast %add3A_717 : i32 to index
        %get3A_719 = arith.constant 16 : index
        %get3A_720 = tpu.vector_load %arg8[%get3A_718, %get3A_719] {strides = array<i32>} : memref<1600x32xf32, #tpu.memory_space<vmem>>, vector<1x16xf32>,
        %get3A_721 = vector.shape_cast %get3A_720 : vector<1x16xf32> to vector<16xf32>
        %add3A_722 = arith.addf %add3A_708, %get3A_721 : vector<16xf32>
        %add3A_723 = arith.constant 14 : i32
        %add3A_724 = arith.addi %mul3A_533, %add3A_723 : i32
        %get3A_725 = arith.index_cast %add3A_724 : i32 to index
        %get3A_726 = arith.constant 0 : index
        %get3A_727 = tpu.vector_load %arg8[%get3A_725, %get3A_726] {strides = array<i32>} : memref<1600x32xf32, #tpu.memory_space<vmem>>, vector<1x16xf32>,
        %get3A_728 = vector.shape_cast %get3A_727 : vector<1x16xf32> to vector<16xf32>
        %add3A_729 = arith.addf %add3A_715, %get3A_728 : vector<16xf32>
        %add3A_730 = arith.constant 14 : i32
        %add3A_731 = arith.addi %mul3A_533, %add3A_730 : i32
        %get3A_732 = arith.index_cast %add3A_731 : i32 to index
        %get3A_733 = arith.constant 16 : index
        %get3A_734 = tpu.vector_load %arg8[%get3A_732, %get3A_733] {strides = array<i32>} : memref<1600x32xf32, #tpu.memory_space<vmem>>, vector<1x16xf32>,
        %get3A_735 = vector.shape_cast %get3A_734 : vector<1x16xf32> to vector<16xf32>
        %add3A_736 = arith.addf %add3A_722, %get3A_735 : vector<16xf32>
        %add3A_737 = arith.constant 15 : i32
        %add3A_738 = arith.addi %mul3A_533, %add3A_737 : i32
        %get3A_739 = arith.index_cast %add3A_738 : i32 to index
        %get3A_740 = arith.constant 0 : index
        %get3A_741 = tpu.vector_load %arg8[%get3A_739, %get3A_740] {strides = array<i32>} : memref<1600x32xf32, #tpu.memory_space<vmem>>, vector<1x16xf32>,
        %get3A_742 = vector.shape_cast %get3A_741 : vector<1x16xf32> to vector<16xf32>
        %add3A_743 = arith.addf %add3A_729, %get3A_742 : vector<16xf32>
        %add3A_744 = arith.constant 15 : i32
        %add3A_745 = arith.addi %mul3A_533, %add3A_744 : i32
        %get3A_746 = arith.index_cast %add3A_745 : i32 to index
        %get3A_747 = arith.constant 16 : index
        %get3A_748 = tpu.vector_load %arg8[%get3A_746, %get3A_747] {strides = array<i32>} : memref<1600x32xf32, #tpu.memory_space<vmem>>, vector<1x16xf32>,
        %get3A_749 = vector.shape_cast %get3A_748 : vector<1x16xf32> to vector<16xf32>
        %add3A_750 = arith.addf %add3A_736, %get3A_749 : vector<16xf32>
        %add3A_751 = arith.constant 16 : i32
        %add3A_752 = arith.addi %mul3A_533, %add3A_751 : i32
        %get3A_753 = arith.index_cast %add3A_752 : i32 to index
        %get3A_754 = arith.constant 0 : index
        %get3A_755 = tpu.vector_load %arg8[%get3A_753, %get3A_754] {strides = array<i32>} : memref<1600x32xf32, #tpu.memory_space<vmem>>, vector<1x16xf32>,
        %get3A_756 = vector.shape_cast %get3A_755 : vector<1x16xf32> to vector<16xf32>
        %add3A_757 = arith.addf %add3A_743, %get3A_756 : vector<16xf32>
        %add3A_758 = arith.constant 16 : i32
        %add3A_759 = arith.addi %mul3A_533, %add3A_758 : i32
        %get3A_760 = arith.index_cast %add3A_759 : i32 to index
        %get3A_761 = arith.constant 16 : index
        %get3A_762 = tpu.vector_load %arg8[%get3A_760, %get3A_761] {strides = array<i32>} : memref<1600x32xf32, #tpu.memory_space<vmem>>, vector<1x16xf32>,
        %get3A_763 = vector.shape_cast %get3A_762 : vector<1x16xf32> to vector<16xf32>
        %add3A_764 = arith.addf %add3A_750, %get3A_763 : vector<16xf32>
        %add3A_765 = arith.constant 17 : i32
        %add3A_766 = arith.addi %mul3A_533, %add3A_765 : i32
        %get3A_767 = arith.index_cast %add3A_766 : i32 to index
        %get3A_768 = arith.constant 0 : index
        %get3A_769 = tpu.vector_load %arg8[%get3A_767, %get3A_768] {strides = array<i32>} : memref<1600x32xf32, #tpu.memory_space<vmem>>, vector<1x16xf32>,
        %get3A_770 = vector.shape_cast %get3A_769 : vector<1x16xf32> to vector<16xf32>
        %add3A_771 = arith.addf %add3A_757, %get3A_770 : vector<16xf32>
        %add3A_772 = arith.constant 17 : i32
        %add3A_773 = arith.addi %mul3A_533, %add3A_772 : i32
        %get3A_774 = arith.index_cast %add3A_773 : i32 to index
        %get3A_775 = arith.constant 16 : index
        %get3A_776 = tpu.vector_load %arg8[%get3A_774, %get3A_775] {strides = array<i32>} : memref<1600x32xf32, #tpu.memory_space<vmem>>, vector<1x16xf32>,
        %get3A_777 = vector.shape_cast %get3A_776 : vector<1x16xf32> to vector<16xf32>
        %add3A_778 = arith.addf %add3A_764, %get3A_777 : vector<16xf32>
        %add3A_779 = arith.constant 18 : i32
        %add3A_780 = arith.addi %mul3A_533, %add3A_779 : i32
        %get3A_781 = arith.index_cast %add3A_780 : i32 to index
        %get3A_782 = arith.constant 0 : index
        %get3A_783 = tpu.vector_load %arg8[%get3A_781, %get3A_782] {strides = array<i32>} : memref<1600x32xf32, #tpu.memory_space<vmem>>, vector<1x16xf32>,
        %get3A_784 = vector.shape_cast %get3A_783 : vector<1x16xf32> to vector<16xf32>
        %add3A_785 = arith.addf %add3A_771, %get3A_784 : vector<16xf32>
        %add3A_786 = arith.constant 18 : i32
        %add3A_787 = arith.addi %mul3A_533, %add3A_786 : i32
        %get3A_788 = arith.index_cast %add3A_787 : i32 to index
        %get3A_789 = arith.constant 16 : index
        %get3A_790 = tpu.vector_load %arg8[%get3A_788, %get3A_789] {strides = array<i32>} : memref<1600x32xf32, #tpu.memory_space<vmem>>, vector<1x16xf32>,
        %get3A_791 = vector.shape_cast %get3A_790 : vector<1x16xf32> to vector<16xf32>
        %add3A_792 = arith.addf %add3A_778, %get3A_791 : vector<16xf32>
        %add3A_793 = arith.constant 19 : i32
        %add3A_794 = arith.addi %mul3A_533, %add3A_793 : i32
        %get3A_795 = arith.index_cast %add3A_794 : i32 to index
        %get3A_796 = arith.constant 0 : index
        %get3A_797 = tpu.vector_load %arg8[%get3A_795, %get3A_796] {strides = array<i32>} : memref<1600x32xf32, #tpu.memory_space<vmem>>, vector<1x16xf32>,
        %get3A_798 = vector.shape_cast %get3A_797 : vector<1x16xf32> to vector<16xf32>
        %add3A_799 = arith.addf %add3A_785, %get3A_798 : vector<16xf32>
        %add3A_800 = arith.constant 19 : i32
        %add3A_801 = arith.addi %mul3A_533, %add3A_800 : i32
        %get3A_802 = arith.index_cast %add3A_801 : i32 to index
        %get3A_803 = arith.constant 16 : index
        %get3A_804 = tpu.vector_load %arg8[%get3A_802, %get3A_803] {strides = array<i32>} : memref<1600x32xf32, #tpu.memory_space<vmem>>, vector<1x16xf32>,
        %get3A_805 = vector.shape_cast %get3A_804 : vector<1x16xf32> to vector<16xf32>
        %add3A_806 = arith.addf %add3A_792, %get3A_805 : vector<16xf32>
        %add3A_807 = arith.constant 20 : i32
        %add3A_808 = arith.addi %mul3A_533, %add3A_807 : i32
        %get3A_809 = arith.index_cast %add3A_808 : i32 to index
        %get3A_810 = arith.constant 0 : index
        %get3A_811 = tpu.vector_load %arg8[%get3A_809, %get3A_810] {strides = array<i32>} : memref<1600x32xf32, #tpu.memory_space<vmem>>, vector<1x16xf32>,
        %get3A_812 = vector.shape_cast %get3A_811 : vector<1x16xf32> to vector<16xf32>
        %add3A_813 = arith.addf %add3A_799, %get3A_812 : vector<16xf32>
        %add3A_814 = arith.constant 20 : i32
        %add3A_815 = arith.addi %mul3A_533, %add3A_814 : i32
        %get3A_816 = arith.index_cast %add3A_815 : i32 to index
        %get3A_817 = arith.constant 16 : index
        %get3A_818 = tpu.vector_load %arg8[%get3A_816, %get3A_817] {strides = array<i32>} : memref<1600x32xf32, #tpu.memory_space<vmem>>, vector<1x16xf32>,
        %get3A_819 = vector.shape_cast %get3A_818 : vector<1x16xf32> to vector<16xf32>
        %add3A_820 = arith.addf %add3A_806, %get3A_819 : vector<16xf32>
        %add3A_821 = arith.constant 21 : i32
        %add3A_822 = arith.addi %mul3A_533, %add3A_821 : i32
        %get3A_823 = arith.index_cast %add3A_822 : i32 to index
        %get3A_824 = arith.constant 0 : index
        %get3A_825 = tpu.vector_load %arg8[%get3A_823, %get3A_824] {strides = array<i32>} : memref<1600x32xf32, #tpu.memory_space<vmem>>, vector<1x16xf32>,
        %get3A_826 = vector.shape_cast %get3A_825 : vector<1x16xf32> to vector<16xf32>
        %add3A_827 = arith.addf %add3A_813, %get3A_826 : vector<16xf32>
        %add3A_828 = arith.constant 21 : i32
        %add3A_829 = arith.addi %mul3A_533, %add3A_828 : i32
        %get3A_830 = arith.index_cast %add3A_829 : i32 to index
        %get3A_831 = arith.constant 16 : index
        %get3A_832 = tpu.vector_load %arg8[%get3A_830, %get3A_831] {strides = array<i32>} : memref<1600x32xf32, #tpu.memory_space<vmem>>, vector<1x16xf32>,
        %get3A_833 = vector.shape_cast %get3A_832 : vector<1x16xf32> to vector<16xf32>
        %add3A_834 = arith.addf %add3A_820, %get3A_833 : vector<16xf32>
        %add3A_835 = arith.constant 22 : i32
        %add3A_836 = arith.addi %mul3A_533, %add3A_835 : i32
        %get3A_837 = arith.index_cast %add3A_836 : i32 to index
        %get3A_838 = arith.constant 0 : index
        %get3A_839 = tpu.vector_load %arg8[%get3A_837, %get3A_838] {strides = array<i32>} : memref<1600x32xf32, #tpu.memory_space<vmem>>, vector<1x16xf32>,
        %get3A_840 = vector.shape_cast %get3A_839 : vector<1x16xf32> to vector<16xf32>
        %add3A_841 = arith.addf %add3A_827, %get3A_840 : vector<16xf32>
        %add3A_842 = arith.constant 22 : i32
        %add3A_843 = arith.addi %mul3A_533, %add3A_842 : i32
        %get3A_844 = arith.index_cast %add3A_843 : i32 to index
        %get3A_845 = arith.constant 16 : index
        %get3A_846 = tpu.vector_load %arg8[%get3A_844, %get3A_845] {strides = array<i32>} : memref<1600x32xf32, #tpu.memory_space<vmem>>, vector<1x16xf32>,
        %get3A_847 = vector.shape_cast %get3A_846 : vector<1x16xf32> to vector<16xf32>
        %add3A_848 = arith.addf %add3A_834, %get3A_847 : vector<16xf32>
        %add3A_849 = arith.constant 23 : i32
        %add3A_850 = arith.addi %mul3A_533, %add3A_849 : i32
        %get3A_851 = arith.index_cast %add3A_850 : i32 to index
        %get3A_852 = arith.constant 0 : index
        %get3A_853 = tpu.vector_load %arg8[%get3A_851, %get3A_852] {strides = array<i32>} : memref<1600x32xf32, #tpu.memory_space<vmem>>, vector<1x16xf32>,
        %get3A_854 = vector.shape_cast %get3A_853 : vector<1x16xf32> to vector<16xf32>
        %add3A_855 = arith.addf %add3A_841, %get3A_854 : vector<16xf32>
        %add3A_856 = arith.constant 23 : i32
        %add3A_857 = arith.addi %mul3A_533, %add3A_856 : i32
        %get3A_858 = arith.index_cast %add3A_857 : i32 to index
        %get3A_859 = arith.constant 16 : index
        %get3A_860 = tpu.vector_load %arg8[%get3A_858, %get3A_859] {strides = array<i32>} : memref<1600x32xf32, #tpu.memory_space<vmem>>, vector<1x16xf32>,
        %get3A_861 = vector.shape_cast %get3A_860 : vector<1x16xf32> to vector<16xf32>
        %add3A_862 = arith.addf %add3A_848, %get3A_861 : vector<16xf32>
        %add3A_863 = arith.constant 24 : i32
        %add3A_864 = arith.addi %mul3A_533, %add3A_863 : i32
        %get3A_865 = arith.index_cast %add3A_864 : i32 to index
        %get3A_866 = arith.constant 0 : index
        %get3A_867 = tpu.vector_load %arg8[%get3A_865, %get3A_866] {strides = array<i32>} : memref<1600x32xf32, #tpu.memory_space<vmem>>, vector<1x16xf32>,
        %get3A_868 = vector.shape_cast %get3A_867 : vector<1x16xf32> to vector<16xf32>
        %add3A_869 = arith.addf %add3A_855, %get3A_868 : vector<16xf32>
        %add3A_870 = arith.constant 24 : i32
        %add3A_871 = arith.addi %mul3A_533, %add3A_870 : i32
        %get3A_872 = arith.index_cast %add3A_871 : i32 to index
        %get3A_873 = arith.constant 16 : index
        %get3A_874 = tpu.vector_load %arg8[%get3A_872, %get3A_873] {strides = array<i32>} : memref<1600x32xf32, #tpu.memory_space<vmem>>, vector<1x16xf32>,
        %get3A_875 = vector.shape_cast %get3A_874 : vector<1x16xf32> to vector<16xf32>
        %add3A_876 = arith.addf %add3A_862, %get3A_875 : vector<16xf32>
        %add3A_877 = arith.constant 25 : i32
        %add3A_878 = arith.addi %mul3A_533, %add3A_877 : i32
        %get3A_879 = arith.index_cast %add3A_878 : i32 to index
        %get3A_880 = arith.constant 0 : index
        %get3A_881 = tpu.vector_load %arg8[%get3A_879, %get3A_880] {strides = array<i32>} : memref<1600x32xf32, #tpu.memory_space<vmem>>, vector<1x16xf32>,
        %get3A_882 = vector.shape_cast %get3A_881 : vector<1x16xf32> to vector<16xf32>
        %add3A_883 = arith.addf %add3A_869, %get3A_882 : vector<16xf32>
        %add3A_884 = arith.constant 25 : i32
        %add3A_885 = arith.addi %mul3A_533, %add3A_884 : i32
        %get3A_886 = arith.index_cast %add3A_885 : i32 to index
        %get3A_887 = arith.constant 16 : index
        %get3A_888 = tpu.vector_load %arg8[%get3A_886, %get3A_887] {strides = array<i32>} : memref<1600x32xf32, #tpu.memory_space<vmem>>, vector<1x16xf32>,
        %get3A_889 = vector.shape_cast %get3A_888 : vector<1x16xf32> to vector<16xf32>
        %add3A_890 = arith.addf %add3A_876, %get3A_889 : vector<16xf32>
        %add3A_891 = arith.constant 26 : i32
        %add3A_892 = arith.addi %mul3A_533, %add3A_891 : i32
        %get3A_893 = arith.index_cast %add3A_892 : i32 to index
        %get3A_894 = arith.constant 0 : index
        %get3A_895 = tpu.vector_load %arg8[%get3A_893, %get3A_894] {strides = array<i32>} : memref<1600x32xf32, #tpu.memory_space<vmem>>, vector<1x16xf32>,
        %get3A_896 = vector.shape_cast %get3A_895 : vector<1x16xf32> to vector<16xf32>
        %add3A_897 = arith.addf %add3A_883, %get3A_896 : vector<16xf32>
        %add3A_898 = arith.constant 26 : i32
        %add3A_899 = arith.addi %mul3A_533, %add3A_898 : i32
        %get3A_900 = arith.index_cast %add3A_899 : i32 to index
        %get3A_901 = arith.constant 16 : index
        %get3A_902 = tpu.vector_load %arg8[%get3A_900, %get3A_901] {strides = array<i32>} : memref<1600x32xf32, #tpu.memory_space<vmem>>, vector<1x16xf32>,
        %get3A_903 = vector.shape_cast %get3A_902 : vector<1x16xf32> to vector<16xf32>
        %add3A_904 = arith.addf %add3A_890, %get3A_903 : vector<16xf32>
        %add3A_905 = arith.constant 27 : i32
        %add3A_906 = arith.addi %mul3A_533, %add3A_905 : i32
        %get3A_907 = arith.index_cast %add3A_906 : i32 to index
        %get3A_908 = arith.constant 0 : index
        %get3A_909 = tpu.vector_load %arg8[%get3A_907, %get3A_908] {strides = array<i32>} : memref<1600x32xf32, #tpu.memory_space<vmem>>, vector<1x16xf32>,
        %get3A_910 = vector.shape_cast %get3A_909 : vector<1x16xf32> to vector<16xf32>
        %add3A_911 = arith.addf %add3A_897, %get3A_910 : vector<16xf32>
        %add3A_912 = arith.constant 27 : i32
        %add3A_913 = arith.addi %mul3A_533, %add3A_912 : i32
        %get3A_914 = arith.index_cast %add3A_913 : i32 to index
        %get3A_915 = arith.constant 16 : index
        %get3A_916 = tpu.vector_load %arg8[%get3A_914, %get3A_915] {strides = array<i32>} : memref<1600x32xf32, #tpu.memory_space<vmem>>, vector<1x16xf32>,
        %get3A_917 = vector.shape_cast %get3A_916 : vector<1x16xf32> to vector<16xf32>
        %add3A_918 = arith.addf %add3A_904, %get3A_917 : vector<16xf32>
        %add3A_919 = arith.constant 28 : i32
        %add3A_920 = arith.addi %mul3A_533, %add3A_919 : i32
        %get3A_921 = arith.index_cast %add3A_920 : i32 to index
        %get3A_922 = arith.constant 0 : index
        %get3A_923 = tpu.vector_load %arg8[%get3A_921, %get3A_922] {strides = array<i32>} : memref<1600x32xf32, #tpu.memory_space<vmem>>, vector<1x16xf32>,
        %get3A_924 = vector.shape_cast %get3A_923 : vector<1x16xf32> to vector<16xf32>
        %add3A_925 = arith.addf %add3A_911, %get3A_924 : vector<16xf32>
        %add3A_926 = arith.constant 28 : i32
        %add3A_927 = arith.addi %mul3A_533, %add3A_926 : i32
        %get3A_928 = arith.index_cast %add3A_927 : i32 to index
        %get3A_929 = arith.constant 16 : index
        %get3A_930 = tpu.vector_load %arg8[%get3A_928, %get3A_929] {strides = array<i32>} : memref<1600x32xf32, #tpu.memory_space<vmem>>, vector<1x16xf32>,
        %get3A_931 = vector.shape_cast %get3A_930 : vector<1x16xf32> to vector<16xf32>
        %add3A_932 = arith.addf %add3A_918, %get3A_931 : vector<16xf32>
        %add3A_933 = arith.constant 29 : i32
        %add3A_934 = arith.addi %mul3A_533, %add3A_933 : i32
        %get3A_935 = arith.index_cast %add3A_934 : i32 to index
        %get3A_936 = arith.constant 0 : index
        %get3A_937 = tpu.vector_load %arg8[%get3A_935, %get3A_936] {strides = array<i32>} : memref<1600x32xf32, #tpu.memory_space<vmem>>, vector<1x16xf32>,
        %get3A_938 = vector.shape_cast %get3A_937 : vector<1x16xf32> to vector<16xf32>
        %add3A_939 = arith.addf %add3A_925, %get3A_938 : vector<16xf32>
        %add3A_940 = arith.constant 29 : i32
        %add3A_941 = arith.addi %mul3A_533, %add3A_940 : i32
        %get3A_942 = arith.index_cast %add3A_941 : i32 to index
        %get3A_943 = arith.constant 16 : index
        %get3A_944 = tpu.vector_load %arg8[%get3A_942, %get3A_943] {strides = array<i32>} : memref<1600x32xf32, #tpu.memory_space<vmem>>, vector<1x16xf32>,
        %get3A_945 = vector.shape_cast %get3A_944 : vector<1x16xf32> to vector<16xf32>
        %add3A_946 = arith.addf %add3A_932, %get3A_945 : vector<16xf32>
        %add3A_947 = arith.constant 30 : i32
        %add3A_948 = arith.addi %mul3A_533, %add3A_947 : i32
        %get3A_949 = arith.index_cast %add3A_948 : i32 to index
        %get3A_950 = arith.constant 0 : index
        %get3A_951 = tpu.vector_load %arg8[%get3A_949, %get3A_950] {strides = array<i32>} : memref<1600x32xf32, #tpu.memory_space<vmem>>, vector<1x16xf32>,
        %get3A_952 = vector.shape_cast %get3A_951 : vector<1x16xf32> to vector<16xf32>
        %add3A_953 = arith.addf %add3A_939, %get3A_952 : vector<16xf32>
        %add3A_954 = arith.constant 30 : i32
        %add3A_955 = arith.addi %mul3A_533, %add3A_954 : i32
        %get3A_956 = arith.index_cast %add3A_955 : i32 to index
        %get3A_957 = arith.constant 16 : index
        %get3A_958 = tpu.vector_load %arg8[%get3A_956, %get3A_957] {strides = array<i32>} : memref<1600x32xf32, #tpu.memory_space<vmem>>, vector<1x16xf32>,
        %get3A_959 = vector.shape_cast %get3A_958 : vector<1x16xf32> to vector<16xf32>
        %add3A_960 = arith.addf %add3A_946, %get3A_959 : vector<16xf32>
        %add3A_961 = arith.constant 31 : i32
        %add3A_962 = arith.addi %mul3A_533, %add3A_961 : i32
        %get3A_963 = arith.index_cast %add3A_962 : i32 to index
        %get3A_964 = arith.constant 0 : index
        %get3A_965 = tpu.vector_load %arg8[%get3A_963, %get3A_964] {strides = array<i32>} : memref<1600x32xf32, #tpu.memory_space<vmem>>, vector<1x16xf32>,
        %get3A_966 = vector.shape_cast %get3A_965 : vector<1x16xf32> to vector<16xf32>
        %add3A_967 = arith.addf %add3A_953, %get3A_966 : vector<16xf32>
        %add3A_968 = arith.constant 31 : i32
        %add3A_969 = arith.addi %mul3A_533, %add3A_968 : i32
        %get3A_970 = arith.index_cast %add3A_969 : i32 to index
        %get3A_971 = arith.constant 16 : index
        %get3A_972 = tpu.vector_load %arg8[%get3A_970, %get3A_971] {strides = array<i32>} : memref<1600x32xf32, #tpu.memory_space<vmem>>, vector<1x16xf32>,
        %get3A_973 = vector.shape_cast %get3A_972 : vector<1x16xf32> to vector<16xf32>
        %add3A_974 = arith.addf %add3A_960, %get3A_973 : vector<16xf32>
        %add3A_975 = arith.constant 32 : i32
        %add3A_976 = arith.addi %mul3A_533, %add3A_975 : i32
        %get3A_977 = arith.index_cast %add3A_976 : i32 to index
        %get3A_978 = arith.constant 0 : index
        %get3A_979 = tpu.vector_load %arg8[%get3A_977, %get3A_978] {strides = array<i32>} : memref<1600x32xf32, #tpu.memory_space<vmem>>, vector<1x16xf32>,
        %get3A_980 = vector.shape_cast %get3A_979 : vector<1x16xf32> to vector<16xf32>
        %add3A_981 = arith.addf %add3A_967, %get3A_980 : vector<16xf32>
        %add3A_982 = arith.constant 32 : i32
        %add3A_983 = arith.addi %mul3A_533, %add3A_982 : i32
        %get3A_984 = arith.index_cast %add3A_983 : i32 to index
        %get3A_985 = arith.constant 16 : index
        %get3A_986 = tpu.vector_load %arg8[%get3A_984, %get3A_985] {strides = array<i32>} : memref<1600x32xf32, #tpu.memory_space<vmem>>, vector<1x16xf32>,
        %get3A_987 = vector.shape_cast %get3A_986 : vector<1x16xf32> to vector<16xf32>
        %add3A_988 = arith.addf %add3A_974, %get3A_987 : vector<16xf32>
        %add3A_989 = arith.constant 33 : i32
        %add3A_990 = arith.addi %mul3A_533, %add3A_989 : i32
        %get3A_991 = arith.index_cast %add3A_990 : i32 to index
        %get3A_992 = arith.constant 0 : index
        %get3A_993 = tpu.vector_load %arg8[%get3A_991, %get3A_992] {strides = array<i32>} : memref<1600x32xf32, #tpu.memory_space<vmem>>, vector<1x16xf32>,
        %get3A_994 = vector.shape_cast %get3A_993 : vector<1x16xf32> to vector<16xf32>
        %add3A_995 = arith.addf %add3A_981, %get3A_994 : vector<16xf32>
        %add3A_996 = arith.constant 33 : i32
        %add3A_997 = arith.addi %mul3A_533, %add3A_996 : i32
        %get3A_998 = arith.index_cast %add3A_997 : i32 to index
        %get3A_999 = arith.constant 16 : index
        %get3A_1000 = tpu.vector_load %arg8[%get3A_998, %get3A_999] {strides = array<i32>} : memref<1600x32xf32, #tpu.memory_space<vmem>>, vector<1x16xf32>,
        %get3A_1001 = vector.shape_cast %get3A_1000 : vector<1x16xf32> to vector<16xf32>
        %add3A_1002 = arith.addf %add3A_988, %get3A_1001 : vector<16xf32>
        %add3A_1003 = arith.constant 34 : i32
        %add3A_1004 = arith.addi %mul3A_533, %add3A_1003 : i32
        %get3A_1005 = arith.index_cast %add3A_1004 : i32 to index
        %get3A_1006 = arith.constant 0 : index
        %get3A_1007 = tpu.vector_load %arg8[%get3A_1005, %get3A_1006] {strides = array<i32>} : memref<1600x32xf32, #tpu.memory_space<vmem>>, vector<1x16xf32>,
        %get3A_1008 = vector.shape_cast %get3A_1007 : vector<1x16xf32> to vector<16xf32>
        %add3A_1009 = arith.addf %add3A_995, %get3A_1008 : vector<16xf32>
        %add3A_1010 = arith.constant 34 : i32
        %add3A_1011 = arith.addi %mul3A_533, %add3A_1010 : i32
        %get3A_1012 = arith.index_cast %add3A_1011 : i32 to index
        %get3A_1013 = arith.constant 16 : index
        %get3A_1014 = tpu.vector_load %arg8[%get3A_1012, %get3A_1013] {strides = array<i32>} : memref<1600x32xf32, #tpu.memory_space<vmem>>, vector<1x16xf32>,
        %get3A_1015 = vector.shape_cast %get3A_1014 : vector<1x16xf32> to vector<16xf32>
        %add3A_1016 = arith.addf %add3A_1002, %get3A_1015 : vector<16xf32>
        %add3A_1017 = arith.constant 35 : i32
        %add3A_1018 = arith.addi %mul3A_533, %add3A_1017 : i32
        %get3A_1019 = arith.index_cast %add3A_1018 : i32 to index
        %get3A_1020 = arith.constant 0 : index
        %get3A_1021 = tpu.vector_load %arg8[%get3A_1019, %get3A_1020] {strides = array<i32>} : memref<1600x32xf32, #tpu.memory_space<vmem>>, vector<1x16xf32>,
        %get3A_1022 = vector.shape_cast %get3A_1021 : vector<1x16xf32> to vector<16xf32>
        %add3A_1023 = arith.addf %add3A_1009, %get3A_1022 : vector<16xf32>
        %add3A_1024 = arith.constant 35 : i32
        %add3A_1025 = arith.addi %mul3A_533, %add3A_1024 : i32
        %get3A_1026 = arith.index_cast %add3A_1025 : i32 to index
        %get3A_1027 = arith.constant 16 : index
        %get3A_1028 = tpu.vector_load %arg8[%get3A_1026, %get3A_1027] {strides = array<i32>} : memref<1600x32xf32, #tpu.memory_space<vmem>>, vector<1x16xf32>,
        %get3A_1029 = vector.shape_cast %get3A_1028 : vector<1x16xf32> to vector<16xf32>
        %add3A_1030 = arith.addf %add3A_1016, %get3A_1029 : vector<16xf32>
        %add3A_1031 = arith.constant 36 : i32
        %add3A_1032 = arith.addi %mul3A_533, %add3A_1031 : i32
        %get3A_1033 = arith.index_cast %add3A_1032 : i32 to index
        %get3A_1034 = arith.constant 0 : index
        %get3A_1035 = tpu.vector_load %arg8[%get3A_1033, %get3A_1034] {strides = array<i32>} : memref<1600x32xf32, #tpu.memory_space<vmem>>, vector<1x16xf32>,
        %get3A_1036 = vector.shape_cast %get3A_1035 : vector<1x16xf32> to vector<16xf32>
        %add3A_1037 = arith.addf %add3A_1023, %get3A_1036 : vector<16xf32>
        %add3A_1038 = arith.constant 36 : i32
        %add3A_1039 = arith.addi %mul3A_533, %add3A_1038 : i32
        %get3A_1040 = arith.index_cast %add3A_1039 : i32 to index
        %get3A_1041 = arith.constant 16 : index
        %get3A_1042 = tpu.vector_load %arg8[%get3A_1040, %get3A_1041] {strides = array<i32>} : memref<1600x32xf32, #tpu.memory_space<vmem>>, vector<1x16xf32>,
        %get3A_1043 = vector.shape_cast %get3A_1042 : vector<1x16xf32> to vector<16xf32>
        %add3A_1044 = arith.addf %add3A_1030, %get3A_1043 : vector<16xf32>
        %add3A_1045 = arith.constant 37 : i32
        %add3A_1046 = arith.addi %mul3A_533, %add3A_1045 : i32
        %get3A_1047 = arith.index_cast %add3A_1046 : i32 to index
        %get3A_1048 = arith.constant 0 : index
        %get3A_1049 = tpu.vector_load %arg8[%get3A_1047, %get3A_1048] {strides = array<i32>} : memref<1600x32xf32, #tpu.memory_space<vmem>>, vector<1x16xf32>,
        %get3A_1050 = vector.shape_cast %get3A_1049 : vector<1x16xf32> to vector<16xf32>
        %add3A_1051 = arith.addf %add3A_1037, %get3A_1050 : vector<16xf32>
        %add3A_1052 = arith.constant 37 : i32
        %add3A_1053 = arith.addi %mul3A_533, %add3A_1052 : i32
        %get3A_1054 = arith.index_cast %add3A_1053 : i32 to index
        %get3A_1055 = arith.constant 16 : index
        %get3A_1056 = tpu.vector_load %arg8[%get3A_1054, %get3A_1055] {strides = array<i32>} : memref<1600x32xf32, #tpu.memory_space<vmem>>, vector<1x16xf32>,
        %get3A_1057 = vector.shape_cast %get3A_1056 : vector<1x16xf32> to vector<16xf32>
        %add3A_1058 = arith.addf %add3A_1044, %get3A_1057 : vector<16xf32>
        %add3A_1059 = arith.constant 38 : i32
        %add3A_1060 = arith.addi %mul3A_533, %add3A_1059 : i32
        %get3A_1061 = arith.index_cast %add3A_1060 : i32 to index
        %get3A_1062 = arith.constant 0 : index
        %get3A_1063 = tpu.vector_load %arg8[%get3A_1061, %get3A_1062] {strides = array<i32>} : memref<1600x32xf32, #tpu.memory_space<vmem>>, vector<1x16xf32>,
        %get3A_1064 = vector.shape_cast %get3A_1063 : vector<1x16xf32> to vector<16xf32>
        %add3A_1065 = arith.addf %add3A_1051, %get3A_1064 : vector<16xf32>
        %add3A_1066 = arith.constant 38 : i32
        %add3A_1067 = arith.addi %mul3A_533, %add3A_1066 : i32
        %get3A_1068 = arith.index_cast %add3A_1067 : i32 to index
        %get3A_1069 = arith.constant 16 : index
        %get3A_1070 = tpu.vector_load %arg8[%get3A_1068, %get3A_1069] {strides = array<i32>} : memref<1600x32xf32, #tpu.memory_space<vmem>>, vector<1x16xf32>,
        %get3A_1071 = vector.shape_cast %get3A_1070 : vector<1x16xf32> to vector<16xf32>
        %add3A_1072 = arith.addf %add3A_1058, %get3A_1071 : vector<16xf32>
        %add3A_1073 = arith.constant 39 : i32
        %add3A_1074 = arith.addi %mul3A_533, %add3A_1073 : i32
        %get3A_1075 = arith.index_cast %add3A_1074 : i32 to index
        %get3A_1076 = arith.constant 0 : index
        %get3A_1077 = tpu.vector_load %arg8[%get3A_1075, %get3A_1076] {strides = array<i32>} : memref<1600x32xf32, #tpu.memory_space<vmem>>, vector<1x16xf32>,
        %get3A_1078 = vector.shape_cast %get3A_1077 : vector<1x16xf32> to vector<16xf32>
        %add3A_1079 = arith.addf %add3A_1065, %get3A_1078 : vector<16xf32>
        %add3A_1080 = arith.constant 39 : i32
        %add3A_1081 = arith.addi %mul3A_533, %add3A_1080 : i32
        %get3A_1082 = arith.index_cast %add3A_1081 : i32 to index
        %get3A_1083 = arith.constant 16 : index
        %get3A_1084 = tpu.vector_load %arg8[%get3A_1082, %get3A_1083] {strides = array<i32>} : memref<1600x32xf32, #tpu.memory_space<vmem>>, vector<1x16xf32>,
        %get3A_1085 = vector.shape_cast %get3A_1084 : vector<1x16xf32> to vector<16xf32>
        %add3A_1086 = arith.addf %add3A_1072, %get3A_1085 : vector<16xf32>
        %add3A_1087 = arith.constant 40 : i32
        %add3A_1088 = arith.addi %mul3A_533, %add3A_1087 : i32
        %get3A_1089 = arith.index_cast %add3A_1088 : i32 to index
        %get3A_1090 = arith.constant 0 : index
        %get3A_1091 = tpu.vector_load %arg8[%get3A_1089, %get3A_1090] {strides = array<i32>} : memref<1600x32xf32, #tpu.memory_space<vmem>>, vector<1x16xf32>,
        %get3A_1092 = vector.shape_cast %get3A_1091 : vector<1x16xf32> to vector<16xf32>
        %add3A_1093 = arith.addf %add3A_1079, %get3A_1092 : vector<16xf32>
        %add3A_1094 = arith.constant 40 : i32
        %add3A_1095 = arith.addi %mul3A_533, %add3A_1094 : i32
        %get3A_1096 = arith.index_cast %add3A_1095 : i32 to index
        %get3A_1097 = arith.constant 16 : index
        %get3A_1098 = tpu.vector_load %arg8[%get3A_1096, %get3A_1097] {strides = array<i32>} : memref<1600x32xf32, #tpu.memory_space<vmem>>, vector<1x16xf32>,
        %get3A_1099 = vector.shape_cast %get3A_1098 : vector<1x16xf32> to vector<16xf32>
        %add3A_1100 = arith.addf %add3A_1086, %get3A_1099 : vector<16xf32>
        %add3A_1101 = arith.constant 41 : i32
        %add3A_1102 = arith.addi %mul3A_533, %add3A_1101 : i32
        %get3A_1103 = arith.index_cast %add3A_1102 : i32 to index
        %get3A_1104 = arith.constant 0 : index
        %get3A_1105 = tpu.vector_load %arg8[%get3A_1103, %get3A_1104] {strides = array<i32>} : memref<1600x32xf32, #tpu.memory_space<vmem>>, vector<1x16xf32>,
        %get3A_1106 = vector.shape_cast %get3A_1105 : vector<1x16xf32> to vector<16xf32>
        %add3A_1107 = arith.addf %add3A_1093, %get3A_1106 : vector<16xf32>
        %add3A_1108 = arith.constant 41 : i32
        %add3A_1109 = arith.addi %mul3A_533, %add3A_1108 : i32
        %get3A_1110 = arith.index_cast %add3A_1109 : i32 to index
        %get3A_1111 = arith.constant 16 : index
        %get3A_1112 = tpu.vector_load %arg8[%get3A_1110, %get3A_1111] {strides = array<i32>} : memref<1600x32xf32, #tpu.memory_space<vmem>>, vector<1x16xf32>,
        %get3A_1113 = vector.shape_cast %get3A_1112 : vector<1x16xf32> to vector<16xf32>
        %add3A_1114 = arith.addf %add3A_1100, %get3A_1113 : vector<16xf32>
        %add3A_1115 = arith.constant 42 : i32
        %add3A_1116 = arith.addi %mul3A_533, %add3A_1115 : i32
        %get3A_1117 = arith.index_cast %add3A_1116 : i32 to index
        %get3A_1118 = arith.constant 0 : index
        %get3A_1119 = tpu.vector_load %arg8[%get3A_1117, %get3A_1118] {strides = array<i32>} : memref<1600x32xf32, #tpu.memory_space<vmem>>, vector<1x16xf32>,
        %get3A_1120 = vector.shape_cast %get3A_1119 : vector<1x16xf32> to vector<16xf32>
        %add3A_1121 = arith.addf %add3A_1107, %get3A_1120 : vector<16xf32>
        %add3A_1122 = arith.constant 42 : i32
        %add3A_1123 = arith.addi %mul3A_533, %add3A_1122 : i32
        %get3A_1124 = arith.index_cast %add3A_1123 : i32 to index
        %get3A_1125 = arith.constant 16 : index
        %get3A_1126 = tpu.vector_load %arg8[%get3A_1124, %get3A_1125] {strides = array<i32>} : memref<1600x32xf32, #tpu.memory_space<vmem>>, vector<1x16xf32>,
        %get3A_1127 = vector.shape_cast %get3A_1126 : vector<1x16xf32> to vector<16xf32>
        %add3A_1128 = arith.addf %add3A_1114, %get3A_1127 : vector<16xf32>
        %add3A_1129 = arith.constant 43 : i32
        %add3A_1130 = arith.addi %mul3A_533, %add3A_1129 : i32
        %get3A_1131 = arith.index_cast %add3A_1130 : i32 to index
        %get3A_1132 = arith.constant 0 : index
        %get3A_1133 = tpu.vector_load %arg8[%get3A_1131, %get3A_1132] {strides = array<i32>} : memref<1600x32xf32, #tpu.memory_space<vmem>>, vector<1x16xf32>,
        %get3A_1134 = vector.shape_cast %get3A_1133 : vector<1x16xf32> to vector<16xf32>
        %add3A_1135 = arith.addf %add3A_1121, %get3A_1134 : vector<16xf32>
        %add3A_1136 = arith.constant 43 : i32
        %add3A_1137 = arith.addi %mul3A_533, %add3A_1136 : i32
        %get3A_1138 = arith.index_cast %add3A_1137 : i32 to index
        %get3A_1139 = arith.constant 16 : index
        %get3A_1140 = tpu.vector_load %arg8[%get3A_1138, %get3A_1139] {strides = array<i32>} : memref<1600x32xf32, #tpu.memory_space<vmem>>, vector<1x16xf32>,
        %get3A_1141 = vector.shape_cast %get3A_1140 : vector<1x16xf32> to vector<16xf32>
        %add3A_1142 = arith.addf %add3A_1128, %get3A_1141 : vector<16xf32>
        %add3A_1143 = arith.constant 44 : i32
        %add3A_1144 = arith.addi %mul3A_533, %add3A_1143 : i32
        %get3A_1145 = arith.index_cast %add3A_1144 : i32 to index
        %get3A_1146 = arith.constant 0 : index
        %get3A_1147 = tpu.vector_load %arg8[%get3A_1145, %get3A_1146] {strides = array<i32>} : memref<1600x32xf32, #tpu.memory_space<vmem>>, vector<1x16xf32>,
        %get3A_1148 = vector.shape_cast %get3A_1147 : vector<1x16xf32> to vector<16xf32>
        %add3A_1149 = arith.addf %add3A_1135, %get3A_1148 : vector<16xf32>
        %add3A_1150 = arith.constant 44 : i32
        %add3A_1151 = arith.addi %mul3A_533, %add3A_1150 : i32
        %get3A_1152 = arith.index_cast %add3A_1151 : i32 to index
        %get3A_1153 = arith.constant 16 : index
        %get3A_1154 = tpu.vector_load %arg8[%get3A_1152, %get3A_1153] {strides = array<i32>} : memref<1600x32xf32, #tpu.memory_space<vmem>>, vector<1x16xf32>,
        %get3A_1155 = vector.shape_cast %get3A_1154 : vector<1x16xf32> to vector<16xf32>
        %add3A_1156 = arith.addf %add3A_1142, %get3A_1155 : vector<16xf32>
        %add3A_1157 = arith.constant 45 : i32
        %add3A_1158 = arith.addi %mul3A_533, %add3A_1157 : i32
        %get3A_1159 = arith.index_cast %add3A_1158 : i32 to index
        %get3A_1160 = arith.constant 0 : index
        %get3A_1161 = tpu.vector_load %arg8[%get3A_1159, %get3A_1160] {strides = array<i32>} : memref<1600x32xf32, #tpu.memory_space<vmem>>, vector<1x16xf32>,
        %get3A_1162 = vector.shape_cast %get3A_1161 : vector<1x16xf32> to vector<16xf32>
        %add3A_1163 = arith.addf %add3A_1149, %get3A_1162 : vector<16xf32>
        %add3A_1164 = arith.constant 45 : i32
        %add3A_1165 = arith.addi %mul3A_533, %add3A_1164 : i32
        %get3A_1166 = arith.index_cast %add3A_1165 : i32 to index
        %get3A_1167 = arith.constant 16 : index
        %get3A_1168 = tpu.vector_load %arg8[%get3A_1166, %get3A_1167] {strides = array<i32>} : memref<1600x32xf32, #tpu.memory_space<vmem>>, vector<1x16xf32>,
        %get3A_1169 = vector.shape_cast %get3A_1168 : vector<1x16xf32> to vector<16xf32>
        %add3A_1170 = arith.addf %add3A_1156, %get3A_1169 : vector<16xf32>
        %add3A_1171 = arith.constant 46 : i32
        %add3A_1172 = arith.addi %mul3A_533, %add3A_1171 : i32
        %get3A_1173 = arith.index_cast %add3A_1172 : i32 to index
        %get3A_1174 = arith.constant 0 : index
        %get3A_1175 = tpu.vector_load %arg8[%get3A_1173, %get3A_1174] {strides = array<i32>} : memref<1600x32xf32, #tpu.memory_space<vmem>>, vector<1x16xf32>,
        %get3A_1176 = vector.shape_cast %get3A_1175 : vector<1x16xf32> to vector<16xf32>
        %add3A_1177 = arith.addf %add3A_1163, %get3A_1176 : vector<16xf32>
        %add3A_1178 = arith.constant 46 : i32
        %add3A_1179 = arith.addi %mul3A_533, %add3A_1178 : i32
        %get3A_1180 = arith.index_cast %add3A_1179 : i32 to index
        %get3A_1181 = arith.constant 16 : index
        %get3A_1182 = tpu.vector_load %arg8[%get3A_1180, %get3A_1181] {strides = array<i32>} : memref<1600x32xf32, #tpu.memory_space<vmem>>, vector<1x16xf32>,
        %get3A_1183 = vector.shape_cast %get3A_1182 : vector<1x16xf32> to vector<16xf32>
        %add3A_1184 = arith.addf %add3A_1170, %get3A_1183 : vector<16xf32>
        %add3A_1185 = arith.constant 47 : i32
        %add3A_1186 = arith.addi %mul3A_533, %add3A_1185 : i32
        %get3A_1187 = arith.index_cast %add3A_1186 : i32 to index
        %get3A_1188 = arith.constant 0 : index
        %get3A_1189 = tpu.vector_load %arg8[%get3A_1187, %get3A_1188] {strides = array<i32>} : memref<1600x32xf32, #tpu.memory_space<vmem>>, vector<1x16xf32>,
        %get3A_1190 = vector.shape_cast %get3A_1189 : vector<1x16xf32> to vector<16xf32>
        %add3A_1191 = arith.addf %add3A_1177, %get3A_1190 : vector<16xf32>
        %add3A_1192 = arith.constant 47 : i32
        %add3A_1193 = arith.addi %mul3A_533, %add3A_1192 : i32
        %get3A_1194 = arith.index_cast %add3A_1193 : i32 to index
        %get3A_1195 = arith.constant 16 : index
        %get3A_1196 = tpu.vector_load %arg8[%get3A_1194, %get3A_1195] {strides = array<i32>} : memref<1600x32xf32, #tpu.memory_space<vmem>>, vector<1x16xf32>,
        %get3A_1197 = vector.shape_cast %get3A_1196 : vector<1x16xf32> to vector<16xf32>
        %add3A_1198 = arith.addf %add3A_1184, %get3A_1197 : vector<16xf32>
        %add3A_1199 = arith.constant 48 : i32
        %add3A_1200 = arith.addi %mul3A_533, %add3A_1199 : i32
        %get3A_1201 = arith.index_cast %add3A_1200 : i32 to index
        %get3A_1202 = arith.constant 0 : index
        %get3A_1203 = tpu.vector_load %arg8[%get3A_1201, %get3A_1202] {strides = array<i32>} : memref<1600x32xf32, #tpu.memory_space<vmem>>, vector<1x16xf32>,
        %get3A_1204 = vector.shape_cast %get3A_1203 : vector<1x16xf32> to vector<16xf32>
        %add3A_1205 = arith.addf %add3A_1191, %get3A_1204 : vector<16xf32>
        %add3A_1206 = arith.constant 48 : i32
        %add3A_1207 = arith.addi %mul3A_533, %add3A_1206 : i32
        %get3A_1208 = arith.index_cast %add3A_1207 : i32 to index
        %get3A_1209 = arith.constant 16 : index
        %get3A_1210 = tpu.vector_load %arg8[%get3A_1208, %get3A_1209] {strides = array<i32>} : memref<1600x32xf32, #tpu.memory_space<vmem>>, vector<1x16xf32>,
        %get3A_1211 = vector.shape_cast %get3A_1210 : vector<1x16xf32> to vector<16xf32>
        %add3A_1212 = arith.addf %add3A_1198, %get3A_1211 : vector<16xf32>
        %add3A_1213 = arith.constant 49 : i32
        %add3A_1214 = arith.addi %mul3A_533, %add3A_1213 : i32
        %get3A_1215 = arith.index_cast %add3A_1214 : i32 to index
        %get3A_1216 = arith.constant 0 : index
        %get3A_1217 = tpu.vector_load %arg8[%get3A_1215, %get3A_1216] {strides = array<i32>} : memref<1600x32xf32, #tpu.memory_space<vmem>>, vector<1x16xf32>,
        %get3A_1218 = vector.shape_cast %get3A_1217 : vector<1x16xf32> to vector<16xf32>
        %add3A_1219 = arith.addf %add3A_1205, %get3A_1218 : vector<16xf32>
        %add3A_1220 = arith.constant 49 : i32
        %add3A_1221 = arith.addi %mul3A_533, %add3A_1220 : i32
        %get3A_1222 = arith.index_cast %add3A_1221 : i32 to index
        %get3A_1223 = arith.constant 16 : index
        %get3A_1224 = tpu.vector_load %arg8[%get3A_1222, %get3A_1223] {strides = array<i32>} : memref<1600x32xf32, #tpu.memory_space<vmem>>, vector<1x16xf32>,
        %get3A_1225 = vector.shape_cast %get3A_1224 : vector<1x16xf32> to vector<16xf32>
        %add3A_1226 = arith.addf %add3A_1212, %get3A_1225 : vector<16xf32>
        %mul3A_1227 = arith.constant 2.000000e-02 : f32
        %mul3A_1228 = vector.broadcast %mul3A_1227 : f32 to vector<16xf32>
        %mul3A_1229 = arith.mulf %add3A_1219, %mul3A_1228 : vector<16xf32>
        %swap3A = arith.index_cast %scan3A_531 : i32 to index
        %swap3A_1230 = arith.constant 0 : index
        %swap3A_1231 = tpu.vector_load %arg9[%swap3A, %swap3A_1230] {strides = array<i32>} : memref<32x32xf32, #tpu.memory_space<vmem>>, vector<1x16xf32>,
        %swap3A_1232 = vector.shape_cast %swap3A_1231 : vector<1x16xf32> to vector<16xf32>
        %swap3A_1233 = vector.shape_cast %mul3A_1229 : vector<16xf32> to vector<1x16xf32>
        tpu.vector_store %arg9[%swap3A, %swap3A_1230], %swap3A_1233 {strides = array<i32>} : memref<32x32xf32, #tpu.memory_space<vmem>>, vector<1x16xf32>,
        %mul3A_1234 = arith.constant 2.000000e-02 : f32
        %mul3A_1235 = vector.broadcast %mul3A_1234 : f32 to vector<16xf32>
        %mul3A_1236 = arith.mulf %add3A_1226, %mul3A_1235 : vector<16xf32>
        %swap3A_1237 = arith.index_cast %scan3A_531 : i32 to index
        %swap3A_1238 = arith.constant 16 : index
        %swap3A_1239 = tpu.vector_load %arg9[%swap3A_1237, %swap3A_1238] {strides = array<i32>} : memref<32x32xf32, #tpu.memory_space<vmem>>, vector<1x16xf32>,
        %swap3A_1240 = vector.shape_cast %swap3A_1239 : vector<1x16xf32> to vector<16xf32>
        %swap3A_1241 = vector.shape_cast %mul3A_1236 : vector<16xf32> to vector<1x16xf32>
        tpu.vector_store %arg9[%swap3A_1237, %swap3A_1238], %swap3A_1241 {strides = array<i32>} : memref<32x32xf32, #tpu.memory_space<vmem>>, vector<1x16xf32>,
      }
      %scan3A_527 = arith.constant 32 : i32
      %mul3A_528 = arith.constant 32 : i32
      %mul3A_529 = arith.muli %add3A_354, %mul3A_528 : i32
      %add3A_530 = arith.addi %mul3A_2, %mul3A_529 : i32
      "tpu.region"() ({
        %run_scoped3A = tpu.sem_alloc : memref<!tpu.dma_semaphore, #tpu.memory_space<semaphore_mem>>
        %dma_start3A_531 = arith.constant 0 : i32
        %dma_start3A_532 = tpu.memref_slice %arg4[%add3A_530, %dma_start3A_531] : memref<16384x32xf32, #tpu.memory_space<hbm>> -> memref<32x32xf32, #tpu.memory_space<hbm>>
        %dma_start3A_533 = arith.constant 0 : i32
        %dma_start3A_534 = tpu.memref_slice %arg4[%add3A_530, %dma_start3A_533] : memref<16384x32xf32, #tpu.memory_space<hbm>> -> memref<32x32xf32, #tpu.memory_space<hbm>>
        tpu.enqueue_dma source(%arg9 : memref<32x32xf32, #tpu.memory_space<vmem>>) target(%dma_start3A_534 : memref<32x32xf32, #tpu.memory_space<hbm>>) target_semaphore(%run_scoped3A : memref<!tpu.dma_semaphore, #tpu.memory_space<semaphore_mem>>)
        %dma_wait3A_535 = arith.constant 0 : i32
        %dma_wait3A_536 = tpu.memref_slice %arg4[%add3A_530, %dma_wait3A_535] : memref<16384x32xf32, #tpu.memory_space<hbm>> -> memref<32x32xf32, #tpu.memory_space<hbm>>
        %dma_wait3A_537 = arith.constant 0 : i32
        %dma_wait3A_538 = tpu.memref_slice %arg4[%add3A_530, %dma_wait3A_537] : memref<16384x32xf32, #tpu.memory_space<hbm>> -> memref<32x32xf32, #tpu.memory_space<hbm>>
        tpu.wait_dma2 semaphore(%run_scoped3A : memref<!tpu.dma_semaphore, #tpu.memory_space<semaphore_mem>>) src(%arg9 : memref<32x32xf32, #tpu.memory_space<vmem>>) dst(%dma_wait3A_538 : memref<32x32xf32, #tpu.memory_space<hbm>>)
        tpu.yield
      }) : () -> ()
    }
    %scan3A_172 = arith.constant 8 : i32
    return
  }
}

module attributes {stable_mosaic.version = 14 : i64} {
  func.func @_mlp_body(%arg0: i32, %arg1: memref<4096x32xf32, #tpu.memory_space<vmem>>, %arg2: memref<256x32xf32, #tpu.memory_space<vmem>>, %arg3: memref<1x256xf32, #tpu.memory_space<vmem>>, %arg4: memref<128x256xf32, #tpu.memory_space<vmem>>, %arg5: memref<1x128xf32, #tpu.memory_space<vmem>>, %arg6: memref<4x128xf32, #tpu.memory_space<vmem>>, %arg7: memref<1x4xf32, #tpu.memory_space<vmem>>, %arg8: memref<4096x4xf32, #tpu.memory_space<vmem>>) attributes {dimension_semantics = [#tpu.dimension_semantics<arbitrary>], iteration_bounds = array<i64: 4>, scalar_prefetch = 0 : i64, scratch_operands = 0 : i64, tpu.core_type = #tpu.core_type<tc>, window_params = [{transform_indices = @transform_0, window_bounds = array<i64: 4096, 32>}, {pipeline_mode = #tpu.pipeline_mode<synchronous>, transform_indices = @transform_1, window_bounds = array<i64: 256, 32>}, {pipeline_mode = #tpu.pipeline_mode<synchronous>, transform_indices = @transform_2, window_bounds = array<i64: 1, 256>}, {pipeline_mode = #tpu.pipeline_mode<synchronous>, transform_indices = @transform_3, window_bounds = array<i64: 128, 256>}, {pipeline_mode = #tpu.pipeline_mode<synchronous>, transform_indices = @transform_4, window_bounds = array<i64: 1, 128>}, {pipeline_mode = #tpu.pipeline_mode<synchronous>, transform_indices = @transform_5, window_bounds = array<i64: 4, 128>}, {pipeline_mode = #tpu.pipeline_mode<synchronous>, transform_indices = @transform_6, window_bounds = array<i64: 1, 4>}, {transform_indices = @transform_7, window_bounds = array<i64: 4096, 4>}]} {
    %get3A = arith.constant 0 : index
    %get3A_0 = arith.constant 0 : index
    %get3A_1 = vector.load %arg1[%get3A, %get3A_0] : memref<4096x32xf32, #tpu.memory_space<vmem>>, vector<4096x32xf32>
    %get3A_2 = arith.constant 0 : index
    %get3A_3 = arith.constant 0 : index
    %get3A_4 = vector.load %arg2[%get3A_2, %get3A_3] : memref<256x32xf32, #tpu.memory_space<vmem>>, vector<256x32xf32>
    %dot_general3A = arith.constant dense<0.000000e+00> : vector<4096x256xf32>
    %dot_general3A_5 = tpu.matmul %get3A_1, %get3A_4, %dot_general3A {dimension_numbers = #tpu.dot_dimension_numbers<[1], [1], [0], [0], [0, 0, 1, 0], [], []>, transpose_lhs_hint = false} : vector<4096x32xf32>, vector<256x32xf32>, vector<4096x256xf32> -> vector<4096x256xf32>
    %get3A_6 = arith.constant 0 : index
    %get3A_7 = arith.constant 0 : index
    %get3A_8 = vector.load %arg3[%get3A_6, %get3A_7] : memref<1x256xf32, #tpu.memory_space<vmem>>, vector<1x256xf32>
    %add3A = vector.broadcast %get3A_8 : vector<1x256xf32> to vector<4096x256xf32>
    %add3A_9 = arith.addf %dot_general3A_5, %add3A : vector<4096x256xf32>
    %max3A = arith.constant 0.000000e+00 : f32
    %max3A_10 = vector.broadcast %max3A : f32 to vector<4096x256xf32>
    %max3A_11 = arith.maximumf %add3A_9, %max3A_10 : vector<4096x256xf32>
    %get3A_12 = arith.constant 0 : index
    %get3A_13 = arith.constant 0 : index
    %get3A_14 = vector.load %arg4[%get3A_12, %get3A_13] : memref<128x256xf32, #tpu.memory_space<vmem>>, vector<128x256xf32>
    %dot_general3A_15 = arith.constant dense<0.000000e+00> : vector<4096x128xf32>
    %dot_general3A_16 = tpu.matmul %max3A_11, %get3A_14, %dot_general3A_15 {dimension_numbers = #tpu.dot_dimension_numbers<[1], [1], [0], [0], [0, 0, 1, 0], [], []>, transpose_lhs_hint = false} : vector<4096x256xf32>, vector<128x256xf32>, vector<4096x128xf32> -> vector<4096x128xf32>
    %get3A_17 = arith.constant 0 : index
    %get3A_18 = arith.constant 0 : index
    %get3A_19 = vector.load %arg5[%get3A_17, %get3A_18] : memref<1x128xf32, #tpu.memory_space<vmem>>, vector<1x128xf32>
    %add3A_20 = vector.broadcast %get3A_19 : vector<1x128xf32> to vector<4096x128xf32>
    %add3A_21 = arith.addf %dot_general3A_16, %add3A_20 : vector<4096x128xf32>
    %max3A_22 = arith.constant 0.000000e+00 : f32
    %max3A_23 = vector.broadcast %max3A_22 : f32 to vector<4096x128xf32>
    %max3A_24 = arith.maximumf %add3A_21, %max3A_23 : vector<4096x128xf32>
    %get3A_25 = arith.constant 0 : index
    %get3A_26 = arith.constant 0 : index
    %get3A_27 = vector.load %arg6[%get3A_25, %get3A_26] : memref<4x128xf32, #tpu.memory_space<vmem>>, vector<4x128xf32>
    %dot_general3A_28 = arith.constant dense<0.000000e+00> : vector<4096x4xf32>
    %dot_general3A_29 = tpu.matmul %max3A_24, %get3A_27, %dot_general3A_28 {dimension_numbers = #tpu.dot_dimension_numbers<[1], [1], [0], [0], [0, 0, 1, 0], [], []>, transpose_lhs_hint = false} : vector<4096x128xf32>, vector<4x128xf32>, vector<4096x4xf32> -> vector<4096x4xf32>
    %get3A_30 = arith.constant 0 : index
    %get3A_31 = arith.constant 0 : index
    %get3A_32 = vector.load %arg7[%get3A_30, %get3A_31] : memref<1x4xf32, #tpu.memory_space<vmem>>, vector<1x4xf32>
    %add3A_33 = vector.broadcast %get3A_32 : vector<1x4xf32> to vector<4096x4xf32>
    %add3A_34 = arith.addf %dot_general3A_29, %add3A_33 : vector<4096x4xf32>
    %swap3A = arith.constant 0 : index
    %swap3A_35 = arith.constant 0 : index
    %swap3A_36 = vector.load %arg8[%swap3A, %swap3A_35] : memref<4096x4xf32, #tpu.memory_space<vmem>>, vector<4096x4xf32>
    tpu.vector_store %arg8[%swap3A, %swap3A_35], %add3A_34 {strides = array<i32>} : memref<4096x4xf32, #tpu.memory_space<vmem>>, vector<4096x4xf32>,
    return
  }
  func.func @transform_0(%arg0: i32) -> (i32, i32) {
    %c0_i32 = arith.constant 0 : i32
    %c0_i32_0 = arith.constant 0 : i32
    return %arg0, %c0_i32 : i32, i32
  }
  func.func @transform_1(%arg0: i32) -> (i32, i32) {
    %c0_i32 = arith.constant 0 : i32
    %c0_i32_0 = arith.constant 0 : i32
    %c0_i32_1 = arith.constant 0 : i32
    return %c0_i32, %c0_i32_0 : i32, i32
  }
  func.func @transform_2(%arg0: i32) -> (i32, i32) {
    %c0_i32 = arith.constant 0 : i32
    %c0_i32_0 = arith.constant 0 : i32
    %c0_i32_1 = arith.constant 0 : i32
    return %c0_i32, %c0_i32_0 : i32, i32
  }
  func.func @transform_3(%arg0: i32) -> (i32, i32) {
    %c0_i32 = arith.constant 0 : i32
    %c0_i32_0 = arith.constant 0 : i32
    %c0_i32_1 = arith.constant 0 : i32
    return %c0_i32, %c0_i32_0 : i32, i32
  }
  func.func @transform_4(%arg0: i32) -> (i32, i32) {
    %c0_i32 = arith.constant 0 : i32
    %c0_i32_0 = arith.constant 0 : i32
    %c0_i32_1 = arith.constant 0 : i32
    return %c0_i32, %c0_i32_0 : i32, i32
  }
  func.func @transform_5(%arg0: i32) -> (i32, i32) {
    %c0_i32 = arith.constant 0 : i32
    %c0_i32_0 = arith.constant 0 : i32
    %c0_i32_1 = arith.constant 0 : i32
    return %c0_i32, %c0_i32_0 : i32, i32
  }
  func.func @transform_6(%arg0: i32) -> (i32, i32) {
    %c0_i32 = arith.constant 0 : i32
    %c0_i32_0 = arith.constant 0 : i32
    %c0_i32_1 = arith.constant 0 : i32
    return %c0_i32, %c0_i32_0 : i32, i32
  }
  func.func @transform_7(%arg0: i32) -> (i32, i32) {
    %c0_i32 = arith.constant 0 : i32
    %c0_i32_0 = arith.constant 0 : i32
    return %arg0, %c0_i32 : i32, i32
  }
}

</mosaic_0001>

<sc_bundles>
// kernel: _run.4.cloned.1.call-start
scs
__scs_entry_jumppad:
0x0: {  	(pc) =	sbr.rel $0x88, $3  }
0x1: {  	(tag) =	ssettag $0x0;
	lr =	simm.s32 $0x1  }
0x2: {  	[smem:$0x3F99] =	sst lr;
	_ =	strace $0xD0000000  }
0x3: {  	_ = 	snop  }
0x4: {  	_ = 	snop  }
0x5: {  	_ = 	snop  }
0x6: {  	_ = 	snop  }
0x7: {  	_ = 	snop  }
__scs_overlays_trampoline_lowered:
0x8: {  	[smem:$0x3FA8] =	sst s0  }
0x9: {  	[smem:$0x3FA9] =	sst s1  }
0xa: {  	[smem:$0x3FAA] =	sst s2  }
0xb: {  	[smem:$0x3FAB] =	sst s3  }
0xc: {  	[smem:$0x3FAC] =	sst s4  }
0xd: {  	[smem:$0x3FAD] =	sst s5  }
0xe: {  	[smem:$0x3FAE] =	sst s6  }
0xf: {  	[smem:$0x3FAF] =	sst s7  }
0x10: {  	[smem:$0x3FB0] =	sst s8  }
0x11: {  	[smem:$0x3FB1] =	sst s9;
	s0 =	simm.s32 @!p0 $0x0  }
0x12: {  	s1 =	sld [smem:$0x3F97];
	s0 =	simm.s32 @p0 $0x1  }
0x13: {  	[smem:$0x3FB2] =	sst s0;
	s0 =	simm.s32 @!p1 $0x0  }
0x14: {  	s2 =	sld [smem:$0x3F96];
	s0 =	simm.s32 @p1 $0x1  }
0x15: {  	[smem:$0x3FB3] =	sst s0;
	s0 =	simm.s32 @!p2 $0x0  }
0x16: {  	s3 =	sld [smem:$0x3FDB];
	s0 =	simm.s32 @p2 $0x1  }
0x17: {  	s4 =	simm.s32 $0x1BF5;
	[smem:$0x3FB5] =	sst s0  }
0x18: {  	s0 =	sld [smem:$0x3F98];
	_ =	swait.ge [sflag:s4], $0x0  }
0x19: {  	s7 =	sld [smem:$0x3F99]  }
0x1a: {  	s8 =	sadd.s32 $0xFFFFE003, lr  }
0x1b: {  	s9 =	sadd.s32 $0xFFFFFEF7, lr;
	s5 =	simm.s32 $0xFFFFFFFF;
	p2 =	slt.u32 s8, $0xFFFFF086  }
0x1c: {  	p1 =	slt.u32 s9, $0xF7A;
	s5 =	simm.s32 @!p2 $0x0  }
0x1d: {  	s5 =	simm.s32 @p1 $0x1;
	p0 =	seq.s32 s7, s2  }
0x1e: {  	s7 =	smul.u32 @!p0 $0xF7A, s2;
	p2 =	seq.s32 @!p0 s5, $0x0  }
0x1f: {  	s9 =	smul.u32 $0xF7A, s1;
	s8 =	simm.s32 @!p0 $0x1BF5;
	p2 =	por !p2, p0  }
0x20: {  	[sflag:s8] =	ssyncset.s32 @!p0 $0xFFFFF086;
	s6 =	sadd.s32 @!p0 s3, s7;
	s7 =	simm.s32 @!p0 $0x108  }
0x21: {  	s3 =	sadd.s32 s3, s9;
	s6 =	sadd.s32 @!p0 $0x88, s6;
	s7 =	simm.s32 @p2 $0x1082  }
0x22: {  	[simem:s7], [sflag:s8] =	dma.local @!p0 [hbm:s6], $0xF7A  }
0x23: {  	s9 =	sor.u32 $0xD0000000, s2;
	s6 =	simm.s32 $0x108;
	_ =	swait.ge @!p0 [sflag:s8], $0x0  }
0x24: {  	s3 =	sadd.s32 $0x88, s3;
	s6 =	simm.s32 @!p1 $0x1082;
	[sflag:s4] =	ssyncset.s32 $0xFFFFF086  }
0x25: {  	[simem:s6], [sflag:s4] =	dma.local [hbm:s3], $0xF7A  }
0x26: {  	[smem:$0x3F99] =	sst s1;
	(tag) =	ssettag s2;
	_ =	strace s9  }
0x27: {  	s1 =	sld [smem:$0x3FA9]  }
0x28: {  	s2 =	sld [smem:$0x3FAA]  }
0x29: {  	s4 =	sld [smem:$0x3FAC]  }
0x2a: {  	p0 =	seq.s32 s5, $0x0;
	s5 =	sld [smem:$0x3FAD]  }
0x2b: {  	s6 =	sld [smem:$0x3FAE]  }
0x2c: {  	s7 =	sld [smem:$0x3FAF]  }
0x2d: {  	s3 =	simm.s32 $0x108;
	s8 =	sld [smem:$0x3FB0]  }
0x2e: {  	s3 =	simm.s32 @!p0 $0x1082;
	s9 =	sld [smem:$0x3FB1]  }
0x2f: {  	lr =	sadd.s32 s0, s3;
	s0 =	sld [smem:$0x3FA8]  }
0x30: {  	s3 =	sld [smem:$0x3FAB]  }
0x31: {  	[smem:$0x3FB4] =	sst s10  }
0x32: {  	s10 =	sld [smem:$0x3FB2];
	_ =	sdelay $0x3  }
0x33: {  	p0 =	seq.s32 s10, $0x1;
	s10 =	sld [smem:$0x3FB4];
	_ =	sdelay $0x3  }
0x34: {  	[smem:$0x3FB4] =	sst s10  }
0x35: {  	s10 =	sld [smem:$0x3FB3];
	_ =	sdelay $0x3  }
0x36: {  	p1 =	seq.s32 s10, $0x1;
	s10 =	sld [smem:$0x3FB4];
	_ =	sdelay $0x3  }
0x37: {  	[smem:$0x3FB4] =	sst s10  }
0x38: {  	s10 =	sld [smem:$0x3FB5]  }
0x39: {  	_ = 	snop;
	(pc) =	sbr.ind lr, $3  }
0x3a: {  	_ = 	snop  }
0x3b: {  	_ = 	snop  }
0x3c: {  	p2 =	seq.s32 s10, $0x1;
	s10 =	sld [smem:$0x3FB4]  }
0x3d: {  	_ =	shalt  }
0x3e: {  	_ =	shalt  }
0x3f: {  	_ =	shalt  }
0x40: {  	_ =	shalt  }
0x41: {  	_ =	shalt  }
0x42: {  	_ =	shalt  }
0x43: {  	_ =	shalt  }
0x44: {  	_ =	shalt  }
0x45: {  	_ =	shalt  }
0x46: {  	_ =	shalt  }
0x47: {  	_ =	shalt  }
0x48: {  	_ =	shalt  }
0x49: {  	_ =	shalt  }
0x4a: {  	_ =	shalt  }
0x4b: {  	_ =	shalt  }
0x4c: {  	_ =	shalt  }
0x4d: {  	_ =	shalt  }
0x4e: {  	_ =	shalt  }
0x4f: {  	_ =	shalt  }
0x50: {  	_ =	shalt  }
0x51: {  	_ =	shalt  }
0x52: {  	_ =	shalt  }
0x53: {  	_ =	shalt  }
0x54: {  	_ =	shalt  }
0x55: {  	_ =	shalt  }
0x56: {  	_ =	shalt  }
0x57: {  	_ =	shalt  }
0x58: {  	_ =	shalt  }
0x59: {  	_ =	shalt  }
0x5a: {  	_ =	shalt  }
0x5b: {  	_ =	shalt  }
0x5c: {  	_ =	shalt  }
0x5d: {  	_ =	shalt  }
0x5e: {  	_ =	shalt  }
0x5f: {  	_ =	shalt  }
0x60: {  	_ =	shalt  }
0x61: {  	_ =	shalt  }
0x62: {  	_ =	shalt  }
0x63: {  	_ =	shalt  }
0x64: {  	_ =	shalt  }
0x65: {  	_ =	shalt  }
0x66: {  	_ =	shalt  }
0x67: {  	_ =	shalt  }
0x68: {  	_ =	shalt  }
0x69: {  	_ =	shalt  }
0x6a: {  	_ =	shalt  }
0x6b: {  	_ =	shalt  }
0x6c: {  	_ =	shalt  }
0x6d: {  	_ =	shalt  }
0x6e: {  	_ =	shalt  }
0x6f: {  	_ =	shalt  }
0x70: {  	_ =	shalt  }
0x71: {  	_ =	shalt  }
0x72: {  	_ =	shalt  }
0x73: {  	_ =	shalt  }
0x74: {  	_ =	shalt  }
0x75: {  	_ =	shalt  }
0x76: {  	_ =	shalt  }
0x77: {  	_ =	shalt  }
0x78: {  	_ =	shalt  }
0x79: {  	_ =	shalt  }
0x7a: {  	_ =	shalt  }
0x7b: {  	_ =	shalt  }
0x7c: {  	_ =	shalt  }
0x7d: {  	_ =	shalt  }
0x7e: {  	_ =	shalt  }
0x7f: {  	_ =	shalt  }
0x80: {  	_ =	shalt  }
0x81: {  	_ =	shalt  }
0x82: {  	_ =	shalt  }
0x83: {  	_ =	shalt  }
0x84: {  	_ =	shalt  }
0x85: {  	_ =	shalt  }
0x86: {  	_ =	shalt  }
0x87: {  	_ =	shalt  }
.Lfunc_end0:
.L_simem_size_0:
called_computation_lowered:
.L_overlay_start_0:
0x88: {  	s2 =	sld [smem:$0x3FD9]  }
0x89: {  	s3 =	sld [smem:$0x3FFE];
	_ =	sdelay $0x1  }
0x8a: {  	s1 =	srdreg.scid  }
0x8b: {  	s0 =	sand.u32 $0x1, s1  }
0x8c: {  	s17 =	sshll.u32 s0, $0xA;
	s2 =	sadd.s32 s3, s2  }
0x8d: {  	s2 =	sadd.s32 s2, s17  }
0x8e: {  	[smem:$0x3FC0] =	sst s2  }
0x8f: {  	_ = 	snop  }
0x90: {  	s2 =	sld [smem:$0x3FC9];
	(tm) =	ssettm $0x1  }
0x91: {  	s18 =	sld [smem:$0x3FFB];
	_ =	sdelay $0x3  }
0x92: {  	_ =	strace s18  }
0x93: {  	s3 =	sld [smem:$0x3FFC];
	_ =	sdelay $0x3  }
0x94: {  	_ =	strace s3  }
0x95: {  	s3 =	sld [smem:$0x3FFD];
	_ =	sdelay $0x3  }
0x96: {  	_ =	strace s3  }
0x97: {  	_ =	strace $0x8FFFFFFF  }
0x98: {  	s19 =	sld [smem:$0x3FDB];
	_ =	sdelay $0x1  }
0x99: {  	s4 =	simm.s32 $_scs_section_size  }
0x9a: {  	s5 =	simm.s32 $_size__tile_overlayer_lowered;
	s6 =	simm.s32 $_tile_overlayer_lowered  }
0x9b: {  	s22 =	simm.s32 $0x1BFF;
	s21 =	sshll.u32 s6, $0x1;
	s3 =	sadd.s32 s4, s19  }
0x9c: {  	s7 =	simm.s32 $0x0;
	s20 =	sshll.u32 s5, $0x1;
	s5 =	sadd.s32 s21, s3  }
0x9d: {  	[timem:s7], [sflag:s22] =	dma.local [hbm:s5], s20  }
0x9e: {  	_ =	swait.ge [sflag:s22], s20  }
0x9f: {  	s4 =	ssub.s32 $0x0, s20;
	[sflag:s22] =	ssyncset.done $0x0  }
0xa0: {  	[sflag:s22] =	ssyncadd.s32 s4;
	_ =	sdelay $0x1  }
0xa1: {  	s23 =	simm.s32 $0x1B8B  }
0xa2: {  	_ =	swait.ge [sflag:s23], $0x1  }
0xa3: {  	[sflag:s23] =	ssyncset.done $0x0  }
0xa4: {  	s25 =	simm.s32 $0x1B8E;
	s24 =	sld [smem:$0x3FFE];
	[sflag:s23] =	ssyncadd.s32 $0xFFFFFFFF  }
0xa5: {  	s26 =	simm.s32 $execute0_lowered;
	[smem:$0x3FD2] =	sst s25  }
0xa6: {  	s5 =	sshll.u32 s26, $0x1;
	_ =	strace $0x80000046;
	[dreg:$0x1] =	wrdreg $0xFFFFFFFF  }
0xa7: {  	s28 =	simm.s32 $_size_execute0_lowered;
	s3 =	sadd.s32 s3, s5;
	[dreg:$0x0] =	wrdreg $0x0  }
0xa8: {  	s5 =	sshll.u32 s28, $0x1;
	[dreg:$0x2] =	wrdreg s3  }
0xa9: {  	[dreg:$0x3] =	wrdreg s5  }
0xaa: {  	[dreg:$0x4] =	wrdreg $0xC0  }
0xab: {  	_ =	task [dreg:s7], $0x5FFFF  }
0xac: {  	[dreg:$0x1] =	wrdreg $0xFFFFFFFF  }
0xad: {  	[dreg:$0x0] =	wrdreg $0x60  }
0xae: {  	[dreg:$0x2] =	wrdreg s2  }
0xaf: {  	[dreg:$0x3] =	wrdreg s24  }
0xb0: {  	[dreg:$0x4] =	wrdreg $0x9  }
0xb1: {  	_ =	task.clear_ibuf [dreg:s7], $0x5FFFF;
	_ =	strace $0x90000046  }
0xb2: {  	s29 =	simm.s32 $0x9;
	_ =	strace $0x80000048  }
0xb3: {  	_ =	swait.ge [sflag:s29], $0x1  }
0xb4: {  	[sflag:s29] =	ssyncadd.s32 $0xFFFFFFFF  }
0xb5: {  	_ =	strace $0x90000048  }
0xb6: {  	_ =	sfence  }
0xb7: {  	s30 =	sld [smem:$0x0];
	_ =	sdelay $0x2  }
0xb8: {  	s31 =	sshll.u32 s1, $0xD;
	s1 =	sshrl.u32 s1, $0x2  }
0xb9: {  	s3 =	sand.u32 $0x4000, s31;
	s1 =	sadd.s32 s1, s30  }
0xba: {  	s0 =	sor.u32 s3, s0;
	s1 =	sshll.u32 s1, $0x11  }
0xbb: {  	s0 =	sor.u32 s1, s0  }
0xbc: {  	s0 =	sadd.s32 $0x8F2B, s0  }
0xbd: {  	[sflag:s0] =	ssyncadd.remote.s32 $0x1  }
0xbe: {  	_ =	sfence.sel $0xFFFF  }
0xbf: {  	[dreg:$0x0] =	wrdreg $0xFFFFFFFF;
	(pc) =	sbr.abs _section_cstart, $3  }
0xc0: {  	[dreg:$0x1] =	wrdreg $0xFFFFFFFF  }
0xc1: {  	_ =	task.clear_ibuf [dreg:s7], $0x2FFFF;
	_ =	strace $0x9FFFFFFF  }
0xc2: {  	(tm) =	ssettm $0x7FFFFFFF  }
0xc3: {  	_ =	shalt  }
tec
execute0_lowered:
.L_overlay_start_1:
0x0: {  	(tag) =	ssettag $0x1  }
0x1: {  	s2 =	rddreg [dreg:$0x0]  }
0x2: {  	s0 =	rddreg [dreg:$0x1]  }
0x3: {  	s1 =	srdreg.scid;
	s4 =	stileid.u32;
	s3 =	simm.s32 $0x0  }
0x4: {  	s10 =	simm.s32 $0x1;
	s11 =	simm.s32 $0x50;
	s28 =	simm.s32 $0x640  }
0x5: {  	s29 =	simm.s32 $0x2;
	s9 =	simm.s32 $0xAA0;
	s12 =	simm.s32 $0x16080  }
0x6: {  	s13 =	simm.s32 $0xAF0;
	s14 =	simm.s32 $0x16A80;
	s15 =	simm.s32 $0xB40  }
0x7: {  	s16 =	simm.s32 $0x17480;
	s17 =	simm.s32 $0xB90;
	s18 =	simm.s32 $0x17E80  }
0x8: {  	s19 =	simm.s32 $0xBE0;
	s20 =	simm.s32 $0x18880;
	s21 =	simm.s32 $0xC30  }
0x9: {  	s22 =	simm.s32 $0x19280;
	s23 =	simm.s32 $0x3;
	s24 =	simm.s32 $0x19C80  }
0xa: {  	s25 =	simm.s32 $0x5;
	s1 =	sand.u32 $0x1, s1;
	s4 =	sshll.u32 s4, $0x1  }
0xb: {  	[smem:$0x7FF] =	sst s3;
	s5 =	sadd.s32 $0xF43400, s0;
	s6 =	sor.u32 s1, s4  }
0xc: {  	s1 =	ssub.s32 $0x2, s1;
	s4 =	smul.u32 $0x6400, s6;
	s6 =	sshll.u32 s6, $0xB  }
0xd: {  	_ =	strace $0x80000047;
	s7 =	sshrl.u32 s1, $0x1;
	s0 =	sadd.s32 s6, s0  }
0xe: {  	s1 =	ssub.s32 s1, s7;
	s26 =	sshrl.u32 s4, $0x3;
	s30 =	sadd.s32 $0xC80, s4  }
0xf: {  	s7 =	sadd.s32 $0x1000, s0;
	s31 =	smax.u32 s1, $0x1;
	[dreg:$0x4] =	wrdreg s30  }
0x10: {  	s1 =	simm.s32 $0x0;
	s6 =	sadd.s32 s2, s26;
	[dreg:$0x5] =	wrdreg s31  }
0x11: {  	s26 =	simm.s32 $0x4;
	[dreg:$0x3] =	wrdreg s6;
	s6 =	simm.s32 $0x15680  }
.LBB2_1:
0x12: {  	[dreg:$0x6] =	wrdreg s1  }
0x13: {  	s0 =	rddreg [dreg:$0x3]  }
0x14: {  	[tilespmem:s3], [sflag:$0x1] =	stream.linear.gather [hbm4b:s0+s3], $0x640, $0x38;
	[tilespmem:$0x1A080] =	vst v63  }
0x15: {  	_ =	swait.ge [sflag:s10], $0x640  }
0x16: {  	[sflag:s10] =	ssyncset.done $0x0  }
0x17: {  	s30 =	simm.s32 $0xC80;
	[sflag:s10] =	ssyncadd.s32 $0xFFFFF9C0  }
0x18: {  	[tilespmem:s30], [sflag:$0x3] =	stream.indirect.gather [hbm4b:s5+s11], $0x20, s3, s11, $0xb8;
	[tilespmem:$0x1A080] =	vst v63  }
0x19: {  	s31 =	simm.s32 $0x1680  }
0x1a: {  	[tilespmem:s31], [sflag:$0x3] =	stream.indirect.gather [hbm4b:s5+s11], $0x20, s11, s11, $0xb8;
	[tilespmem:$0x1A080] =	vst v63  }
0x1b: {  	s1 =	simm.s32 $0xA0;
	s8 =	simm.s32 $0x2080  }
0x1c: {  	[tilespmem:s8], [sflag:$0x3] =	stream.indirect.gather [hbm4b:s5+s11], $0x20, s1, s11, $0xb8;
	[tilespmem:$0x1A080] =	vst v63  }
0x1d: {  	s30 =	simm.s32 $0xF0;
	s31 =	simm.s32 $0x2A80  }
0x1e: {  	[tilespmem:s31], [sflag:$0x3] =	stream.indirect.gather [hbm4b:s5+s11], $0x20, s30, s11, $0xb8;
	[tilespmem:$0x1A080] =	vst v63  }
0x1f: {  	s1 =	simm.s32 $0x140;
	s8 =	simm.s32 $0x3480  }
0x20: {  	[tilespmem:s8], [sflag:$0x3] =	stream.indirect.gather [hbm4b:s5+s11], $0x20, s1, s11, $0xb8;
	[tilespmem:$0x1A080] =	vst v63  }
0x21: {  	s30 =	simm.s32 $0x190;
	s31 =	simm.s32 $0x3E80  }
0x22: {  	[tilespmem:s31], [sflag:$0x3] =	stream.indirect.gather [hbm4b:s5+s11], $0x20, s30, s11, $0xb8;
	[tilespmem:$0x1A080] =	vst v63  }
0x23: {  	s1 =	simm.s32 $0x1E0;
	s8 =	simm.s32 $0x4880  }
0x24: {  	[tilespmem:s8], [sflag:$0x3] =	stream.indirect.gather [hbm4b:s5+s11], $0x20, s1, s11, $0xb8;
	[tilespmem:$0x1A080] =	vst v63  }
0x25: {  	s30 =	simm.s32 $0x230;
	s31 =	simm.s32 $0x5280  }
0x26: {  	[tilespmem:s31], [sflag:$0x3] =	stream.indirect.gather [hbm4b:s5+s11], $0x20, s30, s11, $0xb8;
	[tilespmem:$0x1A080] =	vst v63  }
0x27: {  	s1 =	simm.s32 $0x280;
	s8 =	simm.s32 $0x5C80  }
0x28: {  	[tilespmem:s8], [sflag:$0x3] =	stream.indirect.gather [hbm4b:s5+s11], $0x20, s1, s11, $0xb8;
	[tilespmem:$0x1A080] =	vst v63  }
0x29: {  	s30 =	simm.s32 $0x2D0;
	s31 =	simm.s32 $0x6680  }
0x2a: {  	[tilespmem:s31], [sflag:$0x3] =	stream.indirect.gather [hbm4b:s5+s11], $0x20, s30, s11, $0xb8;
	[tilespmem:$0x1A080] =	vst v63  }
0x2b: {  	s1 =	simm.s32 $0x320;
	s8 =	simm.s32 $0x7080  }
0x2c: {  	[tilespmem:s8], [sflag:$0x3] =	stream.indirect.gather [hbm4b:s5+s11], $0x20, s1, s11, $0xb8;
	[tilespmem:$0x1A080] =	vst v63  }
0x2d: {  	s30 =	simm.s32 $0x370;
	s31 =	simm.s32 $0x7A80  }
0x2e: {  	[tilespmem:s31], [sflag:$0x3] =	stream.indirect.gather [hbm4b:s5+s11], $0x20, s30, s11, $0xb8;
	[tilespmem:$0x1A080] =	vst v63  }
0x2f: {  	s1 =	simm.s32 $0x3C0;
	s8 =	simm.s32 $0x8480  }
0x30: {  	[tilespmem:s8], [sflag:$0x3] =	stream.indirect.gather [hbm4b:s5+s11], $0x20, s1, s11, $0xb8;
	[tilespmem:$0x1A080] =	vst v63  }
0x31: {  	s30 =	simm.s32 $0x410;
	s31 =	simm.s32 $0x8E80  }
0x32: {  	[tilespmem:s31], [sflag:$0x3] =	stream.indirect.gather [hbm4b:s5+s11], $0x20, s30, s11, $0xb8;
	[tilespmem:$0x1A080] =	vst v63  }
0x33: {  	s1 =	simm.s32 $0x460;
	s8 =	simm.s32 $0x9880  }
0x34: {  	[tilespmem:s8], [sflag:$0x3] =	stream.indirect.gather [hbm4b:s5+s11], $0x20, s1, s11, $0xb8;
	[tilespmem:$0x1A080] =	vst v63  }
0x35: {  	s30 =	simm.s32 $0x4B0;
	s31 =	simm.s32 $0xA280  }
0x36: {  	[tilespmem:s31], [sflag:$0x3] =	stream.indirect.gather [hbm4b:s5+s11], $0x20, s30, s11, $0xb8;
	[tilespmem:$0x1A080] =	vst v63  }
0x37: {  	s1 =	simm.s32 $0x500;
	s8 =	simm.s32 $0xAC80  }
0x38: {  	[tilespmem:s8], [sflag:$0x3] =	stream.indirect.gather [hbm4b:s5+s11], $0x20, s1, s11, $0xb8;
	[tilespmem:$0x1A080] =	vst v63  }
0x39: {  	s30 =	simm.s32 $0x550;
	s31 =	simm.s32 $0xB680  }
0x3a: {  	[tilespmem:s31], [sflag:$0x3] =	stream.indirect.gather [hbm4b:s5+s11], $0x20, s30, s11, $0xb8;
	[tilespmem:$0x1A080] =	vst v63  }
0x3b: {  	s1 =	simm.s32 $0x5A0;
	s8 =	simm.s32 $0xC080  }
0x3c: {  	[tilespmem:s8], [sflag:$0x3] =	stream.indirect.gather [hbm4b:s5+s11], $0x20, s1, s11, $0xb8;
	[tilespmem:$0x1A080] =	vst v63  }
0x3d: {  	s30 =	simm.s32 $0x5F0;
	s31 =	simm.s32 $0xCA80;
	s8 =	simm.s32 $0x0  }
0x3e: {  	[tilespmem:s31], [sflag:$0x3] =	stream.indirect.gather [hbm4b:s5+s11], $0x20, s30, s11, $0xb8;
	[tilespmem:$0x1A080] =	vst v63  }
.LBB2_2:
0x3f: {  	s30 =	sshllo.u32 s8, $0x1  }
0x40: {  	s0 =	smul.u32 $0x640, s30;
	_ =	sdelay $0x1  }
0x41: {  	s0 =	sadd.s32 s4, s0  }
0x42: {  	s0 =	sshrl.u32 s0, $0x3  }
0x43: {  	s1 =	simm.s32 $0x0;
	s0 =	sadd.s32 s2, s0  }
0x44: {  	[tilespmem:s28], [sflag:$0x2] =	stream.linear.gather [hbm4b:s0+s1], $0x640, $0x38;
	[tilespmem:$0x1A080] =	vst v63  }
0x45: {  	_ =	swait.ge [sflag:s29], $0x640  }
0x46: {  	[sflag:s29] =	ssyncset.done $0x0  }
0x47: {  	s1 =	simm.s32 $0xD480;
	[sflag:s29] =	ssyncadd.s32 $0xFFFFF9C0  }
0x48: {  	[tilespmem:s1], [sflag:$0x4] =	stream.indirect.gather [hbm4b:s5+s11], $0x20, s28, s11, $0xb8;
	[tilespmem:$0x1A080] =	vst v63  }
0x49: {  	s0 =	simm.s32 $0x690;
	s1 =	simm.s32 $0xDE80  }
0x4a: {  	[tilespmem:s1], [sflag:$0x4] =	stream.indirect.gather [hbm4b:s5+s11], $0x20, s0, s11, $0xb8;
	[tilespmem:$0x1A080] =	vst v63  }
0x4b: {  	s0 =	simm.s32 $0x6E0;
	s1 =	simm.s32 $0xE880  }
0x4c: {  	[tilespmem:s1], [sflag:$0x4] =	stream.indirect.gather [hbm4b:s5+s11], $0x20, s0, s11, $0xb8;
	[tilespmem:$0x1A080] =	vst v63  }
0x4d: {  	s0 =	simm.s32 $0x730;
	s1 =	simm.s32 $0xF280  }
0x4e: {  	[tilespmem:s1], [sflag:$0x4] =	stream.indirect.gather [hbm4b:s5+s11], $0x20, s0, s11, $0xb8;
	[tilespmem:$0x1A080] =	vst v63  }
0x4f: {  	s0 =	simm.s32 $0x780;
	s1 =	simm.s32 $0xFC80  }
0x50: {  	[tilespmem:s1], [sflag:$0x4] =	stream.indirect.gather [hbm4b:s5+s11], $0x20, s0, s11, $0xb8;
	[tilespmem:$0x1A080] =	vst v63  }
0x51: {  	s0 =	simm.s32 $0x7D0;
	s1 =	simm.s32 $0x10680  }
0x52: {  	[tilespmem:s1], [sflag:$0x4] =	stream.indirect.gather [hbm4b:s5+s11], $0x20, s0, s11, $0xb8;
	[tilespmem:$0x1A080] =	vst v63  }
0x53: {  	s0 =	simm.s32 $0x820;
	s1 =	simm.s32 $0x11080  }
0x54: {  	[tilespmem:s1], [sflag:$0x4] =	stream.indirect.gather [hbm4b:s5+s11], $0x20, s0, s11, $0xb8;
	[tilespmem:$0x1A080] =	vst v63  }
0x55: {  	s0 =	simm.s32 $0x870;
	s1 =	simm.s32 $0x11A80  }
0x56: {  	[tilespmem:s1], [sflag:$0x4] =	stream.indirect.gather [hbm4b:s5+s11], $0x20, s0, s11, $0xb8;
	[tilespmem:$0x1A080] =	vst v63  }
0x57: {  	s0 =	simm.s32 $0x8C0;
	s1 =	simm.s32 $0x12480  }
0x58: {  	[tilespmem:s1], [sflag:$0x4] =	stream.indirect.gather [hbm4b:s5+s11], $0x20, s0, s11, $0xb8;
	[tilespmem:$0x1A080] =	vst v63  }
0x59: {  	s0 =	simm.s32 $0x910;
	s1 =	simm.s32 $0x12E80  }
0x5a: {  	[tilespmem:s1], [sflag:$0x4] =	stream.indirect.gather [hbm4b:s5+s11], $0x20, s0, s11, $0xb8;
	[tilespmem:$0x1A080] =	vst v63  }
0x5b: {  	s0 =	simm.s32 $0x960;
	s1 =	simm.s32 $0x13880  }
0x5c: {  	[tilespmem:s1], [sflag:$0x4] =	stream.indirect.gather [hbm4b:s5+s11], $0x20, s0, s11, $0xb8;
	[tilespmem:$0x1A080] =	vst v63  }
0x5d: {  	s0 =	simm.s32 $0x9B0;
	s1 =	simm.s32 $0x14280  }
0x5e: {  	[tilespmem:s1], [sflag:$0x4] =	stream.indirect.gather [hbm4b:s5+s11], $0x20, s0, s11, $0xb8;
	[tilespmem:$0x1A080] =	vst v63  }
0x5f: {  	s0 =	simm.s32 $0xA00;
	s1 =	simm.s32 $0x14C80  }
0x60: {  	[tilespmem:s1], [sflag:$0x4] =	stream.indirect.gather [hbm4b:s5+s11], $0x20, s0, s11, $0xb8;
	[tilespmem:$0x1A080] =	vst v63  }
0x61: {  	s1 =	simm.s32 $0xA50  }
0x62: {  	[tilespmem:s6], [sflag:$0x4] =	stream.indirect.gather [hbm4b:s5+s11], $0x20, s1, s11, $0xb8;
	[tilespmem:$0x1A080] =	vst v63  }
0x63: {  	_ = 	snop  }
0x64: {  	[tilespmem:s12], [sflag:$0x4] =	stream.indirect.gather [hbm4b:s5+s11], $0x20, s9, s11, $0xb8;
	[tilespmem:$0x1A080] =	vst v63  }
0x65: {  	_ = 	snop  }
0x66: {  	[tilespmem:s14], [sflag:$0x4] =	stream.indirect.gather [hbm4b:s5+s11], $0x20, s13, s11, $0xb8;
	[tilespmem:$0x1A080] =	vst v63  }
0x67: {  	_ = 	snop  }
0x68: {  	[tilespmem:s16], [sflag:$0x4] =	stream.indirect.gather [hbm4b:s5+s11], $0x20, s15, s11, $0xb8;
	[tilespmem:$0x1A080] =	vst v63  }
0x69: {  	_ = 	snop  }
0x6a: {  	[tilespmem:s18], [sflag:$0x4] =	stream.indirect.gather [hbm4b:s5+s11], $0x20, s17, s11, $0xb8;
	[tilespmem:$0x1A080] =	vst v63  }
0x6b: {  	_ = 	snop  }
0x6c: {  	[tilespmem:s20], [sflag:$0x4] =	stream.indirect.gather [hbm4b:s5+s11], $0x20, s19, s11, $0xb8;
	[tilespmem:$0x1A080] =	vst v63  }
0x6d: {  	_ = 	snop  }
0x6e: {  	[tilespmem:s22], [sflag:$0x4] =	stream.indirect.gather [hbm4b:s5+s11], $0x20, s21, s11, $0xb8;
	[tilespmem:$0x1A080] =	vst v63  }
0x6f: {  	_ =	swait.ge [sflag:s23], $0xA00  }
0x70: {  	[sflag:s23] =	ssyncset.done $0x0  }
0x71: {  	[sflag:s23] =	ssyncadd.s32 $0xFFFFF600  }
0x72: {  	_ =	swait.ge [sflag:s23], $0xA00  }
0x73: {  	[sflag:s23] =	ssyncset.done $0x0  }
0x74: {  	[sflag:s23] =	ssyncadd.s32 $0xFFFFF600  }
0x75: {  	_ =	swait.ge [sflag:s23], $0xA00  }
0x76: {  	[sflag:s23] =	ssyncset.done $0x0  }
0x77: {  	[sflag:s23] =	ssyncadd.s32 $0xFFFFF600  }
0x78: {  	_ =	swait.ge [sflag:s23], $0xA00  }
0x79: {  	[sflag:s23] =	ssyncset.done $0x0  }
0x7a: {  	[sflag:s23] =	ssyncadd.s32 $0xFFFFF600  }
0x7b: {  	_ =	swait.ge [sflag:s23], $0xA00  }
0x7c: {  	[sflag:s23] =	ssyncset.done $0x0  }
0x7d: {  	[sflag:s23] =	ssyncadd.s32 $0xFFFFF600  }
0x7e: {  	_ =	swait.ge [sflag:s23], $0xA00  }
0x7f: {  	[sflag:s23] =	ssyncset.done $0x0  }
0x80: {  	[sflag:s23] =	ssyncadd.s32 $0xFFFFF600  }
0x81: {  	_ =	swait.ge [sflag:s23], $0xA00  }
0x82: {  	[sflag:s23] =	ssyncset.done $0x0  }
0x83: {  	[sflag:s23] =	ssyncadd.s32 $0xFFFFF600  }
0x84: {  	_ =	swait.ge [sflag:s23], $0xA00  }
0x85: {  	[sflag:s23] =	ssyncset.done $0x0  }
0x86: {  	[sflag:s23] =	ssyncadd.s32 $0xFFFFF600  }
0x87: {  	_ =	swait.ge [sflag:s23], $0xA00  }
0x88: {  	[sflag:s23] =	ssyncset.done $0x0  }
0x89: {  	[sflag:s23] =	ssyncadd.s32 $0xFFFFF600  }
0x8a: {  	_ =	swait.ge [sflag:s23], $0xA00  }
0x8b: {  	[sflag:s23] =	ssyncset.done $0x0  }
0x8c: {  	[sflag:s23] =	ssyncadd.s32 $0xFFFFF600  }
0x8d: {  	_ =	swait.ge [sflag:s23], $0xA00  }
0x8e: {  	[sflag:s23] =	ssyncset.done $0x0  }
0x8f: {  	[sflag:s23] =	ssyncadd.s32 $0xFFFFF600  }
0x90: {  	_ =	swait.ge [sflag:s23], $0xA00  }
0x91: {  	[sflag:s23] =	ssyncset.done $0x0  }
0x92: {  	[sflag:s23] =	ssyncadd.s32 $0xFFFFF600  }
0x93: {  	_ =	swait.ge [sflag:s23], $0xA00  }
0x94: {  	[sflag:s23] =	ssyncset.done $0x0  }
0x95: {  	[sflag:s23] =	ssyncadd.s32 $0xFFFFF600  }
0x96: {  	_ =	swait.ge [sflag:s23], $0xA00  }
0x97: {  	[sflag:s23] =	ssyncset.done $0x0  }
0x98: {  	[sflag:s23] =	ssyncadd.s32 $0xFFFFF600  }
0x99: {  	_ =	swait.ge [sflag:s23], $0xA00  }
0x9a: {  	[sflag:s23] =	ssyncset.done $0x0  }
0x9b: {  	[sflag:s23] =	ssyncadd.s32 $0xFFFFF600  }
0x9c: {  	_ =	swait.ge [sflag:s23], $0xA00  }
0x9d: {  	[sflag:s23] =	ssyncset.done $0x0  }
0x9e: {  	[sflag:s23] =	ssyncadd.s32 $0xFFFFF600  }
0x9f: {  	_ =	swait.ge [sflag:s23], $0xA00  }
0xa0: {  	[sflag:s23] =	ssyncset.done $0x0  }
0xa1: {  	[sflag:s23] =	ssyncadd.s32 $0xFFFFF600  }
0xa2: {  	_ =	swait.ge [sflag:s23], $0xA00  }
0xa3: {  	[sflag:s23] =	ssyncset.done $0x0  }
0xa4: {  	[sflag:s23] =	ssyncadd.s32 $0xFFFFF600  }
0xa5: {  	_ =	swait.ge [sflag:s23], $0xA00  }
0xa6: {  	[sflag:s23] =	ssyncset.done $0x0  }
0xa7: {  	[sflag:s23] =	ssyncadd.s32 $0xFFFFF600  }
0xa8: {  	_ =	swait.ge [sflag:s23], $0xA00  }
0xa9: {  	[sflag:s23] =	ssyncset.done $0x0  }
0xaa: {  	s31 =	simm.s32 $0xFA0;
	[sflag:s23] =	ssyncadd.s32 $0xFFFFF600  }
0xab: {  	v0 =	vld [tilespmem:s31+$0xFFFFFD00]  }
0xac: {  	v1 =	vld [tilespmem:s31+$0xFFFFFD10]  }
0xad: {  	v2 =	vld [tilespmem:s31+$0xFFFFFCE0]  }
0xae: {  	v3 =	vld [tilespmem:s31+$0xFFFFFCF0]  }
0xaf: {  	v4 =	vld [tilespmem:s31+$0xFFFFFD20]  }
0xb0: {  	v5 =	vld [tilespmem:s31+$0xFFFFFD30]  }
0xb1: {  	v6 =	vld [tilespmem:s31+$0xFFFFFD40]  }
0xb2: {  	v7 =	vld [tilespmem:s31+$0xFFFFFD60];
	v0 =	vadd.f32 v0, v2  }
0xb3: {  	v2 =	vld [tilespmem:s31+$0xFFFFFD50]  }
0xb4: {  	v59 =	vld [tilespmem:s31+$0xFFFFFD80];
	v1 =	vadd.f32 v1, v3;
	v0 =	vadd.f32 v4, v0  }
0xb5: {  	v3 =	vld [tilespmem:s31+$0xFFFFFD70]  }
0xb6: {  	v60 =	vld [tilespmem:s31+$0xFFFFFD90];
	v1 =	vadd.f32 v5, v1;
	v0 =	vadd.f32 v6, v0  }
0xb7: {  	v61 =	vld [tilespmem:s31+$0xFFFFFDA0]  }
0xb8: {  	v62 =	vld [tilespmem:s31+$0xFFFFFDC0];
	v1 =	vadd.f32 v2, v1;
	v0 =	vadd.f32 v7, v0  }
0xb9: {  	v2 =	vld [tilespmem:s31+$0xFFFFFDB0]  }
0xba: {  	v63 =	vld [tilespmem:s31+$0xFFFFFDE0];
	v1 =	vadd.f32 v3, v1;
	v0 =	vadd.f32 v59, v0  }
0xbb: {  	v3 =	vld [tilespmem:s31+$0xFFFFFDD0]  }
0xbc: {  	v9 =	vld [tilespmem:s31+$0xFFFFFDF0];
	v1 =	vadd.f32 v60, v1;
	v0 =	vadd.f32 v61, v0  }
0xbd: {  	v10 =	vld [tilespmem:s31+$0xFFFFFE00]  }
0xbe: {  	v11 =	vld [tilespmem:s31+$0xFFFFFE20];
	v1 =	vadd.f32 v2, v1;
	v0 =	vadd.f32 v62, v0  }
0xbf: {  	v2 =	vld [tilespmem:s31+$0xFFFFFE10]  }
0xc0: {  	v12 =	vld [tilespmem:s31+$0xFFFFFE40];
	v1 =	vadd.f32 v3, v1;
	v0 =	vadd.f32 v63, v0  }
0xc1: {  	v3 =	vld [tilespmem:s31+$0xFFFFFE30]  }
0xc2: {  	v13 =	vld [tilespmem:s31+$0xFFFFFE50];
	v1 =	vadd.f32 v9, v1;
	v0 =	vadd.f32 v10, v0  }
0xc3: {  	v14 =	vld [tilespmem:s31+$0xFFFFFE60]  }
0xc4: {  	v15 =	vld [tilespmem:s31+$0xFFFFFE80];
	v1 =	vadd.f32 v2, v1;
	v0 =	vadd.f32 v11, v0  }
0xc5: {  	v2 =	vld [tilespmem:s31+$0xFFFFFE70]  }
0xc6: {  	v16 =	vld [tilespmem:s31+$0xFFFFFEA0];
	v1 =	vadd.f32 v3, v1;
	v0 =	vadd.f32 v12, v0  }
0xc7: {  	v3 =	vld [tilespmem:s31+$0xFFFFFE90]  }
0xc8: {  	v17 =	vld [tilespmem:s31+$0xFFFFFEB0];
	v1 =	vadd.f32 v13, v1;
	v0 =	vadd.f32 v14, v0  }
0xc9: {  	v18 =	vld [tilespmem:s31+$0xFFFFFEC0]  }
0xca: {  	v19 =	vld [tilespmem:s31+$0xFFFFFEE0];
	v1 =	vadd.f32 v2, v1;
	v0 =	vadd.f32 v15, v0  }
0xcb: {  	v2 =	vld [tilespmem:s31+$0xFFFFFED0]  }
0xcc: {  	v20 =	vld [tilespmem:s31+$0xFFFFFF00];
	v1 =	vadd.f32 v3, v1;
	v0 =	vadd.f32 v16, v0  }
0xcd: {  	v3 =	vld [tilespmem:s31+$0xFFFFFEF0]  }
0xce: {  	v21 =	vld [tilespmem:s31+$0xFFFFFF10];
	v1 =	vadd.f32 v17, v1;
	v0 =	vadd.f32 v18, v0  }
0xcf: {  	v22 =	vld [tilespmem:s31+$0xFFFFFF20]  }
0xd0: {  	v23 =	vld [tilespmem:s31+$0xFFFFFF40];
	v1 =	vadd.f32 v2, v1;
	v0 =	vadd.f32 v19, v0  }
0xd1: {  	v2 =	vld [tilespmem:s31+$0xFFFFFF30]  }
0xd2: {  	v24 =	vld [tilespmem:s31+$0xFFFFFF60];
	v1 =	vadd.f32 v3, v1;
	v0 =	vadd.f32 v20, v0  }
0xd3: {  	v3 =	vld [tilespmem:s31+$0xFFFFFF50]  }
0xd4: {  	v25 =	vld [tilespmem:s31+$0xFFFFFF70];
	v1 =	vadd.f32 v21, v1;
	v0 =	vadd.f32 v22, v0  }
0xd5: {  	v26 =	vld [tilespmem:s31+$0xFFFFFF80]  }
0xd6: {  	v27 =	vld [tilespmem:s31+$0xFFFFFFA0];
	v1 =	vadd.f32 v2, v1;
	v0 =	vadd.f32 v23, v0  }
0xd7: {  	v2 =	vld [tilespmem:s31+$0xFFFFFF90]  }
0xd8: {  	v28 =	vld [tilespmem:s31+$0xFFFFFFC0];
	v1 =	vadd.f32 v3, v1;
	v0 =	vadd.f32 v24, v0  }
0xd9: {  	v3 =	vld [tilespmem:s31+$0xFFFFFFB0]  }
0xda: {  	v29 =	vld [tilespmem:s31+$0xFFFFFFD0];
	v1 =	vadd.f32 v25, v1;
	v0 =	vadd.f32 v26, v0  }
0xdb: {  	v30 =	vld [tilespmem:s31+$0xFFFFFFE0]  }
0xdc: {  	v31 =	vld [tilespmem:s31+$0x0];
	v1 =	vadd.f32 v2, v1;
	v0 =	vadd.f32 v27, v0  }
0xdd: {  	v2 =	vld [tilespmem:s31+$0xFFFFFFF0]  }
0xde: {  	v32 =	vld [tilespmem:s31+$0x20];
	v1 =	vadd.f32 v3, v1;
	v0 =	vadd.f32 v28, v0  }
0xdf: {  	v3 =	vld [tilespmem:s31+$0x10]  }
0xe0: {  	v33 =	vld [tilespmem:s31+$0x30];
	v1 =	vadd.f32 v29, v1;
	v0 =	vadd.f32 v30, v0  }
0xe1: {  	v34 =	vld [tilespmem:s31+$0x40]  }
0xe2: {  	v35 =	vld [tilespmem:s31+$0x60];
	v1 =	vadd.f32 v2, v1;
	v0 =	vadd.f32 v31, v0  }
0xe3: {  	v2 =	vld [tilespmem:s31+$0x50]  }
0xe4: {  	v36 =	vld [tilespmem:s31+$0x80];
	v1 =	vadd.f32 v3, v1;
	v0 =	vadd.f32 v32, v0  }
0xe5: {  	v3 =	vld [tilespmem:s31+$0x70]  }
0xe6: {  	v37 =	vld [tilespmem:s31+$0x90];
	v1 =	vadd.f32 v33, v1;
	v0 =	vadd.f32 v34, v0  }
0xe7: {  	v38 =	vld [tilespmem:s31+$0xA0]  }
0xe8: {  	v39 =	vld [tilespmem:s31+$0xC0];
	v1 =	vadd.f32 v2, v1;
	v0 =	vadd.f32 v35, v0  }
0xe9: {  	v2 =	vld [tilespmem:s31+$0xB0]  }
0xea: {  	v40 =	vld [tilespmem:s31+$0xE0];
	v1 =	vadd.f32 v3, v1;
	v0 =	vadd.f32 v36, v0  }
0xeb: {  	v3 =	vld [tilespmem:s31+$0xD0]  }
0xec: {  	v41 =	vld [tilespmem:s31+$0xF0];
	v1 =	vadd.f32 v37, v1;
	v0 =	vadd.f32 v38, v0  }
0xed: {  	v42 =	vld [tilespmem:s31+$0x100]  }
0xee: {  	v43 =	vld [tilespmem:s31+$0x120];
	v1 =	vadd.f32 v2, v1;
	v0 =	vadd.f32 v39, v0  }
0xef: {  	v2 =	vld [tilespmem:s31+$0x110]  }
0xf0: {  	v44 =	vld [tilespmem:s31+$0x140];
	v1 =	vadd.f32 v3, v1;
	v0 =	vadd.f32 v40, v0  }
0xf1: {  	v3 =	vld [tilespmem:s31+$0x130]  }
0xf2: {  	v45 =	vld [tilespmem:s31+$0x150];
	v1 =	vadd.f32 v41, v1;
	v0 =	vadd.f32 v42, v0  }
0xf3: {  	v46 =	vld [tilespmem:s31+$0x160]  }
0xf4: {  	v47 =	vld [tilespmem:s31+$0x180];
	v1 =	vadd.f32 v2, v1;
	v0 =	vadd.f32 v43, v0  }
0xf5: {  	v2 =	vld [tilespmem:s31+$0x170]  }
0xf6: {  	v48 =	vld [tilespmem:s31+$0x1A0];
	v1 =	vadd.f32 v3, v1;
	v0 =	vadd.f32 v44, v0  }
0xf7: {  	v3 =	vld [tilespmem:s31+$0x190]  }
0xf8: {  	v49 =	vld [tilespmem:s31+$0x1B0];
	v1 =	vadd.f32 v45, v1;
	v0 =	vadd.f32 v46, v0  }
0xf9: {  	v50 =	vld [tilespmem:s31+$0x1C0]  }
0xfa: {  	v51 =	vld [tilespmem:s31+$0x1E0];
	v1 =	vadd.f32 v2, v1;
	v0 =	vadd.f32 v47, v0  }
0xfb: {  	v2 =	vld [tilespmem:s31+$0x1D0]  }
0xfc: {  	v52 =	vld [tilespmem:s31+$0x200];
	v1 =	vadd.f32 v3, v1;
	v0 =	vadd.f32 v48, v0  }
0xfd: {  	v3 =	vld [tilespmem:s31+$0x1F0]  }
0xfe: {  	v53 =	vld [tilespmem:s31+$0x210];
	v1 =	vadd.f32 v49, v1;
	v0 =	vadd.f32 v50, v0  }
0xff: {  	v54 =	vld [tilespmem:s31+$0x220]  }
0x100: {  	v55 =	vld [tilespmem:s31+$0x240];
	v1 =	vadd.f32 v2, v1;
	v0 =	vadd.f32 v51, v0  }
0x101: {  	v2 =	vld [tilespmem:s31+$0x230]  }
0x102: {  	v56 =	vld [tilespmem:s31+$0x260];
	v1 =	vadd.f32 v3, v1;
	v0 =	vadd.f32 v52, v0  }
0x103: {  	v3 =	vld [tilespmem:s31+$0x250]  }
0x104: {  	v57 =	vld [tilespmem:s31+$0x270];
	v1 =	vadd.f32 v53, v1;
	v0 =	vadd.f32 v54, v0  }
0x105: {  	v58 =	vld [tilespmem:s31+$0x280]  }
0x106: {  	v59 =	vld [tilespmem:s31+$0x2A0];
	v1 =	vadd.f32 v2, v1;
	v0 =	vadd.f32 v55, v0  }
0x107: {  	v2 =	vld [tilespmem:s31+$0x290]  }
0x108: {  	v60 =	vld [tilespmem:s31+$0x2C0];
	v1 =	vadd.f32 v3, v1;
	v0 =	vadd.f32 v56, v0  }
0x109: {  	v3 =	vld [tilespmem:s31+$0x2B0]  }
0x10a: {  	v61 =	vld [tilespmem:s31+$0x2D0];
	v1 =	vadd.f32 v57, v1;
	v0 =	vadd.f32 v58, v0  }
0x10b: {  	v62 =	vld [tilespmem:s31+$0x2E0]  }
0x10c: {  	v63 =	vld [tilespmem:s31+$0x300];
	v1 =	vadd.f32 v2, v1;
	v0 =	vadd.f32 v59, v0  }
0x10d: {  	v2 =	vld [tilespmem:s31+$0x2F0]  }
0x10e: {  	v1 =	vadd.f32 v3, v1;
	v0 =	vadd.f32 v60, v0  }
0x10f: {  	v3 =	vld [tilespmem:s31+$0x310]  }
0x110: {  	v1 =	vadd.f32 v61, v1;
	v0 =	vadd.f32 v62, v0;
	_ =	sdelay $0x1  }
0x111: {  	v1 =	vadd.f32 v2, v1;
	v0 =	vadd.f32 v63, v0;
	_ =	sdelay $0x1  }
0x112: {  	v1 =	vadd.f32 v3, v1;
	v2 =	vmul.f32 $1.999999960e-02, v0  }
0x113: {  	s1 =	simm.s32 $0x0  }
0x114: {  	s0 =	simm.s32 $0x80;
	v0 =	vmul.f32 $1.999999960e-02, v1;
	[tilespmem:s1+$0x19C80] =	vst v2  }
.LBB2_3:
0x115: {  	p0 =	sne.s32 s0, $0xF80  }
0x116: {  	[tilespmem:s1+$0x19C90] =	vst v0;
	s31 =	sadd.s32 $0x640, s31;
	s1 =	smov.u32 s0;
	s0 =	sadd.s32 $0x80, s0  }
0x117: {  	v0 =	vld [tilespmem:s31+$0xFFFFFD00]  }
0x118: {  	v1 =	vld [tilespmem:s31+$0xFFFFFD10]  }
0x119: {  	v2 =	vld [tilespmem:s31+$0xFFFFFCE0]  }
0x11a: {  	v3 =	vld [tilespmem:s31+$0xFFFFFCF0]  }
0x11b: {  	v4 =	vld [tilespmem:s31+$0xFFFFFD20]  }
0x11c: {  	v5 =	vld [tilespmem:s31+$0xFFFFFD30]  }
0x11d: {  	v6 =	vld [tilespmem:s31+$0xFFFFFD40]  }
0x11e: {  	v0 =	vadd.f32 v0, v2;
	v2 =	vld [tilespmem:s31+$0xFFFFFD50]  }
0x11f: {  	v1 =	vadd.f32 v1, v3;
	v3 =	vld [tilespmem:s31+$0xFFFFFD60]  }
0x120: {  	v0 =	vadd.f32 v4, v0;
	v4 =	vld [tilespmem:s31+$0xFFFFFD70]  }
0x121: {  	v1 =	vadd.f32 v5, v1;
	v5 =	vld [tilespmem:s31+$0xFFFFFD80]  }
0x122: {  	v0 =	vadd.f32 v6, v0;
	v6 =	vld [tilespmem:s31+$0xFFFFFD90]  }
0x123: {  	v1 =	vadd.f32 v2, v1;
	v2 =	vld [tilespmem:s31+$0xFFFFFDA0]  }
0x124: {  	v0 =	vadd.f32 v3, v0;
	v3 =	vld [tilespmem:s31+$0xFFFFFDB0]  }
0x125: {  	v1 =	vadd.f32 v4, v1;
	v4 =	vld [tilespmem:s31+$0xFFFFFDC0]  }
0x126: {  	v0 =	vadd.f32 v5, v0;
	v5 =	vld [tilespmem:s31+$0xFFFFFDD0]  }
0x127: {  	v1 =	vadd.f32 v6, v1;
	v6 =	vld [tilespmem:s31+$0xFFFFFDE0]  }
0x128: {  	v0 =	vadd.f32 v2, v0;
	v2 =	vld [tilespmem:s31+$0xFFFFFDF0]  }
0x129: {  	v1 =	vadd.f32 v3, v1;
	v3 =	vld [tilespmem:s31+$0xFFFFFE00]  }
0x12a: {  	v0 =	vadd.f32 v4, v0;
	v4 =	vld [tilespmem:s31+$0xFFFFFE10]  }
0x12b: {  	v1 =	vadd.f32 v5, v1;
	v5 =	vld [tilespmem:s31+$0xFFFFFE20]  }
0x12c: {  	v0 =	vadd.f32 v6, v0;
	v6 =	vld [tilespmem:s31+$0xFFFFFE30]  }
0x12d: {  	v1 =	vadd.f32 v2, v1;
	v2 =	vld [tilespmem:s31+$0xFFFFFE40]  }
0x12e: {  	v0 =	vadd.f32 v3, v0;
	v3 =	vld [tilespmem:s31+$0xFFFFFE50]  }
0x12f: {  	v1 =	vadd.f32 v4, v1;
	v4 =	vld [tilespmem:s31+$0xFFFFFE60]  }
0x130: {  	v0 =	vadd.f32 v5, v0;
	v5 =	vld [tilespmem:s31+$0xFFFFFE70]  }
0x131: {  	v1 =	vadd.f32 v6, v1;
	v6 =	vld [tilespmem:s31+$0xFFFFFE80]  }
0x132: {  	v0 =	vadd.f32 v2, v0;
	v2 =	vld [tilespmem:s31+$0xFFFFFE90]  }
0x133: {  	v1 =	vadd.f32 v3, v1;
	v3 =	vld [tilespmem:s31+$0xFFFFFEA0]  }
0x134: {  	v0 =	vadd.f32 v4, v0;
	v4 =	vld [tilespmem:s31+$0xFFFFFEB0]  }
0x135: {  	v1 =	vadd.f32 v5, v1;
	v5 =	vld [tilespmem:s31+$0xFFFFFEC0]  }
0x136: {  	v0 =	vadd.f32 v6, v0;
	v6 =	vld [tilespmem:s31+$0xFFFFFED0]  }
0x137: {  	v1 =	vadd.f32 v2, v1;
	v2 =	vld [tilespmem:s31+$0xFFFFFEE0]  }
0x138: {  	v0 =	vadd.f32 v3, v0;
	v3 =	vld [tilespmem:s31+$0xFFFFFEF0]  }
0x139: {  	v1 =	vadd.f32 v4, v1;
	v4 =	vld [tilespmem:s31+$0xFFFFFF00]  }
0x13a: {  	v0 =	vadd.f32 v5, v0;
	v5 =	vld [tilespmem:s31+$0xFFFFFF10]  }
0x13b: {  	v1 =	vadd.f32 v6, v1;
	v6 =	vld [tilespmem:s31+$0xFFFFFF20]  }
0x13c: {  	v0 =	vadd.f32 v2, v0;
	v2 =	vld [tilespmem:s31+$0xFFFFFF30]  }
0x13d: {  	v1 =	vadd.f32 v3, v1;
	v3 =	vld [tilespmem:s31+$0xFFFFFF40]  }
0x13e: {  	v0 =	vadd.f32 v4, v0;
	v4 =	vld [tilespmem:s31+$0xFFFFFF50]  }
0x13f: {  	v1 =	vadd.f32 v5, v1;
	v5 =	vld [tilespmem:s31+$0xFFFFFF60]  }
0x140: {  	v0 =	vadd.f32 v6, v0;
	v6 =	vld [tilespmem:s31+$0xFFFFFF70]  }
0x141: {  	v1 =	vadd.f32 v2, v1;
	v2 =	vld [tilespmem:s31+$0xFFFFFF80]  }
0x142: {  	v0 =	vadd.f32 v3, v0;
	v3 =	vld [tilespmem:s31+$0xFFFFFF90]  }
0x143: {  	v1 =	vadd.f32 v4, v1;
	v4 =	vld [tilespmem:s31+$0xFFFFFFA0]  }
0x144: {  	v0 =	vadd.f32 v5, v0;
	v5 =	vld [tilespmem:s31+$0xFFFFFFB0]  }
0x145: {  	v1 =	vadd.f32 v6, v1;
	v6 =	vld [tilespmem:s31+$0xFFFFFFC0]  }
0x146: {  	v0 =	vadd.f32 v2, v0;
	v2 =	vld [tilespmem:s31+$0xFFFFFFD0]  }
0x147: {  	v1 =	vadd.f32 v3, v1;
	v3 =	vld [tilespmem:s31+$0xFFFFFFE0]  }
0x148: {  	v0 =	vadd.f32 v4, v0;
	v4 =	vld [tilespmem:s31+$0xFFFFFFF0]  }
0x149: {  	v1 =	vadd.f32 v5, v1;
	v5 =	vld [tilespmem:s31+$0x0]  }
0x14a: {  	v0 =	vadd.f32 v6, v0;
	v6 =	vld [tilespmem:s31+$0x10]  }
0x14b: {  	v1 =	vadd.f32 v2, v1;
	v2 =	vld [tilespmem:s31+$0x20]  }
0x14c: {  	v0 =	vadd.f32 v3, v0;
	v3 =	vld [tilespmem:s31+$0x30]  }
0x14d: {  	v1 =	vadd.f32 v4, v1;
	v4 =	vld [tilespmem:s31+$0x40]  }
0x14e: {  	v0 =	vadd.f32 v5, v0;
	v5 =	vld [tilespmem:s31+$0x50]  }
0x14f: {  	v1 =	vadd.f32 v6, v1;
	v6 =	vld [tilespmem:s31+$0x60]  }
0x150: {  	v0 =	vadd.f32 v2, v0;
	v2 =	vld [tilespmem:s31+$0x70]  }
0x151: {  	v1 =	vadd.f32 v3, v1;
	v3 =	vld [tilespmem:s31+$0x80]  }
0x152: {  	v0 =	vadd.f32 v4, v0;
	v4 =	vld [tilespmem:s31+$0x90]  }
0x153: {  	v1 =	vadd.f32 v5, v1;
	v5 =	vld [tilespmem:s31+$0xA0]  }
0x154: {  	v0 =	vadd.f32 v6, v0;
	v6 =	vld [tilespmem:s31+$0xB0]  }
0x155: {  	v1 =	vadd.f32 v2, v1;
	v2 =	vld [tilespmem:s31+$0xC0]  }
0x156: {  	v0 =	vadd.f32 v3, v0;
	v3 =	vld [tilespmem:s31+$0xD0]  }
0x157: {  	v1 =	vadd.f32 v4, v1;
	v4 =	vld [tilespmem:s31+$0xE0]  }
0x158: {  	v0 =	vadd.f32 v5, v0;
	v5 =	vld [tilespmem:s31+$0xF0]  }
0x159: {  	v1 =	vadd.f32 v6, v1;
	v6 =	vld [tilespmem:s31+$0x100]  }
0x15a: {  	v0 =	vadd.f32 v2, v0;
	v2 =	vld [tilespmem:s31+$0x110]  }
0x15b: {  	v1 =	vadd.f32 v3, v1;
	v3 =	vld [tilespmem:s31+$0x120]  }
0x15c: {  	v0 =	vadd.f32 v4, v0;
	v4 =	vld [tilespmem:s31+$0x130]  }
0x15d: {  	v1 =	vadd.f32 v5, v1;
	v5 =	vld [tilespmem:s31+$0x140]  }
0x15e: {  	v0 =	vadd.f32 v6, v0;
	v6 =	vld [tilespmem:s31+$0x150]  }
0x15f: {  	v1 =	vadd.f32 v2, v1;
	v2 =	vld [tilespmem:s31+$0x160]  }
0x160: {  	v0 =	vadd.f32 v3, v0;
	v3 =	vld [tilespmem:s31+$0x170]  }
0x161: {  	v1 =	vadd.f32 v4, v1;
	v4 =	vld [tilespmem:s31+$0x180]  }
0x162: {  	v0 =	vadd.f32 v5, v0;
	v5 =	vld [tilespmem:s31+$0x190]  }
0x163: {  	v1 =	vadd.f32 v6, v1;
	v6 =	vld [tilespmem:s31+$0x1A0]  }
0x164: {  	v0 =	vadd.f32 v2, v0;
	v2 =	vld [tilespmem:s31+$0x1B0]  }
0x165: {  	v1 =	vadd.f32 v3, v1;
	v3 =	vld [tilespmem:s31+$0x1C0]  }
0x166: {  	v0 =	vadd.f32 v4, v0;
	v4 =	vld [tilespmem:s31+$0x1D0]  }
0x167: {  	v1 =	vadd.f32 v5, v1;
	v5 =	vld [tilespmem:s31+$0x1E0]  }
0x168: {  	v0 =	vadd.f32 v6, v0;
	v6 =	vld [tilespmem:s31+$0x1F0]  }
0x169: {  	v1 =	vadd.f32 v2, v1;
	v2 =	vld [tilespmem:s31+$0x200]  }
0x16a: {  	v0 =	vadd.f32 v3, v0;
	v3 =	vld [tilespmem:s31+$0x210]  }
0x16b: {  	v1 =	vadd.f32 v4, v1;
	v4 =	vld [tilespmem:s31+$0x220]  }
0x16c: {  	v0 =	vadd.f32 v5, v0;
	v5 =	vld [tilespmem:s31+$0x230]  }
0x16d: {  	v1 =	vadd.f32 v6, v1;
	v6 =	vld [tilespmem:s31+$0x240]  }
0x16e: {  	v0 =	vadd.f32 v2, v0;
	v2 =	vld [tilespmem:s31+$0x250]  }
0x16f: {  	v1 =	vadd.f32 v3, v1;
	v3 =	vld [tilespmem:s31+$0x260]  }
0x170: {  	v0 =	vadd.f32 v4, v0;
	v4 =	vld [tilespmem:s31+$0x270]  }
0x171: {  	v1 =	vadd.f32 v5, v1;
	v5 =	vld [tilespmem:s31+$0x280]  }
0x172: {  	v0 =	vadd.f32 v6, v0;
	v6 =	vld [tilespmem:s31+$0x290]  }
0x173: {  	v1 =	vadd.f32 v2, v1;
	v2 =	vld [tilespmem:s31+$0x2A0]  }
0x174: {  	v0 =	vadd.f32 v3, v0;
	v3 =	vld [tilespmem:s31+$0x2B0]  }
0x175: {  	v1 =	vadd.f32 v4, v1;
	v4 =	vld [tilespmem:s31+$0x2C0]  }
0x176: {  	v0 =	vadd.f32 v5, v0;
	v5 =	vld [tilespmem:s31+$0x2D0]  }
0x177: {  	v1 =	vadd.f32 v6, v1;
	v6 =	vld [tilespmem:s31+$0x2E0]  }
0x178: {  	v0 =	vadd.f32 v2, v0;
	v2 =	vld [tilespmem:s31+$0x2F0]  }
0x179: {  	v1 =	vadd.f32 v3, v1;
	v3 =	vld [tilespmem:s31+$0x300]  }
0x17a: {  	v0 =	vadd.f32 v4, v0;
	v4 =	vld [tilespmem:s31+$0x310]  }
0x17b: {  	v1 =	vadd.f32 v5, v1  }
0x17c: {  	v0 =	vadd.f32 v6, v0  }
0x17d: {  	v1 =	vadd.f32 v2, v1  }
.Ltmp0:
0x17e: {  	v0 =	vadd.f32 v3, v0;
	(pc) =	sbr.rel @p0 .LBB2_3-.Ltmp0, $4  }
0x17f: {  	v1 =	vadd.f32 v4, v1  }
0x180: {  	v2 =	vmul.f32 $1.999999960e-02, v0  }
0x181: {  	s1 =	sshra.s32 s1, $0x2;
	v0 =	vmul.f32 $1.999999960e-02, v1  }
0x182: {  	[tilespmem:s1+$0x19C80] =	vst v2  }
0x183: {  	s0 =	sshll.u32 s8, $0x8;
	p0 =	seq.s32 s8, $0x7  }
.Ltmp1:
0x184: {  	[tilespmem:s1+$0x19C90] =	vst v0;
	s0 =	sadd.s32 s0, s7;
	(pc) =	sbr.rel @p0 .LBB2_6-.Ltmp1, $4  }
0x185: {  	[hbm4b:s0+s3] =	stream.linear.scatter [tilespmem:s24], [sflag:$0x5], $0x400, $0x38;
	[tilespmem:$0x1A080] =	vst v63  }
0x186: {  	_ =	swait.ge [sflag:s25], $0x400  }
0x187: {  	[sflag:s25] =	ssyncset.done $0x0  }
0x188: {  	[sflag:s25] =	ssyncadd.s32 $0xFFFFFC00  }
0x189: {  	s0 =	smul.u32 $0xC80, s8  }
0x18a: {  	s1 =	rddreg [dreg:$0x4]  }
0x18b: {  	s0 =	sadd.s32 s0, s1  }
0x18c: {  	s0 =	sshrl.u32 s0, $0x3  }
0x18d: {  	s0 =	sadd.s32 s2, s0  }
0x18e: {  	[tilespmem:s3], [sflag:$0x1] =	stream.linear.gather [hbm4b:s0+s3], $0x640, $0x38;
	[tilespmem:$0x1A080] =	vst v63  }
0x18f: {  	_ =	swait.ge [sflag:s10], $0x640  }
0x190: {  	[sflag:s10] =	ssyncset.done $0x0  }
0x191: {  	s1 =	simm.s32 $0xC80;
	[sflag:s10] =	ssyncadd.s32 $0xFFFFF9C0  }
0x192: {  	[tilespmem:s1], [sflag:$0x3] =	stream.indirect.gather [hbm4b:s5+s11], $0x20, s3, s11, $0xb8;
	[tilespmem:$0x1A080] =	vst v63  }
0x193: {  	s31 =	simm.s32 $0x1680  }
0x194: {  	[tilespmem:s31], [sflag:$0x3] =	stream.indirect.gather [hbm4b:s5+s11], $0x20, s11, s11, $0xb8;
	[tilespmem:$0x1A080] =	vst v63  }
0x195: {  	s1 =	simm.s32 $0xA0;
	s31 =	simm.s32 $0x2080  }
0x196: {  	[tilespmem:s31], [sflag:$0x3] =	stream.indirect.gather [hbm4b:s5+s11], $0x20, s1, s11, $0xb8;
	[tilespmem:$0x1A080] =	vst v63  }
0x197: {  	s1 =	simm.s32 $0xF0;
	s31 =	simm.s32 $0x2A80  }
0x198: {  	[tilespmem:s31], [sflag:$0x3] =	stream.indirect.gather [hbm4b:s5+s11], $0x20, s1, s11, $0xb8;
	[tilespmem:$0x1A080] =	vst v63  }
0x199: {  	s1 =	simm.s32 $0x140;
	s31 =	simm.s32 $0x3480  }
0x19a: {  	[tilespmem:s31], [sflag:$0x3] =	stream.indirect.gather [hbm4b:s5+s11], $0x20, s1, s11, $0xb8;
	[tilespmem:$0x1A080] =	vst v63  }
0x19b: {  	s1 =	simm.s32 $0x190;
	s31 =	simm.s32 $0x3E80  }
0x19c: {  	[tilespmem:s31], [sflag:$0x3] =	stream.indirect.gather [hbm4b:s5+s11], $0x20, s1, s11, $0xb8;
	[tilespmem:$0x1A080] =	vst v63  }
0x19d: {  	s1 =	simm.s32 $0x1E0;
	s31 =	simm.s32 $0x4880  }
0x19e: {  	[tilespmem:s31], [sflag:$0x3] =	stream.indirect.gather [hbm4b:s5+s11], $0x20, s1, s11, $0xb8;
	[tilespmem:$0x1A080] =	vst v63  }
0x19f: {  	s1 =	simm.s32 $0x230;
	s31 =	simm.s32 $0x5280  }
0x1a0: {  	[tilespmem:s31], [sflag:$0x3] =	stream.indirect.gather [hbm4b:s5+s11], $0x20, s1, s11, $0xb8;
	[tilespmem:$0x1A080] =	vst v63  }
0x1a1: {  	s1 =	simm.s32 $0x280;
	s31 =	simm.s32 $0x5C80  }
0x1a2: {  	[tilespmem:s31], [sflag:$0x3] =	stream.indirect.gather [hbm4b:s5+s11], $0x20, s1, s11, $0xb8;
	[tilespmem:$0x1A080] =	vst v63  }
0x1a3: {  	s1 =	simm.s32 $0x2D0;
	s31 =	simm.s32 $0x6680  }
0x1a4: {  	[tilespmem:s31], [sflag:$0x3] =	stream.indirect.gather [hbm4b:s5+s11], $0x20, s1, s11, $0xb8;
	[tilespmem:$0x1A080] =	vst v63  }
0x1a5: {  	s1 =	simm.s32 $0x320;
	s31 =	simm.s32 $0x7080  }
0x1a6: {  	[tilespmem:s31], [sflag:$0x3] =	stream.indirect.gather [hbm4b:s5+s11], $0x20, s1, s11, $0xb8;
	[tilespmem:$0x1A080] =	vst v63  }
0x1a7: {  	s1 =	simm.s32 $0x370;
	s31 =	simm.s32 $0x7A80  }
0x1a8: {  	[tilespmem:s31], [sflag:$0x3] =	stream.indirect.gather [hbm4b:s5+s11], $0x20, s1, s11, $0xb8;
	[tilespmem:$0x1A080] =	vst v63  }
0x1a9: {  	s1 =	simm.s32 $0x3C0;
	s31 =	simm.s32 $0x8480  }
0x1aa: {  	[tilespmem:s31], [sflag:$0x3] =	stream.indirect.gather [hbm4b:s5+s11], $0x20, s1, s11, $0xb8;
	[tilespmem:$0x1A080] =	vst v63  }
0x1ab: {  	s1 =	simm.s32 $0x410;
	s31 =	simm.s32 $0x8E80  }
0x1ac: {  	[tilespmem:s31], [sflag:$0x3] =	stream.indirect.gather [hbm4b:s5+s11], $0x20, s1, s11, $0xb8;
	[tilespmem:$0x1A080] =	vst v63  }
0x1ad: {  	s1 =	simm.s32 $0x460;
	s31 =	simm.s32 $0x9880  }
0x1ae: {  	[tilespmem:s31], [sflag:$0x3] =	stream.indirect.gather [hbm4b:s5+s11], $0x20, s1, s11, $0xb8;
	[tilespmem:$0x1A080] =	vst v63  }
0x1af: {  	s1 =	simm.s32 $0x4B0;
	s31 =	simm.s32 $0xA280  }
0x1b0: {  	[tilespmem:s31], [sflag:$0x3] =	stream.indirect.gather [hbm4b:s5+s11], $0x20, s1, s11, $0xb8;
	[tilespmem:$0x1A080] =	vst v63  }
0x1b1: {  	s1 =	simm.s32 $0x500;
	s31 =	simm.s32 $0xAC80  }
0x1b2: {  	[tilespmem:s31], [sflag:$0x3] =	stream.indirect.gather [hbm4b:s5+s11], $0x20, s1, s11, $0xb8;
	[tilespmem:$0x1A080] =	vst v63  }
0x1b3: {  	s1 =	simm.s32 $0x550;
	s31 =	simm.s32 $0xB680  }
0x1b4: {  	[tilespmem:s31], [sflag:$0x3] =	stream.indirect.gather [hbm4b:s5+s11], $0x20, s1, s11, $0xb8;
	[tilespmem:$0x1A080] =	vst v63  }
0x1b5: {  	s1 =	simm.s32 $0x5A0;
	s31 =	simm.s32 $0xC080  }
0x1b6: {  	[tilespmem:s31], [sflag:$0x3] =	stream.indirect.gather [hbm4b:s5+s11], $0x20, s1, s11, $0xb8;
	[tilespmem:$0x1A080] =	vst v63  }
0x1b7: {  	s1 =	simm.s32 $0x5F0;
	s31 =	simm.s32 $0xCA80  }
0x1b8: {  	[tilespmem:s31], [sflag:$0x3] =	stream.indirect.gather [hbm4b:s5+s11], $0x20, s1, s11, $0xb8;
	[tilespmem:$0x1A080] =	vst v63  }
.LBB2_6:
0x1b9: {  	_ =	swait.ge [sflag:s26], $0xA00  }
0x1ba: {  	[sflag:s26] =	ssyncset.done $0x0  }
0x1bb: {  	[sflag:s26] =	ssyncadd.s32 $0xFFFFF600  }
0x1bc: {  	_ =	swait.ge [sflag:s26], $0xA00  }
0x1bd: {  	[sflag:s26] =	ssyncset.done $0x0  }
0x1be: {  	[sflag:s26] =	ssyncadd.s32 $0xFFFFF600  }
0x1bf: {  	_ =	swait.ge [sflag:s26], $0xA00  }
0x1c0: {  	[sflag:s26] =	ssyncset.done $0x0  }
0x1c1: {  	[sflag:s26] =	ssyncadd.s32 $0xFFFFF600  }
0x1c2: {  	_ =	swait.ge [sflag:s26], $0xA00  }
0x1c3: {  	[sflag:s26] =	ssyncset.done $0x0  }
0x1c4: {  	[sflag:s26] =	ssyncadd.s32 $0xFFFFF600  }
0x1c5: {  	_ =	swait.ge [sflag:s26], $0xA00  }
0x1c6: {  	[sflag:s26] =	ssyncset.done $0x0  }
0x1c7: {  	[sflag:s26] =	ssyncadd.s32 $0xFFFFF600  }
0x1c8: {  	_ =	swait.ge [sflag:s26], $0xA00  }
0x1c9: {  	[sflag:s26] =	ssyncset.done $0x0  }
0x1ca: {  	[sflag:s26] =	ssyncadd.s32 $0xFFFFF600  }
0x1cb: {  	_ =	swait.ge [sflag:s26], $0xA00  }
0x1cc: {  	[sflag:s26] =	ssyncset.done $0x0  }
0x1cd: {  	[sflag:s26] =	ssyncadd.s32 $0xFFFFF600  }
0x1ce: {  	_ =	swait.ge [sflag:s26], $0xA00  }
0x1cf: {  	[sflag:s26] =	ssyncset.done $0x0  }
0x1d0: {  	[sflag:s26] =	ssyncadd.s32 $0xFFFFF600  }
0x1d1: {  	_ =	swait.ge [sflag:s26], $0xA00  }
0x1d2: {  	[sflag:s26] =	ssyncset.done $0x0  }
0x1d3: {  	[sflag:s26] =	ssyncadd.s32 $0xFFFFF600  }
0x1d4: {  	_ =	swait.ge [sflag:s26], $0xA00  }
0x1d5: {  	[sflag:s26] =	ssyncset.done $0x0  }
0x1d6: {  	[sflag:s26] =	ssyncadd.s32 $0xFFFFF600  }
0x1d7: {  	_ =	swait.ge [sflag:s26], $0xA00  }
0x1d8: {  	[sflag:s26] =	ssyncset.done $0x0  }
0x1d9: {  	[sflag:s26] =	ssyncadd.s32 $0xFFFFF600  }
0x1da: {  	_ =	swait.ge [sflag:s26], $0xA00  }
0x1db: {  	[sflag:s26] =	ssyncset.done $0x0  }
0x1dc: {  	[sflag:s26] =	ssyncadd.s32 $0xFFFFF600  }
0x1dd: {  	_ =	swait.ge [sflag:s26], $0xA00  }
0x1de: {  	[sflag:s26] =	ssyncset.done $0x0  }
0x1df: {  	[sflag:s26] =	ssyncadd.s32 $0xFFFFF600  }
0x1e0: {  	_ =	swait.ge [sflag:s26], $0xA00  }
0x1e1: {  	[sflag:s26] =	ssyncset.done $0x0  }
0x1e2: {  	[sflag:s26] =	ssyncadd.s32 $0xFFFFF600  }
0x1e3: {  	_ =	swait.ge [sflag:s26], $0xA00  }
0x1e4: {  	[sflag:s26] =	ssyncset.done $0x0  }
0x1e5: {  	[sflag:s26] =	ssyncadd.s32 $0xFFFFF600  }
0x1e6: {  	_ =	swait.ge [sflag:s26], $0xA00  }
0x1e7: {  	[sflag:s26] =	ssyncset.done $0x0  }
0x1e8: {  	[sflag:s26] =	ssyncadd.s32 $0xFFFFF600  }
0x1e9: {  	_ =	swait.ge [sflag:s26], $0xA00  }
0x1ea: {  	[sflag:s26] =	ssyncset.done $0x0  }
0x1eb: {  	[sflag:s26] =	ssyncadd.s32 $0xFFFFF600  }
0x1ec: {  	_ =	swait.ge [sflag:s26], $0xA00  }
0x1ed: {  	[sflag:s26] =	ssyncset.done $0x0  }
0x1ee: {  	[sflag:s26] =	ssyncadd.s32 $0xFFFFF600  }
0x1ef: {  	_ =	swait.ge [sflag:s26], $0xA00  }
0x1f0: {  	[sflag:s26] =	ssyncset.done $0x0  }
0x1f1: {  	[sflag:s26] =	ssyncadd.s32 $0xFFFFF600  }
0x1f2: {  	_ =	swait.ge [sflag:s26], $0xA00  }
0x1f3: {  	[sflag:s26] =	ssyncset.done $0x0  }
0x1f4: {  	s31 =	simm.s32 $0xD7A0;
	[sflag:s26] =	ssyncadd.s32 $0xFFFFF600  }
0x1f5: {  	v0 =	vld [tilespmem:s31+$0xFFFFFD00]  }
0x1f6: {  	v1 =	vld [tilespmem:s31+$0xFFFFFD10]  }
0x1f7: {  	v2 =	vld [tilespmem:s31+$0xFFFFFCE0]  }
0x1f8: {  	v3 =	vld [tilespmem:s31+$0xFFFFFCF0]  }
0x1f9: {  	v4 =	vld [tilespmem:s31+$0xFFFFFD20]  }
0x1fa: {  	v5 =	vld [tilespmem:s31+$0xFFFFFD30]  }
0x1fb: {  	v6 =	vld [tilespmem:s31+$0xFFFFFD40]  }
0x1fc: {  	v7 =	vld [tilespmem:s31+$0xFFFFFD60];
	v0 =	vadd.f32 v0, v2  }
0x1fd: {  	v2 =	vld [tilespmem:s31+$0xFFFFFD50]  }
0x1fe: {  	v59 =	vld [tilespmem:s31+$0xFFFFFD80];
	v1 =	vadd.f32 v1, v3;
	v0 =	vadd.f32 v4, v0  }
0x1ff: {  	v3 =	vld [tilespmem:s31+$0xFFFFFD70]  }
0x200: {  	v60 =	vld [tilespmem:s31+$0xFFFFFD90];
	v1 =	vadd.f32 v5, v1;
	v0 =	vadd.f32 v6, v0  }
0x201: {  	v61 =	vld [tilespmem:s31+$0xFFFFFDA0]  }
0x202: {  	v62 =	vld [tilespmem:s31+$0xFFFFFDC0];
	v1 =	vadd.f32 v2, v1;
	v0 =	vadd.f32 v7, v0  }
0x203: {  	v2 =	vld [tilespmem:s31+$0xFFFFFDB0]  }
0x204: {  	v63 =	vld [tilespmem:s31+$0xFFFFFDE0];
	v1 =	vadd.f32 v3, v1;
	v0 =	vadd.f32 v59, v0  }
0x205: {  	v3 =	vld [tilespmem:s31+$0xFFFFFDD0]  }
0x206: {  	v9 =	vld [tilespmem:s31+$0xFFFFFDF0];
	v1 =	vadd.f32 v60, v1;
	v0 =	vadd.f32 v61, v0  }
0x207: {  	v10 =	vld [tilespmem:s31+$0xFFFFFE00]  }
0x208: {  	v11 =	vld [tilespmem:s31+$0xFFFFFE20];
	v1 =	vadd.f32 v2, v1;
	v0 =	vadd.f32 v62, v0  }
0x209: {  	v2 =	vld [tilespmem:s31+$0xFFFFFE10]  }
0x20a: {  	v12 =	vld [tilespmem:s31+$0xFFFFFE40];
	v1 =	vadd.f32 v3, v1;
	v0 =	vadd.f32 v63, v0  }
0x20b: {  	v3 =	vld [tilespmem:s31+$0xFFFFFE30]  }
0x20c: {  	v13 =	vld [tilespmem:s31+$0xFFFFFE50];
	v1 =	vadd.f32 v9, v1;
	v0 =	vadd.f32 v10, v0  }
0x20d: {  	v14 =	vld [tilespmem:s31+$0xFFFFFE60]  }
0x20e: {  	v15 =	vld [tilespmem:s31+$0xFFFFFE80];
	v1 =	vadd.f32 v2, v1;
	v0 =	vadd.f32 v11, v0  }
0x20f: {  	v2 =	vld [tilespmem:s31+$0xFFFFFE70]  }
0x210: {  	v16 =	vld [tilespmem:s31+$0xFFFFFEA0];
	v1 =	vadd.f32 v3, v1;
	v0 =	vadd.f32 v12, v0  }
0x211: {  	v3 =	vld [tilespmem:s31+$0xFFFFFE90]  }
0x212: {  	v17 =	vld [tilespmem:s31+$0xFFFFFEB0];
	v1 =	vadd.f32 v13, v1;
	v0 =	vadd.f32 v14, v0  }
0x213: {  	v18 =	vld [tilespmem:s31+$0xFFFFFEC0]  }
0x214: {  	v19 =	vld [tilespmem:s31+$0xFFFFFEE0];
	v1 =	vadd.f32 v2, v1;
	v0 =	vadd.f32 v15, v0  }
0x215: {  	v2 =	vld [tilespmem:s31+$0xFFFFFED0]  }
0x216: {  	v20 =	vld [tilespmem:s31+$0xFFFFFF00];
	v1 =	vadd.f32 v3, v1;
	v0 =	vadd.f32 v16, v0  }
0x217: {  	v3 =	vld [tilespmem:s31+$0xFFFFFEF0]  }
0x218: {  	v21 =	vld [tilespmem:s31+$0xFFFFFF10];
	v1 =	vadd.f32 v17, v1;
	v0 =	vadd.f32 v18, v0  }
0x219: {  	v22 =	vld [tilespmem:s31+$0xFFFFFF20]  }
0x21a: {  	v23 =	vld [tilespmem:s31+$0xFFFFFF40];
	v1 =	vadd.f32 v2, v1;
	v0 =	vadd.f32 v19, v0  }
0x21b: {  	v2 =	vld [tilespmem:s31+$0xFFFFFF30]  }
0x21c: {  	v24 =	vld [tilespmem:s31+$0xFFFFFF60];
	v1 =	vadd.f32 v3, v1;
	v0 =	vadd.f32 v20, v0  }
0x21d: {  	v3 =	vld [tilespmem:s31+$0xFFFFFF50]  }
0x21e: {  	v25 =	vld [tilespmem:s31+$0xFFFFFF70];
	v1 =	vadd.f32 v21, v1;
	v0 =	vadd.f32 v22, v0  }
0x21f: {  	v26 =	vld [tilespmem:s31+$0xFFFFFF80]  }
0x220: {  	v27 =	vld [tilespmem:s31+$0xFFFFFFA0];
	v1 =	vadd.f32 v2, v1;
	v0 =	vadd.f32 v23, v0  }
0x221: {  	v2 =	vld [tilespmem:s31+$0xFFFFFF90]  }
0x222: {  	v28 =	vld [tilespmem:s31+$0xFFFFFFC0];
	v1 =	vadd.f32 v3, v1;
	v0 =	vadd.f32 v24, v0  }
0x223: {  	v3 =	vld [tilespmem:s31+$0xFFFFFFB0]  }
0x224: {  	v29 =	vld [tilespmem:s31+$0xFFFFFFD0];
	v1 =	vadd.f32 v25, v1;
	v0 =	vadd.f32 v26, v0  }
0x225: {  	v30 =	vld [tilespmem:s31+$0xFFFFFFE0]  }
0x226: {  	v31 =	vld [tilespmem:s31+$0x0];
	v1 =	vadd.f32 v2, v1;
	v0 =	vadd.f32 v27, v0  }
0x227: {  	v2 =	vld [tilespmem:s31+$0xFFFFFFF0]  }
0x228: {  	v32 =	vld [tilespmem:s31+$0x20];
	v1 =	vadd.f32 v3, v1;
	v0 =	vadd.f32 v28, v0  }
0x229: {  	v3 =	vld [tilespmem:s31+$0x10]  }
0x22a: {  	v33 =	vld [tilespmem:s31+$0x30];
	v1 =	vadd.f32 v29, v1;
	v0 =	vadd.f32 v30, v0  }
0x22b: {  	v34 =	vld [tilespmem:s31+$0x40]  }
0x22c: {  	v35 =	vld [tilespmem:s31+$0x60];
	v1 =	vadd.f32 v2, v1;
	v0 =	vadd.f32 v31, v0  }
0x22d: {  	v2 =	vld [tilespmem:s31+$0x50]  }
0x22e: {  	v36 =	vld [tilespmem:s31+$0x80];
	v1 =	vadd.f32 v3, v1;
	v0 =	vadd.f32 v32, v0  }
0x22f: {  	v3 =	vld [tilespmem:s31+$0x70]  }
0x230: {  	v37 =	vld [tilespmem:s31+$0x90];
	v1 =	vadd.f32 v33, v1;
	v0 =	vadd.f32 v34, v0  }
0x231: {  	v38 =	vld [tilespmem:s31+$0xA0]  }
0x232: {  	v39 =	vld [tilespmem:s31+$0xC0];
	v1 =	vadd.f32 v2, v1;
	v0 =	vadd.f32 v35, v0  }
0x233: {  	v2 =	vld [tilespmem:s31+$0xB0]  }
0x234: {  	v40 =	vld [tilespmem:s31+$0xE0];
	v1 =	vadd.f32 v3, v1;
	v0 =	vadd.f32 v36, v0  }
0x235: {  	v3 =	vld [tilespmem:s31+$0xD0]  }
0x236: {  	v41 =	vld [tilespmem:s31+$0xF0];
	v1 =	vadd.f32 v37, v1;
	v0 =	vadd.f32 v38, v0  }
0x237: {  	v42 =	vld [tilespmem:s31+$0x100]  }
0x238: {  	v43 =	vld [tilespmem:s31+$0x120];
	v1 =	vadd.f32 v2, v1;
	v0 =	vadd.f32 v39, v0  }
0x239: {  	v2 =	vld [tilespmem:s31+$0x110]  }
0x23a: {  	v44 =	vld [tilespmem:s31+$0x140];
	v1 =	vadd.f32 v3, v1;
	v0 =	vadd.f32 v40, v0  }
0x23b: {  	v3 =	vld [tilespmem:s31+$0x130]  }
0x23c: {  	v45 =	vld [tilespmem:s31+$0x150];
	v1 =	vadd.f32 v41, v1;
	v0 =	vadd.f32 v42, v0  }
0x23d: {  	v46 =	vld [tilespmem:s31+$0x160]  }
0x23e: {  	v47 =	vld [tilespmem:s31+$0x180];
	v1 =	vadd.f32 v2, v1;
	v0 =	vadd.f32 v43, v0  }
0x23f: {  	v2 =	vld [tilespmem:s31+$0x170]  }
0x240: {  	v48 =	vld [tilespmem:s31+$0x1A0];
	v1 =	vadd.f32 v3, v1;
	v0 =	vadd.f32 v44, v0  }
0x241: {  	v3 =	vld [tilespmem:s31+$0x190]  }
0x242: {  	v49 =	vld [tilespmem:s31+$0x1B0];
	v1 =	vadd.f32 v45, v1;
	v0 =	vadd.f32 v46, v0  }
0x243: {  	v50 =	vld [tilespmem:s31+$0x1C0]  }
0x244: {  	v51 =	vld [tilespmem:s31+$0x1E0];
	v1 =	vadd.f32 v2, v1;
	v0 =	vadd.f32 v47, v0  }
0x245: {  	v2 =	vld [tilespmem:s31+$0x1D0]  }
0x246: {  	v52 =	vld [tilespmem:s31+$0x200];
	v1 =	vadd.f32 v3, v1;
	v0 =	vadd.f32 v48, v0  }
0x247: {  	v3 =	vld [tilespmem:s31+$0x1F0]  }
0x248: {  	v53 =	vld [tilespmem:s31+$0x210];
	v1 =	vadd.f32 v49, v1;
	v0 =	vadd.f32 v50, v0  }
0x249: {  	v54 =	vld [tilespmem:s31+$0x220]  }
0x24a: {  	v55 =	vld [tilespmem:s31+$0x240];
	v1 =	vadd.f32 v2, v1;
	v0 =	vadd.f32 v51, v0  }
0x24b: {  	v2 =	vld [tilespmem:s31+$0x230]  }
0x24c: {  	v56 =	vld [tilespmem:s31+$0x260];
	v1 =	vadd.f32 v3, v1;
	v0 =	vadd.f32 v52, v0  }
0x24d: {  	v3 =	vld [tilespmem:s31+$0x250]  }
0x24e: {  	v57 =	vld [tilespmem:s31+$0x270];
	v1 =	vadd.f32 v53, v1;
	v0 =	vadd.f32 v54, v0  }
0x24f: {  	v58 =	vld [tilespmem:s31+$0x280]  }
0x250: {  	v59 =	vld [tilespmem:s31+$0x2A0];
	v1 =	vadd.f32 v2, v1;
	v0 =	vadd.f32 v55, v0  }
0x251: {  	v2 =	vld [tilespmem:s31+$0x290]  }
0x252: {  	v60 =	vld [tilespmem:s31+$0x2C0];
	v1 =	vadd.f32 v3, v1;
	v0 =	vadd.f32 v56, v0  }
0x253: {  	v3 =	vld [tilespmem:s31+$0x2B0]  }
0x254: {  	v61 =	vld [tilespmem:s31+$0x2D0];
	v1 =	vadd.f32 v57, v1;
	v0 =	vadd.f32 v58, v0  }
0x255: {  	v62 =	vld [tilespmem:s31+$0x2E0]  }
0x256: {  	v63 =	vld [tilespmem:s31+$0x300];
	v1 =	vadd.f32 v2, v1;
	v0 =	vadd.f32 v59, v0  }
0x257: {  	v2 =	vld [tilespmem:s31+$0x2F0]  }
0x258: {  	v1 =	vadd.f32 v3, v1;
	v0 =	vadd.f32 v60, v0  }
0x259: {  	v3 =	vld [tilespmem:s31+$0x310]  }
0x25a: {  	v1 =	vadd.f32 v61, v1;
	v0 =	vadd.f32 v62, v0;
	_ =	sdelay $0x1  }
0x25b: {  	v1 =	vadd.f32 v2, v1;
	v0 =	vadd.f32 v63, v0;
	_ =	sdelay $0x1  }
0x25c: {  	v1 =	vadd.f32 v3, v1;
	v2 =	vmul.f32 $1.999999960e-02, v0  }
0x25d: {  	s1 =	simm.s32 $0x0  }
0x25e: {  	s0 =	simm.s32 $0x80;
	v0 =	vmul.f32 $1.999999960e-02, v1;
	[tilespmem:s1+$0x19C80] =	vst v2  }
.LBB2_7:
0x25f: {  	p0 =	sne.s32 s0, $0xF80  }
0x260: {  	[tilespmem:s1+$0x19C90] =	vst v0;
	s31 =	sadd.s32 $0x640, s31;
	s1 =	smov.u32 s0;
	s0 =	sadd.s32 $0x80, s0  }
0x261: {  	v0 =	vld [tilespmem:s31+$0xFFFFFD00]  }
0x262: {  	v1 =	vld [tilespmem:s31+$0xFFFFFD10]  }
0x263: {  	v2 =	vld [tilespmem:s31+$0xFFFFFCE0]  }
0x264: {  	v3 =	vld [tilespmem:s31+$0xFFFFFCF0]  }
0x265: {  	v4 =	vld [tilespmem:s31+$0xFFFFFD20]  }
0x266: {  	v5 =	vld [tilespmem:s31+$0xFFFFFD30]  }
0x267: {  	v6 =	vld [tilespmem:s31+$0xFFFFFD40]  }
0x268: {  	v0 =	vadd.f32 v0, v2;
	v2 =	vld [tilespmem:s31+$0xFFFFFD50]  }
0x269: {  	v1 =	vadd.f32 v1, v3;
	v3 =	vld [tilespmem:s31+$0xFFFFFD60]  }
0x26a: {  	v0 =	vadd.f32 v4, v0;
	v4 =	vld [tilespmem:s31+$0xFFFFFD70]  }
0x26b: {  	v1 =	vadd.f32 v5, v1;
	v5 =	vld [tilespmem:s31+$0xFFFFFD80]  }
0x26c: {  	v0 =	vadd.f32 v6, v0;
	v6 =	vld [tilespmem:s31+$0xFFFFFD90]  }
0x26d: {  	v1 =	vadd.f32 v2, v1;
	v2 =	vld [tilespmem:s31+$0xFFFFFDA0]  }
0x26e: {  	v0 =	vadd.f32 v3, v0;
	v3 =	vld [tilespmem:s31+$0xFFFFFDB0]  }
0x26f: {  	v1 =	vadd.f32 v4, v1;
	v4 =	vld [tilespmem:s31+$0xFFFFFDC0]  }
0x270: {  	v0 =	vadd.f32 v5, v0;
	v5 =	vld [tilespmem:s31+$0xFFFFFDD0]  }
0x271: {  	v1 =	vadd.f32 v6, v1;
	v6 =	vld [tilespmem:s31+$0xFFFFFDE0]  }
0x272: {  	v0 =	vadd.f32 v2, v0;
	v2 =	vld [tilespmem:s31+$0xFFFFFDF0]  }
0x273: {  	v1 =	vadd.f32 v3, v1;
	v3 =	vld [tilespmem:s31+$0xFFFFFE00]  }
0x274: {  	v0 =	vadd.f32 v4, v0;
	v4 =	vld [tilespmem:s31+$0xFFFFFE10]  }
0x275: {  	v1 =	vadd.f32 v5, v1;
	v5 =	vld [tilespmem:s31+$0xFFFFFE20]  }
0x276: {  	v0 =	vadd.f32 v6, v0;
	v6 =	vld [tilespmem:s31+$0xFFFFFE30]  }
0x277: {  	v1 =	vadd.f32 v2, v1;
	v2 =	vld [tilespmem:s31+$0xFFFFFE40]  }
0x278: {  	v0 =	vadd.f32 v3, v0;
	v3 =	vld [tilespmem:s31+$0xFFFFFE50]  }
0x279: {  	v1 =	vadd.f32 v4, v1;
	v4 =	vld [tilespmem:s31+$0xFFFFFE60]  }
0x27a: {  	v0 =	vadd.f32 v5, v0;
	v5 =	vld [tilespmem:s31+$0xFFFFFE70]  }
0x27b: {  	v1 =	vadd.f32 v6, v1;
	v6 =	vld [tilespmem:s31+$0xFFFFFE80]  }
0x27c: {  	v0 =	vadd.f32 v2, v0;
	v2 =	vld [tilespmem:s31+$0xFFFFFE90]  }
0x27d: {  	v1 =	vadd.f32 v3, v1;
	v3 =	vld [tilespmem:s31+$0xFFFFFEA0]  }
0x27e: {  	v0 =	vadd.f32 v4, v0;
	v4 =	vld [tilespmem:s31+$0xFFFFFEB0]  }
0x27f: {  	v1 =	vadd.f32 v5, v1;
	v5 =	vld [tilespmem:s31+$0xFFFFFEC0]  }
0x280: {  	v0 =	vadd.f32 v6, v0;
	v6 =	vld [tilespmem:s31+$0xFFFFFED0]  }
0x281: {  	v1 =	vadd.f32 v2, v1;
	v2 =	vld [tilespmem:s31+$0xFFFFFEE0]  }
0x282: {  	v0 =	vadd.f32 v3, v0;
	v3 =	vld [tilespmem:s31+$0xFFFFFEF0]  }
0x283: {  	v1 =	vadd.f32 v4, v1;
	v4 =	vld [tilespmem:s31+$0xFFFFFF00]  }
0x284: {  	v0 =	vadd.f32 v5, v0;
	v5 =	vld [tilespmem:s31+$0xFFFFFF10]  }
0x285: {  	v1 =	vadd.f32 v6, v1;
	v6 =	vld [tilespmem:s31+$0xFFFFFF20]  }
0x286: {  	v0 =	vadd.f32 v2, v0;
	v2 =	vld [tilespmem:s31+$0xFFFFFF30]  }
0x287: {  	v1 =	vadd.f32 v3, v1;
	v3 =	vld [tilespmem:s31+$0xFFFFFF40]  }
0x288: {  	v0 =	vadd.f32 v4, v0;
	v4 =	vld [tilespmem:s31+$0xFFFFFF50]  }
0x289: {  	v1 =	vadd.f32 v5, v1;
	v5 =	vld [tilespmem:s31+$0xFFFFFF60]  }
0x28a: {  	v0 =	vadd.f32 v6, v0;
	v6 =	vld [tilespmem:s31+$0xFFFFFF70]  }
0x28b: {  	v1 =	vadd.f32 v2, v1;
	v2 =	vld [tilespmem:s31+$0xFFFFFF80]  }
0x28c: {  	v0 =	vadd.f32 v3, v0;
	v3 =	vld [tilespmem:s31+$0xFFFFFF90]  }
0x28d: {  	v1 =	vadd.f32 v4, v1;
	v4 =	vld [tilespmem:s31+$0xFFFFFFA0]  }
0x28e: {  	v0 =	vadd.f32 v5, v0;
	v5 =	vld [tilespmem:s31+$0xFFFFFFB0]  }
0x28f: {  	v1 =	vadd.f32 v6, v1;
	v6 =	vld [tilespmem:s31+$0xFFFFFFC0]  }
0x290: {  	v0 =	vadd.f32 v2, v0;
	v2 =	vld [tilespmem:s31+$0xFFFFFFD0]  }
0x291: {  	v1 =	vadd.f32 v3, v1;
	v3 =	vld [tilespmem:s31+$0xFFFFFFE0]  }
0x292: {  	v0 =	vadd.f32 v4, v0;
	v4 =	vld [tilespmem:s31+$0xFFFFFFF0]  }
0x293: {  	v1 =	vadd.f32 v5, v1;
	v5 =	vld [tilespmem:s31+$0x0]  }
0x294: {  	v0 =	vadd.f32 v6, v0;
	v6 =	vld [tilespmem:s31+$0x10]  }
0x295: {  	v1 =	vadd.f32 v2, v1;
	v2 =	vld [tilespmem:s31+$0x20]  }
0x296: {  	v0 =	vadd.f32 v3, v0;
	v3 =	vld [tilespmem:s31+$0x30]  }
0x297: {  	v1 =	vadd.f32 v4, v1;
	v4 =	vld [tilespmem:s31+$0x40]  }
0x298: {  	v0 =	vadd.f32 v5, v0;
	v5 =	vld [tilespmem:s31+$0x50]  }
0x299: {  	v1 =	vadd.f32 v6, v1;
	v6 =	vld [tilespmem:s31+$0x60]  }
0x29a: {  	v0 =	vadd.f32 v2, v0;
	v2 =	vld [tilespmem:s31+$0x70]  }
0x29b: {  	v1 =	vadd.f32 v3, v1;
	v3 =	vld [tilespmem:s31+$0x80]  }
0x29c: {  	v0 =	vadd.f32 v4, v0;
	v4 =	vld [tilespmem:s31+$0x90]  }
0x29d: {  	v1 =	vadd.f32 v5, v1;
	v5 =	vld [tilespmem:s31+$0xA0]  }
0x29e: {  	v0 =	vadd.f32 v6, v0;
	v6 =	vld [tilespmem:s31+$0xB0]  }
0x29f: {  	v1 =	vadd.f32 v2, v1;
	v2 =	vld [tilespmem:s31+$0xC0]  }
0x2a0: {  	v0 =	vadd.f32 v3, v0;
	v3 =	vld [tilespmem:s31+$0xD0]  }
0x2a1: {  	v1 =	vadd.f32 v4, v1;
	v4 =	vld [tilespmem:s31+$0xE0]  }
0x2a2: {  	v0 =	vadd.f32 v5, v0;
	v5 =	vld [tilespmem:s31+$0xF0]  }
0x2a3: {  	v1 =	vadd.f32 v6, v1;
	v6 =	vld [tilespmem:s31+$0x100]  }
0x2a4: {  	v0 =	vadd.f32 v2, v0;
	v2 =	vld [tilespmem:s31+$0x110]  }
0x2a5: {  	v1 =	vadd.f32 v3, v1;
	v3 =	vld [tilespmem:s31+$0x120]  }
0x2a6: {  	v0 =	vadd.f32 v4, v0;
	v4 =	vld [tilespmem:s31+$0x130]  }
0x2a7: {  	v1 =	vadd.f32 v5, v1;
	v5 =	vld [tilespmem:s31+$0x140]  }
0x2a8: {  	v0 =	vadd.f32 v6, v0;
	v6 =	vld [tilespmem:s31+$0x150]  }
0x2a9: {  	v1 =	vadd.f32 v2, v1;
	v2 =	vld [tilespmem:s31+$0x160]  }
0x2aa: {  	v0 =	vadd.f32 v3, v0;
	v3 =	vld [tilespmem:s31+$0x170]  }
0x2ab: {  	v1 =	vadd.f32 v4, v1;
	v4 =	vld [tilespmem:s31+$0x180]  }
0x2ac: {  	v0 =	vadd.f32 v5, v0;
	v5 =	vld [tilespmem:s31+$0x190]  }
0x2ad: {  	v1 =	vadd.f32 v6, v1;
	v6 =	vld [tilespmem:s31+$0x1A0]  }
0x2ae: {  	v0 =	vadd.f32 v2, v0;
	v2 =	vld [tilespmem:s31+$0x1B0]  }
0x2af: {  	v1 =	vadd.f32 v3, v1;
	v3 =	vld [tilespmem:s31+$0x1C0]  }
0x2b0: {  	v0 =	vadd.f32 v4, v0;
	v4 =	vld [tilespmem:s31+$0x1D0]  }
0x2b1: {  	v1 =	vadd.f32 v5, v1;
	v5 =	vld [tilespmem:s31+$0x1E0]  }
0x2b2: {  	v0 =	vadd.f32 v6, v0;
	v6 =	vld [tilespmem:s31+$0x1F0]  }
0x2b3: {  	v1 =	vadd.f32 v2, v1;
	v2 =	vld [tilespmem:s31+$0x200]  }
0x2b4: {  	v0 =	vadd.f32 v3, v0;
	v3 =	vld [tilespmem:s31+$0x210]  }
0x2b5: {  	v1 =	vadd.f32 v4, v1;
	v4 =	vld [tilespmem:s31+$0x220]  }
0x2b6: {  	v0 =	vadd.f32 v5, v0;
	v5 =	vld [tilespmem:s31+$0x230]  }
0x2b7: {  	v1 =	vadd.f32 v6, v1;
	v6 =	vld [tilespmem:s31+$0x240]  }
0x2b8: {  	v0 =	vadd.f32 v2, v0;
	v2 =	vld [tilespmem:s31+$0x250]  }
0x2b9: {  	v1 =	vadd.f32 v3, v1;
	v3 =	vld [tilespmem:s31+$0x260]  }
0x2ba: {  	v0 =	vadd.f32 v4, v0;
	v4 =	vld [tilespmem:s31+$0x270]  }
0x2bb: {  	v1 =	vadd.f32 v5, v1;
	v5 =	vld [tilespmem:s31+$0x280]  }
0x2bc: {  	v0 =	vadd.f32 v6, v0;
	v6 =	vld [tilespmem:s31+$0x290]  }
0x2bd: {  	v1 =	vadd.f32 v2, v1;
	v2 =	vld [tilespmem:s31+$0x2A0]  }
0x2be: {  	v0 =	vadd.f32 v3, v0;
	v3 =	vld [tilespmem:s31+$0x2B0]  }
0x2bf: {  	v1 =	vadd.f32 v4, v1;
	v4 =	vld [tilespmem:s31+$0x2C0]  }
0x2c0: {  	v0 =	vadd.f32 v5, v0;
	v5 =	vld [tilespmem:s31+$0x2D0]  }
0x2c1: {  	v1 =	vadd.f32 v6, v1;
	v6 =	vld [tilespmem:s31+$0x2E0]  }
0x2c2: {  	v0 =	vadd.f32 v2, v0;
	v2 =	vld [tilespmem:s31+$0x2F0]  }
0x2c3: {  	v1 =	vadd.f32 v3, v1;
	v3 =	vld [tilespmem:s31+$0x300]  }
0x2c4: {  	v0 =	vadd.f32 v4, v0;
	v4 =	vld [tilespmem:s31+$0x310]  }
0x2c5: {  	v1 =	vadd.f32 v5, v1  }
0x2c6: {  	v0 =	vadd.f32 v6, v0  }
0x2c7: {  	v1 =	vadd.f32 v2, v1  }
.Ltmp2:
0x2c8: {  	v0 =	vadd.f32 v3, v0;
	(pc) =	sbr.rel @p0 .LBB2_7-.Ltmp2, $4  }
0x2c9: {  	v1 =	vadd.f32 v4, v1  }
0x2ca: {  	v2 =	vmul.f32 $1.999999960e-02, v0  }
0x2cb: {  	s1 =	sshra.s32 s1, $0x2;
	v0 =	vmul.f32 $1.999999960e-02, v1  }
0x2cc: {  	[tilespmem:s1+$0x19C80] =	vst v2  }
0x2cd: {  	s8 =	sadd.s32 $0x1, s8  }
0x2ce: {  	s0 =	sshll.u32 s30, $0x7;
	p0 =	sne.s32 s8, $0x8  }
.Ltmp3:
0x2cf: {  	[tilespmem:s1+$0x19C90] =	vst v0;
	s0 =	sadd.s32 s0, s7;
	(pc) =	sbr.rel @p0 .LBB2_2-.Ltmp3, $4  }
0x2d0: {  	[hbm4b:s0+s3] =	stream.linear.scatter [tilespmem:s24], [sflag:$0x5], $0x400, $0x38;
	[tilespmem:$0x1A080] =	vst v63  }
0x2d1: {  	_ =	swait.ge [sflag:s25], $0x400  }
0x2d2: {  	[sflag:s25] =	ssyncset.done $0x0  }
0x2d3: {  	[sflag:s25] =	ssyncadd.s32 $0xFFFFFC00  }
0x2d4: {  	s1 =	rddreg [dreg:$0x6]  }
0x2d5: {  	s0 =	rddreg [dreg:$0x5];
	s1 =	sadd.s32 $0x1, s1  }
0x2d6: {  	p0 =	sne.s32 s1, s0  }
.Ltmp4:
0x2d7: {  	_ = 	snop;
	(pc) =	sbr.rel @p0 .LBB2_1-.Ltmp4, $1  }
0x2d8: {  	_ =	sdelay $0x3  }
0x2d9: {  	_ =	sfence.sel $0x180000  }
0x2da: {  	[bflag:$0x0] =	sbarrier.arrive $0xFFFF  }
0x2db: {  	_ =	strace $0x90000047  }
0x2dc: {  	s0 =	stileid.u32;
	[bflag:$0x2] =	sbarrier.arrive $0xFFFF  }
0x2dd: {  	p0 =	sne.s32 s0, $0x0;
	s0 =	rddreg [dreg:$0x2]  }
0x2de: {  	s0 =	sadd.s32 @!p0 $0x100000, s0  }
0x2df: {  	[sflag:s0] =	ssyncadd.tile.s32 @!p0 $0x1;
	_ =	shalt  }
.Lfunc_end2:
_tile_overlayer_lowered:
.L_overlay_start_2:
0x2e0: {  	(tag) =	ssettag $0x2  }
0x2e1: {  	s0 =	rddreg [dreg:$0x0];
	s2 =	stileid.u32  }
0x2e2: {  	s1 =	rddreg [dreg:$0x1];
	p0 =	sne.s32 s2, $0x0  }
0x2e3: {  	s3 =	rddreg [dreg:$0x2];
	[bflag:$0x3] =	sbarrier.arrive $0xFFFF;
	s2 =	simm.s32 @!p0 $0x1C05  }
0x2e4: {  	[timem:s3], [sflag:s2] =	dma.local @!p0 [hbm:s0], s1  }
0x2e5: {  	s0 =	simm.s32 @!p0 $0x5  }
0x2e6: {  	_ =	swait.ge @!p0 [sflag:s0], s1  }
0x2e7: {  	s1 =	ssub.s32 @!p0 $0x0, s1;
	[sflag:s0] =	ssyncset.done @!p0 $0x0  }
0x2e8: {  	[sflag:s0] =	ssyncadd.s32 @!p0 s1  }
0x2e9: {  	[bflag:$0x3] =	sbarrier.arrive $0xFFFF  }
0x2ea: {  	_ =	shalt  }

</sc_bundles>
